<compile_context>
chip_gen: v7x
topology: tpu7x:2x2x1
jax: 0.10.2.dev20260603
libtpu: 0.0.44.dev20260713+nightly
codegen_flags: <defaults>
</compile_context>

<pallas_src>
import functools

import jax
import jax.numpy as jnp
from jax import lax
from jax.experimental import pallas as pl
from jax.experimental.pallas import tpu as pltpu
from jax.experimental.pallas import tpu_sc as plsc

D = 768
H = 150
LMAX = 10
SL = 256
NSENT = 4
T = SL * NSENT
SPANS_PER_SENT = sum(SL - l + 1 for l in range(1, LMAX + 1))
S = NSENT * SPANS_PER_SENT


_CH = 64
_NCHUNK = S // _CH
_TAIL = S - _NCHUNK * _CH
_NW = 32
_KMAX = (_NCHUNK + _NW - 1) // _NW


def _sc_gather_body(starts_hbm, ends_hbm, emb_hbm, g_hbm,
                    idxs_v, idxe_v, bufs_v, bufe_v, sem_s, sem_e):
    c = lax.axis_index("c")
    s = lax.axis_index("s")
    wid = s * 2 + c

    def chunk(k, carry):
        i = wid + _NW * k

        @pl.when(i < _NCHUNK)
        def _():
            pltpu.sync_copy(starts_hbm.at[pl.ds(i * _CH, _CH)], idxs_v)
            pltpu.sync_copy(ends_hbm.at[pl.ds(i * _CH, _CH)], idxe_v)
            cp_s = pltpu.make_async_copy(emb_hbm.at[idxs_v], bufs_v, sem_s)
            cp_e = pltpu.make_async_copy(emb_hbm.at[idxe_v], bufe_v, sem_e)
            cp_s.start()
            cp_e.start()
            cp_s.wait()
            cp_e.wait()
            row = i * _CH
            pltpu.sync_copy(bufs_v, g_hbm.at[pl.ds(row, _CH), pl.ds(0, D)])
            pltpu.sync_copy(bufe_v, g_hbm.at[pl.ds(row, _CH), pl.ds(D, D)])

        return carry

    lax.fori_loop(0, _KMAX, chunk, 0)


@functools.cache
def _sc_gather():
    return functools.partial(
        pl.kernel,
        out_type=jax.ShapeDtypeStruct((S, 3 * D), jnp.float32),
        mesh=plsc.VectorSubcoreMesh(core_axis_name="c", subcore_axis_name="s",
                                    num_cores=2, num_subcores=16),
        scratch_types=[
            pltpu.VMEM((_CH,), jnp.int32),
            pltpu.VMEM((_CH,), jnp.int32),
            pltpu.VMEM((_CH, D), jnp.float32),
            pltpu.VMEM((_CH, D), jnp.float32),
            pltpu.SemaphoreType.DMA,
            pltpu.SemaphoreType.DMA,
        ],
    )(_sc_gather_body)



def _tc_pre_body(emb_ref, wa1_ref, ba1_ref, wa2_ref, ba2_ref, wm1_ref,
                 attn_ref, attnr_ref, p1_ref, p2_ref, p3_ref):
    emb = emb_ref[...]
    x1 = jnp.maximum(
        jnp.dot(emb, wa1_ref[...], precision=lax.Precision.HIGHEST)
        + ba1_ref[...], 0.0)
    attns = (jnp.dot(x1, wa2_ref[...], precision=lax.Precision.HIGHEST)
             + ba2_ref[...])
    attn_ref[...] = attns
    attnr_ref[...] = attns.T
    p1_ref[...] = jnp.dot(emb, wm1_ref[0:D, :],
                          precision=lax.Precision.HIGHEST)
    p2_ref[...] = jnp.dot(emb, wm1_ref[D:2 * D, :],
                          precision=lax.Precision.HIGHEST)
    p3_ref[...] = jnp.dot(emb, wm1_ref[2 * D:3 * D, :],
                          precision=lax.Precision.HIGHEST)



def _off_in_sent(l):
    return (l - 1) * (SL + 1) - (l - 1) * l // 2


_RCHUNK = 512


def _tc_main_body(g_in_ref, emb_ref, attn_ref, attnr_ref, p1_ref, p2_ref,
                  p3_ref, wm2_ref, bm1_ref, bm2_ref, g_out_ref, sc_out_ref,
                  band_ref, hs_ref):
    del g_in_ref
    jj = pl.program_id(0)

    @pl.when(jj == 0)
    def _():
        bm1 = bm1_ref[...]
        wm2 = wm2_ref[...]
        bm2 = bm2_ref[...]
        dmat = (lax.broadcasted_iota(jnp.int32, (SL, SL), 1)
                - lax.broadcasted_iota(jnp.int32, (SL, SL), 0))
        for s in range(NSENT):
            A = attn_ref[s * SL:(s + 1) * SL, :]
            P1 = p1_ref[s * SL:(s + 1) * SL, :]
            P2 = p2_ref[s * SL:(s + 1) * SL, :]
            P3 = p3_ref[s * SL:(s + 1) * SL, :]
            u_col = jnp.exp(A)
            u_row = jnp.exp(attnr_ref[0:1, s * SL:(s + 1) * SL])
            den = u_col
            for l in range(1, LMAX + 1):
                R = SL - l + 1
                off = _off_in_sent(l)
                if l > 1:
                    den = den[0:R, :] + u_col[l - 1:l - 1 + R, :]
                d = dmat[0:R, :]
                win = (d >= 0) & (d < l)
                band = jnp.where(win, u_row * (1.0 / den), 0.0)
                band_ref[s, pl.ds(off, R), :] = band
                hs_ref[pl.ds(off, R), :] = (P1[0:R, :]
                                            + P2[l - 1:l - 1 + R, :])

            for c0 in range(0, SPANS_PER_SENT, _RCHUNK):
                n = min(_RCHUNK, SPANS_PER_SENT - c0)
                h = (hs_ref[pl.ds(c0, n), :]
                     + jnp.dot(band_ref[s, pl.ds(c0, n), :], P3,
                               precision=lax.Precision.HIGHEST) + bm1)
                hr = jnp.maximum(h, 0.0)
                sc_out_ref[pl.ds(s * SPANS_PER_SENT + c0, n), :] = (
                    jnp.dot(hr, wm2, precision=lax.Precision.HIGHEST) + bm2)

    for s in range(NSENT):
        E_half = emb_ref[s * SL:(s + 1) * SL, :]
        for c0 in range(0, SPANS_PER_SENT, _RCHUNK):
            n = min(_RCHUNK, SPANS_PER_SENT - c0)
            g_out_ref[pl.ds(s * SPANS_PER_SENT + c0, n), :] = jnp.dot(
                band_ref[s, pl.ds(c0, n), :], E_half,
                precision=lax.Precision.HIGHEST)



_TB = 16
_TROW = (S // _TB) * _TB
_TTOK = (NSENT - 1) * SL + (_TROW - (NSENT - 1) * SPANS_PER_SENT
                            - _off_in_sent(LMAX))


_TWIN = (_TTOK // 8) * 8


def _tc_tail_body(g_in_ref, emb_ref, g_out_ref):
    del g_in_ref
    j = pl.program_id(0)
    win = emb_ref[pl.ds(_TWIN, 32), :]
    st = win[_TTOK - _TWIN:_TTOK - _TWIN + _TB, :]
    en = win[_TTOK - _TWIN + LMAX - 1:_TTOK - _TWIN + LMAX - 1 + _TB, :]
    g_out_ref[...] = jnp.where(j == 0, st, en)


def kernel(embeds, span_starts, span_ends, span_lens,
           W_a1, b_a1, W_a2, b_a2, W_m1, b_m1, W_m2, b_m2):
    del span_lens

    f32 = jnp.float32
    starts = span_starts.astype(jnp.int32)
    ends = span_ends.astype(jnp.int32)

    g0 = _sc_gather()(starts, ends, embeds)

    attns, attns_row, p1, p2, p3 = pl.pallas_call(
        _tc_pre_body,
        out_shape=[
            jax.ShapeDtypeStruct((T, 1), f32),
            jax.ShapeDtypeStruct((1, T), f32),
            jax.ShapeDtypeStruct((T, H), f32),
            jax.ShapeDtypeStruct((T, H), f32),
            jax.ShapeDtypeStruct((T, H), f32),
        ],
    )(embeds, W_a1, b_a1.reshape(1, H), W_a2, b_a2.reshape(1, 1), W_m1)

    g_i, scores = pl.pallas_call(
        _tc_main_body,
        grid=(2,),
        in_specs=[
            pl.BlockSpec(memory_space=pltpu.MemorySpace.HBM),
            pl.BlockSpec((T, D // 2), lambda i: (0, i)),
            pl.BlockSpec((T, 1), lambda i: (0, 0)),
            pl.BlockSpec((1, T), lambda i: (0, 0)),
            pl.BlockSpec((T, H), lambda i: (0, 0)),
            pl.BlockSpec((T, H), lambda i: (0, 0)),
            pl.BlockSpec((T, H), lambda i: (0, 0)),
            pl.BlockSpec((H, 1), lambda i: (0, 0)),
            pl.BlockSpec((1, H), lambda i: (0, 0)),
            pl.BlockSpec((1, 1), lambda i: (0, 0)),
        ],
        out_specs=[
            pl.BlockSpec((S, D // 2), lambda i: (0, 4 + i)),
            pl.BlockSpec((S, 1), lambda i: (0, 0)),
        ],
        out_shape=[
            jax.ShapeDtypeStruct((S, 3 * D), f32),
            jax.ShapeDtypeStruct((S, 1), f32),
        ],
        scratch_shapes=[
            pltpu.VMEM((NSENT, SPANS_PER_SENT, SL), f32),
            pltpu.VMEM((SPANS_PER_SENT, H), f32),
        ],
        input_output_aliases={0: 0},
        compiler_params=pltpu.CompilerParams(
            vmem_limit_bytes=100 * 1024 * 1024),
    )(g0, embeds, attns, attns_row, p1, p2, p3, W_m2,
      b_m1.reshape(1, H), b_m2.reshape(1, 1))

    emb_pad = jnp.pad(embeds, ((0, 8), (0, 0)))
    g_i = pl.pallas_call(
        _tc_tail_body,
        grid=(2,),
        in_specs=[
            pl.BlockSpec(memory_space=pltpu.MemorySpace.HBM),
            pl.BlockSpec((T + 8, D), lambda j: (0, 0)),
        ],
        out_specs=pl.BlockSpec((_TB, D), lambda j: (_TROW // _TB, j)),
        out_shape=jax.ShapeDtypeStruct((S, 3 * D), f32),
        input_output_aliases={0: 0},
    )(g_i, emb_pad)

    return g_i, scores

# --- scband reference (transcript-rebuilt; emitter-appended) ---
"""Pipeline reference for scband-mention-scorer-gap-2482491097282 (READ-ONLY COPY).

The authoritative reference and input builder live on the scoring server;
editing this copy changes nothing except your own understanding.
"""

import jax, jax.numpy as jnp
import numpy as np

D = 768
H = 150
LMAX = 10
T = 1024
SENT_LENS = [256, 256, 256, 256]


def _compute_idx_spans(sent_lens, Lmax):
    starts, ends = [], []
    off = 0
    for sl in sent_lens:
        for l in range(1, Lmax + 1):
            for i1 in range(off, off + sl - l + 1):
                starts.append(i1)
                ends.append(i1 + l - 1)
        off += sl
    return np.asarray(starts, dtype=np.int32), np.asarray(ends, dtype=np.int32)


def setup_inputs(seed: int = 0) -> dict:
    key = jax.random.key(seed)
    ks = jax.random.split(key, 8)
    starts_np, ends_np = _compute_idx_spans(SENT_LENS, LMAX)
    span_starts = jnp.asarray(starts_np)
    span_ends = jnp.asarray(ends_np)
    span_lens = span_ends - span_starts + 1
    embeds = jax.random.normal(ks[0], (T, D), dtype=jnp.float32)
    W_a1 = jax.random.normal(ks[1], (D, H), dtype=jnp.float32) * 0.02
    b_a1 = jnp.zeros((H,), dtype=jnp.float32)
    W_a2 = jax.random.normal(ks[2], (H, 1), dtype=jnp.float32) * 0.02
    b_a2 = jnp.zeros((1,), dtype=jnp.float32)
    W_m1 = jax.random.normal(ks[3], (3 * D, H), dtype=jnp.float32) * 0.02
    b_m1 = jnp.zeros((H,), dtype=jnp.float32)
    W_m2 = jax.random.normal(ks[4], (H, 1), dtype=jnp.float32) * 0.02
    b_m2 = jnp.zeros((1,), dtype=jnp.float32)
    return {
        'embeds': embeds,
        'span_starts': span_starts,
        'span_ends': span_ends,
        'span_lens': span_lens,
        'W_a1': W_a1, 'b_a1': b_a1, 'W_a2': W_a2, 'b_a2': b_a2,
        'W_m1': W_m1, 'b_m1': b_m1, 'W_m2': W_m2, 'b_m2': b_m2,
    }


def reference(embeds, span_starts, span_ends, span_lens,
              W_a1, b_a1, W_a2, b_a2, W_m1, b_m1, W_m2, b_m2):
    # attention_scorer: Score(input_dim) = Linear -> ReLU -> (Dropout eval) -> Linear
    attns = jnp.maximum(embeds @ W_a1 + b_a1, 0.0) @ W_a2 + b_a2  # [T, 1]
    offs = jnp.arange(LMAX, dtype=span_starts.dtype)
    idx = span_starts[:, None] + offs[None, :]                    # [S, LMAX]
    mask = offs[None, :] < span_lens[:, None]                     # [S, LMAX]
    idx = jnp.clip(idx, 0, embeds.shape[0] - 1)
    # pad_and_stack of per-span slices == masked gather
    padded_embeds = embeds[idx]                                   # [S, LMAX, D]
    padded_attns = jnp.where(mask, attns[idx][..., 0], -1e10)     # [S, LMAX]
    attn_weights = jax.nn.softmax(padded_attns, axis=1)
    attn_embeds = jnp.sum(padded_embeds * attn_weights[..., None], axis=1)  # [S, D]
    start_end = jnp.concatenate([embeds[span_starts], embeds[span_ends]], axis=1)  # [S, 2D]
    g_i = jnp.concatenate([start_end, attn_embeds], axis=1)       # [S, 3D]
    mention_scores = jnp.maximum(g_i @ W_m1 + b_m1, 0.0) @ W_m2 + b_m2  # [S, 1]
    return g_i, mention_scores

if __name__ == "__main__":
    import jax
    _d = setup_inputs()
    print(jax.jit(kernel)(*tuple(_d.values())))

</pallas_src>

<mosaic_0001>
#map = affine_map<(d0, d1) -> (0)>
#map1 = affine_map<(d0, d1) -> (0, 0)>
module attributes {stable_mosaic.version = 14 : i64} {
  func.func @_sc_gather_body(%arg0: i32, %arg1: i32, %arg2: memref<10060xi32, #tpu.memory_space<hbm>>, %arg3: memref<10060xi32, #tpu.memory_space<hbm>>, %arg4: memref<1024x768xf32, #tpu.memory_space<hbm>>, %arg5: memref<10060x2304xf32, #tpu.memory_space<hbm>>, %arg6: memref<64xi32, #tpu.memory_space<vmem>>, %arg7: memref<64xi32, #tpu.memory_space<vmem>>, %arg8: memref<64x768xf32, #tpu.memory_space<vmem>>, %arg9: memref<64x768xf32, #tpu.memory_space<vmem>>, %arg10: memref<!tpu.dma_semaphore, #tpu.memory_space<semaphore_mem>>, %arg11: memref<!tpu.dma_semaphore, #tpu.memory_space<semaphore_mem>>) attributes {dimension_semantics = [#tpu.dimension_semantics<core_parallel>, #tpu.dimension_semantics<subcore_parallel>], iteration_bounds = array<i64: 2, 16>, scalar_prefetch = 0 : i64, scratch_operands = 6 : i64, tpu.core_type = #tpu.core_type<sc_vector_subcore>, window_params = [{transform_indices = #map}, {transform_indices = #map}, {transform_indices = #map1}, {transform_indices = #map1}]} {
    %mul3A = arith.constant 2 : i32
    %mul3A_0 = arith.muli %arg1, %mul3A : i32
    %add3A = arith.addi %mul3A_0, %arg0 : i32
    %scan3A = arith.constant 0 : i32
    %scan3A_1 = arith.constant 0 : i32
    %scan3A_2 = arith.constant 5 : i32
    %scan3A_3 = arith.addi %scan3A_1, %scan3A_2 : i32
    %scan3A_4 = arith.constant 1 : i32
    scf.for %scan3A_6 = %scan3A_1 to %scan3A_3 step %scan3A_4  : i32 {
      %mul3A_7 = arith.constant 32 : i32
      %mul3A_8 = arith.muli %mul3A_7, %scan3A_6 : i32
      %add3A_9 = arith.addi %add3A, %mul3A_8 : i32
      %lt3A = arith.constant 157 : i32
      %lt3A_10 = arith.cmpi slt, %add3A_9, %lt3A : i32
      %convert_element_type3A = arith.extui %lt3A_10 : i1 to i32
      %cond3A = arith.constant 0 : i32
      %cond3A_11 = arith.cmpi ne, %convert_element_type3A, %cond3A : i32
      scf.if %cond3A_11 {
        %mul3A_12 = arith.constant 64 : i32
        %mul3A_13 = arith.muli %add3A_9, %mul3A_12 : i32
        "tpu.region"() ({
          %run_scoped3A = tpu.sem_alloc : memref<!tpu.dma_semaphore, #tpu.memory_space<semaphore_mem>>
          %dma_start3A_28 = tpu.memref_slice %arg2[%mul3A_13] : memref<10060xi32, #tpu.memory_space<hbm>> -> memref<64xi32, #tpu.memory_space<hbm>>
          %dma_start3A_29 = tpu.memref_slice %arg2[%mul3A_13] : memref<10060xi32, #tpu.memory_space<hbm>> -> memref<64xi32, #tpu.memory_space<hbm>>
          tpu.enqueue_dma source(%dma_start3A_29 : memref<64xi32, #tpu.memory_space<hbm>>) target(%arg6 : memref<64xi32, #tpu.memory_space<vmem>>) target_semaphore(%run_scoped3A : memref<!tpu.dma_semaphore, #tpu.memory_space<semaphore_mem>>)
          %dma_wait3A_30 = tpu.memref_slice %arg2[%mul3A_13] : memref<10060xi32, #tpu.memory_space<hbm>> -> memref<64xi32, #tpu.memory_space<hbm>>
          %dma_wait3A_31 = tpu.memref_slice %arg2[%mul3A_13] : memref<10060xi32, #tpu.memory_space<hbm>> -> memref<64xi32, #tpu.memory_space<hbm>>
          tpu.wait_dma2 semaphore(%run_scoped3A : memref<!tpu.dma_semaphore, #tpu.memory_space<semaphore_mem>>) src(%dma_wait3A_31 : memref<64xi32, #tpu.memory_space<hbm>>) dst(%arg6 : memref<64xi32, #tpu.memory_space<vmem>>)
          tpu.yield
        }) : () -> ()
        %mul3A_14 = arith.constant 64 : i32
        %mul3A_15 = arith.muli %add3A_9, %mul3A_14 : i32
        "tpu.region"() ({
          %run_scoped3A = tpu.sem_alloc : memref<!tpu.dma_semaphore, #tpu.memory_space<semaphore_mem>>
          %dma_start3A_28 = tpu.memref_slice %arg3[%mul3A_15] : memref<10060xi32, #tpu.memory_space<hbm>> -> memref<64xi32, #tpu.memory_space<hbm>>
          %dma_start3A_29 = tpu.memref_slice %arg3[%mul3A_15] : memref<10060xi32, #tpu.memory_space<hbm>> -> memref<64xi32, #tpu.memory_space<hbm>>
          tpu.enqueue_dma source(%dma_start3A_29 : memref<64xi32, #tpu.memory_space<hbm>>) target(%arg7 : memref<64xi32, #tpu.memory_space<vmem>>) target_semaphore(%run_scoped3A : memref<!tpu.dma_semaphore, #tpu.memory_space<semaphore_mem>>)
          %dma_wait3A_30 = tpu.memref_slice %arg3[%mul3A_15] : memref<10060xi32, #tpu.memory_space<hbm>> -> memref<64xi32, #tpu.memory_space<hbm>>
          %dma_wait3A_31 = tpu.memref_slice %arg3[%mul3A_15] : memref<10060xi32, #tpu.memory_space<hbm>> -> memref<64xi32, #tpu.memory_space<hbm>>
          tpu.wait_dma2 semaphore(%run_scoped3A : memref<!tpu.dma_semaphore, #tpu.memory_space<semaphore_mem>>) src(%dma_wait3A_31 : memref<64xi32, #tpu.memory_space<hbm>>) dst(%arg7 : memref<64xi32, #tpu.memory_space<vmem>>)
          tpu.yield
        }) : () -> ()
        %dma_start3A = arith.constant 0 : i32
        %dma_start3A_16 = arith.constant 0 : i32
        %dma_start3A_17 = tpu.memref_slice %arg4[%dma_start3A, %dma_start3A_16] : memref<1024x768xf32, #tpu.memory_space<hbm>> -> memref<1024x768xf32, #tpu.memory_space<hbm>>
        tpu.enqueue_indirect_dma source(%dma_start3A_17 : memref<1024x768xf32, #tpu.memory_space<hbm>>) target(%arg8 : memref<64x768xf32, #tpu.memory_space<vmem>>) offsets(%arg6 : memref<64xi32, #tpu.memory_space<vmem>>) semaphore(%arg10 : memref<!tpu.dma_semaphore, #tpu.memory_space<semaphore_mem>>)
        %dma_start3A_18 = arith.constant 0 : i32
        %dma_start3A_19 = arith.constant 0 : i32
        %dma_start3A_20 = tpu.memref_slice %arg4[%dma_start3A_18, %dma_start3A_19] : memref<1024x768xf32, #tpu.memory_space<hbm>> -> memref<1024x768xf32, #tpu.memory_space<hbm>>
        tpu.enqueue_indirect_dma source(%dma_start3A_20 : memref<1024x768xf32, #tpu.memory_space<hbm>>) target(%arg9 : memref<64x768xf32, #tpu.memory_space<vmem>>) offsets(%arg7 : memref<64xi32, #tpu.memory_space<vmem>>) semaphore(%arg11 : memref<!tpu.dma_semaphore, #tpu.memory_space<semaphore_mem>>)
        %dma_wait3A = arith.constant 0 : i32
        %dma_wait3A_21 = arith.constant 0 : i32
        %dma_wait3A_22 = tpu.memref_slice %arg4[%dma_wait3A, %dma_wait3A_21] : memref<1024x768xf32, #tpu.memory_space<hbm>> -> memref<1024x768xf32, #tpu.memory_space<hbm>>
        tpu.wait_indirect_dma semaphore(%arg10 : memref<!tpu.dma_semaphore, #tpu.memory_space<semaphore_mem>>) src(%dma_wait3A_22 : memref<1024x768xf32, #tpu.memory_space<hbm>>) dst(%arg8 : memref<64x768xf32, #tpu.memory_space<vmem>>)
        %dma_wait3A_23 = arith.constant 0 : i32
        %dma_wait3A_24 = arith.constant 0 : i32
        %dma_wait3A_25 = tpu.memref_slice %arg4[%dma_wait3A_23, %dma_wait3A_24] : memref<1024x768xf32, #tpu.memory_space<hbm>> -> memref<1024x768xf32, #tpu.memory_space<hbm>>
        tpu.wait_indirect_dma semaphore(%arg11 : memref<!tpu.dma_semaphore, #tpu.memory_space<semaphore_mem>>) src(%dma_wait3A_25 : memref<1024x768xf32, #tpu.memory_space<hbm>>) dst(%arg9 : memref<64x768xf32, #tpu.memory_space<vmem>>)
        %mul3A_26 = arith.constant 64 : i32
        %mul3A_27 = arith.muli %add3A_9, %mul3A_26 : i32
        "tpu.region"() ({
          %run_scoped3A = tpu.sem_alloc : memref<!tpu.dma_semaphore, #tpu.memory_space<semaphore_mem>>
          %dma_start3A_28 = arith.constant 0 : i32
          %dma_start3A_29 = tpu.memref_slice %arg5[%mul3A_27, %dma_start3A_28] : memref<10060x2304xf32, #tpu.memory_space<hbm>> -> memref<64x768xf32, #tpu.memory_space<hbm>>
          %dma_start3A_30 = arith.constant 0 : i32
          %dma_start3A_31 = tpu.memref_slice %arg5[%mul3A_27, %dma_start3A_30] : memref<10060x2304xf32, #tpu.memory_space<hbm>> -> memref<64x768xf32, #tpu.memory_space<hbm>>
          tpu.enqueue_dma source(%arg8 : memref<64x768xf32, #tpu.memory_space<vmem>>) target(%dma_start3A_31 : memref<64x768xf32, #tpu.memory_space<hbm>>) target_semaphore(%run_scoped3A : memref<!tpu.dma_semaphore, #tpu.memory_space<semaphore_mem>>)
          %dma_wait3A_32 = arith.constant 0 : i32
          %dma_wait3A_33 = tpu.memref_slice %arg5[%mul3A_27, %dma_wait3A_32] : memref<10060x2304xf32, #tpu.memory_space<hbm>> -> memref<64x768xf32, #tpu.memory_space<hbm>>
          %dma_wait3A_34 = arith.constant 0 : i32
          %dma_wait3A_35 = tpu.memref_slice %arg5[%mul3A_27, %dma_wait3A_34] : memref<10060x2304xf32, #tpu.memory_space<hbm>> -> memref<64x768xf32, #tpu.memory_space<hbm>>
          tpu.wait_dma2 semaphore(%run_scoped3A : memref<!tpu.dma_semaphore, #tpu.memory_space<semaphore_mem>>) src(%arg8 : memref<64x768xf32, #tpu.memory_space<vmem>>) dst(%dma_wait3A_35 : memref<64x768xf32, #tpu.memory_space<hbm>>)
          tpu.yield
        }) : () -> ()
        "tpu.region"() ({
          %run_scoped3A = tpu.sem_alloc : memref<!tpu.dma_semaphore, #tpu.memory_space<semaphore_mem>>
          %dma_start3A_28 = arith.constant 768 : i32
          %dma_start3A_29 = tpu.memref_slice %arg5[%mul3A_27, %dma_start3A_28] : memref<10060x2304xf32, #tpu.memory_space<hbm>> -> memref<64x768xf32, #tpu.memory_space<hbm>>
          %dma_start3A_30 = arith.constant 768 : i32
          %dma_start3A_31 = tpu.memref_slice %arg5[%mul3A_27, %dma_start3A_30] : memref<10060x2304xf32, #tpu.memory_space<hbm>> -> memref<64x768xf32, #tpu.memory_space<hbm>>
          tpu.enqueue_dma source(%arg9 : memref<64x768xf32, #tpu.memory_space<vmem>>) target(%dma_start3A_31 : memref<64x768xf32, #tpu.memory_space<hbm>>) target_semaphore(%run_scoped3A : memref<!tpu.dma_semaphore, #tpu.memory_space<semaphore_mem>>)
          %dma_wait3A_32 = arith.constant 768 : i32
          %dma_wait3A_33 = tpu.memref_slice %arg5[%mul3A_27, %dma_wait3A_32] : memref<10060x2304xf32, #tpu.memory_space<hbm>> -> memref<64x768xf32, #tpu.memory_space<hbm>>
          %dma_wait3A_34 = arith.constant 768 : i32
          %dma_wait3A_35 = tpu.memref_slice %arg5[%mul3A_27, %dma_wait3A_34] : memref<10060x2304xf32, #tpu.memory_space<hbm>> -> memref<64x768xf32, #tpu.memory_space<hbm>>
          tpu.wait_dma2 semaphore(%run_scoped3A : memref<!tpu.dma_semaphore, #tpu.memory_space<semaphore_mem>>) src(%arg9 : memref<64x768xf32, #tpu.memory_space<vmem>>) dst(%dma_wait3A_35 : memref<64x768xf32, #tpu.memory_space<hbm>>)
          tpu.yield
        }) : () -> ()
      } else {
      }
    }
    %scan3A_5 = arith.constant 5 : i32
    return
  }
}

module attributes {stable_mosaic.version = 14 : i64} {
  func.func @_tc_pre_body(%arg0: memref<1024x768xf32, #tpu.memory_space<vmem>>, %arg1: memref<768x150xf32, #tpu.memory_space<vmem>>, %arg2: memref<1x150xf32, #tpu.memory_space<vmem>>, %arg3: memref<150x1xf32, #tpu.memory_space<vmem>>, %arg4: memref<1x1xf32, #tpu.memory_space<vmem>>, %arg5: memref<2304x150xf32, #tpu.memory_space<vmem>>, %arg6: memref<1024x1xf32, #tpu.memory_space<vmem>>, %arg7: memref<1x1024xf32, #tpu.memory_space<vmem>>, %arg8: memref<1024x150xf32, #tpu.memory_space<vmem>>, %arg9: memref<1024x150xf32, #tpu.memory_space<vmem>>, %arg10: memref<1024x150xf32, #tpu.memory_space<vmem>>) attributes {dimension_semantics = [], scalar_prefetch = 0 : i64, scratch_operands = 0 : i64, tpu.core_type = #tpu.core_type<tc>} {
    %get3A = arith.constant 0 : index
    %get3A_0 = arith.constant 0 : index
    %get3A_1 = vector.load %arg0[%get3A, %get3A_0] : memref<1024x768xf32, #tpu.memory_space<vmem>>, vector<1024x768xf32>
    %get3A_2 = arith.constant 0 : index
    %get3A_3 = arith.constant 0 : index
    %get3A_4 = vector.load %arg1[%get3A_2, %get3A_3] : memref<768x150xf32, #tpu.memory_space<vmem>>, vector<768x150xf32>
    %dot_general3A = arith.constant dense<0.000000e+00> : vector<1024x150xf32>
    %dot_general3A_5 = tpu.matmul %get3A_1, %get3A_4, %dot_general3A {dimension_numbers = #tpu.dot_dimension_numbers<[1], [0], [0], [1], [0, 0, 1, 1], [], []>, precision = #tpu.contract_precision<fp32>, transpose_lhs_hint = false} : vector<1024x768xf32>, vector<768x150xf32>, vector<1024x150xf32> -> vector<1024x150xf32>
    %get3A_6 = arith.constant 0 : index
    %get3A_7 = arith.constant 0 : index
    %get3A_8 = vector.load %arg2[%get3A_6, %get3A_7] : memref<1x150xf32, #tpu.memory_space<vmem>>, vector<1x150xf32>
    %add3A = vector.broadcast %get3A_8 : vector<1x150xf32> to vector<1024x150xf32>
    %add3A_9 = arith.addf %dot_general3A_5, %add3A : vector<1024x150xf32>
    %max3A = arith.constant 0.000000e+00 : f32
    %max3A_10 = vector.broadcast %max3A : f32 to vector<1024x150xf32>
    %max3A_11 = arith.maximumf %add3A_9, %max3A_10 : vector<1024x150xf32>
    %get3A_12 = arith.constant 0 : index
    %get3A_13 = arith.constant 0 : index
    %get3A_14 = vector.load %arg3[%get3A_12, %get3A_13] : memref<150x1xf32, #tpu.memory_space<vmem>>, vector<150x1xf32>
    %dot_general3A_15 = arith.constant dense<0.000000e+00> : vector<1024x1xf32>
    %dot_general3A_16 = tpu.matmul %max3A_11, %get3A_14, %dot_general3A_15 {dimension_numbers = #tpu.dot_dimension_numbers<[1], [0], [0], [1], [0, 0, 1, 1], [], []>, precision = #tpu.contract_precision<fp32>, transpose_lhs_hint = false} : vector<1024x150xf32>, vector<150x1xf32>, vector<1024x1xf32> -> vector<1024x1xf32>
    %get3A_17 = arith.constant 0 : index
    %get3A_18 = arith.constant 0 : index
    %get3A_19 = vector.load %arg4[%get3A_17, %get3A_18] : memref<1x1xf32, #tpu.memory_space<vmem>>, vector<1x1xf32>
    %add3A_20 = vector.broadcast %get3A_19 : vector<1x1xf32> to vector<1024x1xf32>
    %add3A_21 = arith.addf %dot_general3A_16, %add3A_20 : vector<1024x1xf32>
    %swap3A = arith.constant 0 : index
    %swap3A_22 = arith.constant 0 : index
    %swap3A_23 = vector.load %arg6[%swap3A, %swap3A_22] : memref<1024x1xf32, #tpu.memory_space<vmem>>, vector<1024x1xf32>
    tpu.vector_store %arg6[%swap3A, %swap3A_22], %add3A_21 {strides = array<i32>} : memref<1024x1xf32, #tpu.memory_space<vmem>>, vector<1024x1xf32>,
    %transpose3A = tpu.transpose %add3A_21, [1, 0] : vector<1024x1xf32> -> vector<1x1024xf32>
    %swap3A_24 = arith.constant 0 : index
    %swap3A_25 = arith.constant 0 : index
    %swap3A_26 = vector.load %arg7[%swap3A_24, %swap3A_25] : memref<1x1024xf32, #tpu.memory_space<vmem>>, vector<1x1024xf32>
    tpu.vector_store %arg7[%swap3A_24, %swap3A_25], %transpose3A {strides = array<i32>} : memref<1x1024xf32, #tpu.memory_space<vmem>>, vector<1x1024xf32>,
    %get3A_27 = arith.constant 0 : index
    %get3A_28 = arith.constant 0 : index
    %get3A_29 = vector.load %arg5[%get3A_27, %get3A_28] : memref<2304x150xf32, #tpu.memory_space<vmem>>, vector<768x150xf32>
    %dot_general3A_30 = arith.constant dense<0.000000e+00> : vector<1024x150xf32>
    %dot_general3A_31 = tpu.matmul %get3A_1, %get3A_29, %dot_general3A_30 {dimension_numbers = #tpu.dot_dimension_numbers<[1], [0], [0], [1], [0, 0, 1, 1], [], []>, precision = #tpu.contract_precision<fp32>, transpose_lhs_hint = false} : vector<1024x768xf32>, vector<768x150xf32>, vector<1024x150xf32> -> vector<1024x150xf32>
    %swap3A_32 = arith.constant 0 : index
    %swap3A_33 = arith.constant 0 : index
    %swap3A_34 = vector.load %arg8[%swap3A_32, %swap3A_33] : memref<1024x150xf32, #tpu.memory_space<vmem>>, vector<1024x150xf32>
    tpu.vector_store %arg8[%swap3A_32, %swap3A_33], %dot_general3A_31 {strides = array<i32>} : memref<1024x150xf32, #tpu.memory_space<vmem>>, vector<1024x150xf32>,
    %get3A_35 = arith.constant 768 : index
    %get3A_36 = arith.constant 0 : index
    %get3A_37 = vector.load %arg5[%get3A_35, %get3A_36] : memref<2304x150xf32, #tpu.memory_space<vmem>>, vector<768x150xf32>
    %dot_general3A_38 = arith.constant dense<0.000000e+00> : vector<1024x150xf32>
    %dot_general3A_39 = tpu.matmul %get3A_1, %get3A_37, %dot_general3A_38 {dimension_numbers = #tpu.dot_dimension_numbers<[1], [0], [0], [1], [0, 0, 1, 1], [], []>, precision = #tpu.contract_precision<fp32>, transpose_lhs_hint = false} : vector<1024x768xf32>, vector<768x150xf32>, vector<1024x150xf32> -> vector<1024x150xf32>
    %swap3A_40 = arith.constant 0 : index
    %swap3A_41 = arith.constant 0 : index
    %swap3A_42 = vector.load %arg9[%swap3A_40, %swap3A_41] : memref<1024x150xf32, #tpu.memory_space<vmem>>, vector<1024x150xf32>
    tpu.vector_store %arg9[%swap3A_40, %swap3A_41], %dot_general3A_39 {strides = array<i32>} : memref<1024x150xf32, #tpu.memory_space<vmem>>, vector<1024x150xf32>,
    %get3A_43 = arith.constant 1536 : index
    %get3A_44 = arith.constant 0 : index
    %get3A_45 = vector.load %arg5[%get3A_43, %get3A_44] : memref<2304x150xf32, #tpu.memory_space<vmem>>, vector<768x150xf32>
    %dot_general3A_46 = arith.constant dense<0.000000e+00> : vector<1024x150xf32>
    %dot_general3A_47 = tpu.matmul %get3A_1, %get3A_45, %dot_general3A_46 {dimension_numbers = #tpu.dot_dimension_numbers<[1], [0], [0], [1], [0, 0, 1, 1], [], []>, precision = #tpu.contract_precision<fp32>, transpose_lhs_hint = false} : vector<1024x768xf32>, vector<768x150xf32>, vector<1024x150xf32> -> vector<1024x150xf32>
    %swap3A_48 = arith.constant 0 : index
    %swap3A_49 = arith.constant 0 : index
    %swap3A_50 = vector.load %arg10[%swap3A_48, %swap3A_49] : memref<1024x150xf32, #tpu.memory_space<vmem>>, vector<1024x150xf32>
    tpu.vector_store %arg10[%swap3A_48, %swap3A_49], %dot_general3A_47 {strides = array<i32>} : memref<1024x150xf32, #tpu.memory_space<vmem>>, vector<1024x150xf32>,
    return
  }
}

module attributes {stable_mosaic.version = 14 : i64} {
  func.func @_tc_tail_body(%arg0: i32, %arg1: memref<10060x2304xf32, #tpu.memory_space<hbm>>, %arg2: memref<1032x768xf32, #tpu.memory_space<vmem>>, %arg3: memref<16x768xf32, #tpu.memory_space<vmem>>) attributes {dimension_semantics = [#tpu.dimension_semantics<arbitrary>], iteration_bounds = array<i64: 2>, scalar_prefetch = 0 : i64, scratch_operands = 0 : i64, tpu.core_type = #tpu.core_type<tc>, window_params = [{}, {pipeline_mode = #tpu.pipeline_mode<synchronous>, transform_indices = @transform_1, window_bounds = array<i64: 1032, 768>}, {transform_indices = @transform_2, window_bounds = array<i64: 16, 768>}]} {
    %get3A = arith.constant 1000 : index
    %get3A_0 = arith.constant 0 : index
    %get3A_1 = vector.load %arg2[%get3A, %get3A_0] : memref<1032x768xf32, #tpu.memory_space<vmem>>, vector<32x768xf32>
    %slice3A = vector.extract_strided_slice %get3A_1 {offsets = [3, 0], sizes = [16, 768], strides = [1, 1]} : vector<32x768xf32> to vector<16x768xf32>
    %slice3A_2 = vector.extract_strided_slice %get3A_1 {offsets = [12, 0], sizes = [16, 768], strides = [1, 1]} : vector<32x768xf32> to vector<16x768xf32>
    %eq3A = arith.constant 0 : i32
    %eq3A_3 = arith.cmpi eq, %arg0, %eq3A : i32
    %select_n3A = arith.select %eq3A_3, %slice3A, %slice3A_2 : vector<16x768xf32>
    %swap3A = arith.constant 0 : index
    %swap3A_4 = arith.constant 0 : index
    %swap3A_5 = vector.load %arg3[%swap3A, %swap3A_4] : memref<16x768xf32, #tpu.memory_space<vmem>>, vector<16x768xf32>
    tpu.vector_store %arg3[%swap3A, %swap3A_4], %select_n3A {strides = array<i32>} : memref<16x768xf32, #tpu.memory_space<vmem>>, vector<16x768xf32>,
    return
  }
  func.func @transform_1(%arg0: i32) -> (i32, i32) {
    %c0_i32 = arith.constant 0 : i32
    %c0_i32_0 = arith.constant 0 : i32
    %c0_i32_1 = arith.constant 0 : i32
    return %c0_i32, %c0_i32_0 : i32, i32
  }
  func.func @transform_2(%arg0: i32) -> (i32, i32) {
    %c628_i32 = arith.constant 628 : i32
    %c0_i32 = arith.constant 0 : i32
    return %c628_i32, %arg0 : i32, i32
  }
}

module attributes {stable_mosaic.version = 14 : i64} {
  func.func @_tc_main_body(%arg0: i32, %arg1: memref<10060x2304xf32, #tpu.memory_space<hbm>>, %arg2: memref<1024x384xf32, #tpu.memory_space<vmem>>, %arg3: memref<1024x1xf32, #tpu.memory_space<vmem>>, %arg4: memref<1x1024xf32, #tpu.memory_space<vmem>>, %arg5: memref<1024x150xf32, #tpu.memory_space<vmem>>, %arg6: memref<1024x150xf32, #tpu.memory_space<vmem>>, %arg7: memref<1024x150xf32, #tpu.memory_space<vmem>>, %arg8: memref<150x1xf32, #tpu.memory_space<vmem>>, %arg9: memref<1x150xf32, #tpu.memory_space<vmem>>, %arg10: memref<1x1xf32, #tpu.memory_space<vmem>>, %arg11: memref<10060x384xf32, #tpu.memory_space<vmem>>, %arg12: memref<10060x1xf32, #tpu.memory_space<vmem>>, %arg13: memref<4x2515x256xf32, #tpu.memory_space<vmem>>, %arg14: memref<2515x150xf32, #tpu.memory_space<vmem>>) attributes {dimension_semantics = [#tpu.dimension_semantics<arbitrary>], iteration_bounds = array<i64: 2>, scalar_prefetch = 0 : i64, scratch_operands = 2 : i64, tpu.core_type = #tpu.core_type<tc>, window_params = [{}, {transform_indices = @transform_1, window_bounds = array<i64: 1024, 384>}, {pipeline_mode = #tpu.pipeline_mode<synchronous>, transform_indices = @transform_2, window_bounds = array<i64: 1024, 1>}, {pipeline_mode = #tpu.pipeline_mode<synchronous>, transform_indices = @transform_3, window_bounds = array<i64: 1, 1024>}, {pipeline_mode = #tpu.pipeline_mode<synchronous>, transform_indices = @transform_4, window_bounds = array<i64: 1024, 150>}, {pipeline_mode = #tpu.pipeline_mode<synchronous>, transform_indices = @transform_5, window_bounds = array<i64: 1024, 150>}, {pipeline_mode = #tpu.pipeline_mode<synchronous>, transform_indices = @transform_6, window_bounds = array<i64: 1024, 150>}, {pipeline_mode = #tpu.pipeline_mode<synchronous>, transform_indices = @transform_7, window_bounds = array<i64: 150, 1>}, {pipeline_mode = #tpu.pipeline_mode<synchronous>, transform_indices = @transform_8, window_bounds = array<i64: 1, 150>}, {pipeline_mode = #tpu.pipeline_mode<synchronous>, transform_indices = @transform_9, window_bounds = array<i64: 1, 1>}, {transform_indices = @transform_10, window_bounds = array<i64: 10060, 384>}, {pipeline_mode = #tpu.pipeline_mode<synchronous>, transform_indices = @transform_11, window_bounds = array<i64: 10060, 1>}]} {
    %eq3A = arith.constant 0 : i32
    %eq3A_0 = arith.cmpi eq, %arg0, %eq3A : i32
    %convert_element_type3A = arith.extui %eq3A_0 : i1 to i32
    %cond3A = arith.constant 0 : i32
    %cond3A_1 = arith.cmpi ne, %convert_element_type3A, %cond3A : i32
    scf.if %cond3A_1 {
      %get3A_211 = arith.constant 0 : index
      %get3A_212 = arith.constant 0 : index
      %get3A_213 = vector.load %arg9[%get3A_211, %get3A_212] : memref<1x150xf32, #tpu.memory_space<vmem>>, vector<1x150xf32>
      %get3A_214 = arith.constant 0 : index
      %get3A_215 = arith.constant 0 : index
      %get3A_216 = vector.load %arg8[%get3A_214, %get3A_215] : memref<150x1xf32, #tpu.memory_space<vmem>>, vector<150x1xf32>
      %get3A_217 = arith.constant 0 : index
      %get3A_218 = arith.constant 0 : index
      %get3A_219 = vector.load %arg10[%get3A_217, %get3A_218] : memref<1x1xf32, #tpu.memory_space<vmem>>, vector<1x1xf32>
      %iota3A = tpu.iota {dimensions = array<i32: 1>} : vector<256x256xi32>
      %iota3A_220 = tpu.iota {dimensions = array<i32: 0>} : vector<256x256xi32>
      %sub3A = arith.subi %iota3A, %iota3A_220 : vector<256x256xi32>
      %get3A_221 = arith.constant 0 : index
      %get3A_222 = arith.constant 0 : index
      %get3A_223 = vector.load %arg3[%get3A_221, %get3A_222] : memref<1024x1xf32, #tpu.memory_space<vmem>>, vector<256x1xf32>
      %get3A_224 = arith.constant 0 : index
      %get3A_225 = arith.constant 0 : index
      %get3A_226 = vector.load %arg5[%get3A_224, %get3A_225] : memref<1024x150xf32, #tpu.memory_space<vmem>>, vector<256x150xf32>
      %get3A_227 = arith.constant 0 : index
      %get3A_228 = arith.constant 0 : index
      %get3A_229 = vector.load %arg6[%get3A_227, %get3A_228] : memref<1024x150xf32, #tpu.memory_space<vmem>>, vector<256x150xf32>
      %get3A_230 = arith.constant 0 : index
      %get3A_231 = arith.constant 0 : index
      %get3A_232 = vector.load %arg7[%get3A_230, %get3A_231] : memref<1024x150xf32, #tpu.memory_space<vmem>>, vector<256x150xf32>
      %exp3A = math.exp %get3A_223 : vector<256x1xf32>
      %get3A_233 = arith.constant 0 : index
      %get3A_234 = arith.constant 0 : index
      %get3A_235 = vector.load %arg4[%get3A_233, %get3A_234] : memref<1x1024xf32, #tpu.memory_space<vmem>>, vector<1x256xf32>
      %exp3A_236 = math.exp %get3A_235 : vector<1x256xf32>
      %ge3A = arith.constant 0 : i32
      %ge3A_237 = vector.broadcast %ge3A : i32 to vector<256x256xi32>
      %ge3A_238 = arith.cmpi sge, %sub3A, %ge3A_237 : vector<256x256xi32>
      %lt3A = arith.constant 1 : i32
      %lt3A_239 = vector.broadcast %lt3A : i32 to vector<256x256xi32>
      %lt3A_240 = arith.cmpi slt, %sub3A, %lt3A_239 : vector<256x256xi32>
      %and3A = arith.andi %ge3A_238, %lt3A_240 : vector<256x256xi1>
      %div3A = arith.constant 1.000000e+00 : f32
      %div3A_241 = vector.broadcast %div3A : f32 to vector<256x1xf32>
      %div3A_242 = arith.divf %div3A_241, %exp3A : vector<256x1xf32>
      %mul3A = vector.broadcast %exp3A_236 : vector<1x256xf32> to vector<256x256xf32>
      %mul3A_243 = vector.broadcast %div3A_242 : vector<256x1xf32> to vector<256x256xf32>
      %mul3A_244 = arith.mulf %mul3A, %mul3A_243 : vector<256x256xf32>
      %jit3A = arith.constant 0.000000e+00 : f32
      %broadcast_in_dim3A = vector.broadcast %jit3A : f32 to vector<256x256xf32>
      %select_n3A = arith.select %and3A, %mul3A_244, %broadcast_in_dim3A : vector<256x256xi1>, vector<256x256xf32>
      %swap3A_245 = arith.constant 0 : index
      %swap3A_246 = arith.constant 0 : index
      %swap3A_247 = arith.constant 0 : index
      %swap3A_248 = vector.load %arg13[%swap3A_245, %swap3A_246, %swap3A_247] : memref<4x2515x256xf32, #tpu.memory_space<vmem>>, vector<1x256x256xf32>
      %swap3A_249 = vector.shape_cast %swap3A_248 : vector<1x256x256xf32> to vector<256x256xf32>
      %swap3A_250 = vector.shape_cast %select_n3A : vector<256x256xf32> to vector<1x256x256xf32>
      tpu.vector_store %arg13[%swap3A_245, %swap3A_246, %swap3A_247], %swap3A_250 {strides = array<i32>} : memref<4x2515x256xf32, #tpu.memory_space<vmem>>, vector<1x256x256xf32>,
      %add3A = arith.addf %get3A_226, %get3A_229 : vector<256x150xf32>
      %swap3A_251 = arith.constant 0 : index
      %swap3A_252 = arith.constant 0 : index
      %swap3A_253 = vector.load %arg14[%swap3A_251, %swap3A_252] : memref<2515x150xf32, #tpu.memory_space<vmem>>, vector<256x150xf32>
      tpu.vector_store %arg14[%swap3A_251, %swap3A_252], %add3A {strides = array<i32>} : memref<2515x150xf32, #tpu.memory_space<vmem>>, vector<256x150xf32>,
      %slice3A = vector.extract_strided_slice %exp3A {offsets = [0, 0], sizes = [255, 1], strides = [1, 1]} : vector<256x1xf32> to vector<255x1xf32>
      %slice3A_254 = vector.extract_strided_slice %exp3A {offsets = [1, 0], sizes = [255, 1], strides = [1, 1]} : vector<256x1xf32> to vector<255x1xf32>
      %add3A_255 = arith.addf %slice3A, %slice3A_254 : vector<255x1xf32>
      %slice3A_256 = vector.extract_strided_slice %sub3A {offsets = [0, 0], sizes = [255, 256], strides = [1, 1]} : vector<256x256xi32> to vector<255x256xi32>
      %ge3A_257 = arith.constant 0 : i32
      %ge3A_258 = vector.broadcast %ge3A_257 : i32 to vector<255x256xi32>
      %ge3A_259 = arith.cmpi sge, %slice3A_256, %ge3A_258 : vector<255x256xi32>
      %lt3A_260 = arith.constant 2 : i32
      %lt3A_261 = vector.broadcast %lt3A_260 : i32 to vector<255x256xi32>
      %lt3A_262 = arith.cmpi slt, %slice3A_256, %lt3A_261 : vector<255x256xi32>
      %and3A_263 = arith.andi %ge3A_259, %lt3A_262 : vector<255x256xi1>
      %div3A_264 = arith.constant 1.000000e+00 : f32
      %div3A_265 = vector.broadcast %div3A_264 : f32 to vector<255x1xf32>
      %div3A_266 = arith.divf %div3A_265, %add3A_255 : vector<255x1xf32>
      %mul3A_267 = vector.broadcast %exp3A_236 : vector<1x256xf32> to vector<255x256xf32>
      %mul3A_268 = vector.broadcast %div3A_266 : vector<255x1xf32> to vector<255x256xf32>
      %mul3A_269 = arith.mulf %mul3A_267, %mul3A_268 : vector<255x256xf32>
      %jit3A_270 = arith.constant 0.000000e+00 : f32
      %broadcast_in_dim3A_271 = vector.broadcast %jit3A_270 : f32 to vector<255x256xf32>
      %select_n3A_272 = arith.select %and3A_263, %mul3A_269, %broadcast_in_dim3A_271 : vector<255x256xi1>, vector<255x256xf32>
      %swap3A_273 = arith.constant 0 : index
      %swap3A_274 = arith.constant 256 : index
      %swap3A_275 = arith.constant 0 : index
      %swap3A_276 = vector.load %arg13[%swap3A_273, %swap3A_274, %swap3A_275] : memref<4x2515x256xf32, #tpu.memory_space<vmem>>, vector<1x255x256xf32>
      %swap3A_277 = vector.shape_cast %swap3A_276 : vector<1x255x256xf32> to vector<255x256xf32>
      %swap3A_278 = vector.shape_cast %select_n3A_272 : vector<255x256xf32> to vector<1x255x256xf32>
      tpu.vector_store %arg13[%swap3A_273, %swap3A_274, %swap3A_275], %swap3A_278 {strides = array<i32>} : memref<4x2515x256xf32, #tpu.memory_space<vmem>>, vector<1x255x256xf32>,
      %slice3A_279 = vector.extract_strided_slice %get3A_226 {offsets = [0, 0], sizes = [255, 150], strides = [1, 1]} : vector<256x150xf32> to vector<255x150xf32>
      %slice3A_280 = vector.extract_strided_slice %get3A_229 {offsets = [1, 0], sizes = [255, 150], strides = [1, 1]} : vector<256x150xf32> to vector<255x150xf32>
      %add3A_281 = arith.addf %slice3A_279, %slice3A_280 : vector<255x150xf32>
      %swap3A_282 = arith.constant 256 : index
      %swap3A_283 = arith.constant 0 : index
      %swap3A_284 = vector.load %arg14[%swap3A_282, %swap3A_283] : memref<2515x150xf32, #tpu.memory_space<vmem>>, vector<255x150xf32>
      tpu.vector_store %arg14[%swap3A_282, %swap3A_283], %add3A_281 {strides = array<i32>} : memref<2515x150xf32, #tpu.memory_space<vmem>>, vector<255x150xf32>,
      %slice3A_285 = vector.extract_strided_slice %add3A_255 {offsets = [0, 0], sizes = [254, 1], strides = [1, 1]} : vector<255x1xf32> to vector<254x1xf32>
      %slice3A_286 = vector.extract_strided_slice %exp3A {offsets = [2, 0], sizes = [254, 1], strides = [1, 1]} : vector<256x1xf32> to vector<254x1xf32>
      %add3A_287 = arith.addf %slice3A_285, %slice3A_286 : vector<254x1xf32>
      %slice3A_288 = vector.extract_strided_slice %sub3A {offsets = [0, 0], sizes = [254, 256], strides = [1, 1]} : vector<256x256xi32> to vector<254x256xi32>
      %ge3A_289 = arith.constant 0 : i32
      %ge3A_290 = vector.broadcast %ge3A_289 : i32 to vector<254x256xi32>
      %ge3A_291 = arith.cmpi sge, %slice3A_288, %ge3A_290 : vector<254x256xi32>
      %lt3A_292 = arith.constant 3 : i32
      %lt3A_293 = vector.broadcast %lt3A_292 : i32 to vector<254x256xi32>
      %lt3A_294 = arith.cmpi slt, %slice3A_288, %lt3A_293 : vector<254x256xi32>
      %and3A_295 = arith.andi %ge3A_291, %lt3A_294 : vector<254x256xi1>
      %div3A_296 = arith.constant 1.000000e+00 : f32
      %div3A_297 = vector.broadcast %div3A_296 : f32 to vector<254x1xf32>
      %div3A_298 = arith.divf %div3A_297, %add3A_287 : vector<254x1xf32>
      %mul3A_299 = vector.broadcast %exp3A_236 : vector<1x256xf32> to vector<254x256xf32>
      %mul3A_300 = vector.broadcast %div3A_298 : vector<254x1xf32> to vector<254x256xf32>
      %mul3A_301 = arith.mulf %mul3A_299, %mul3A_300 : vector<254x256xf32>
      %jit3A_302 = arith.constant 0.000000e+00 : f32
      %broadcast_in_dim3A_303 = vector.broadcast %jit3A_302 : f32 to vector<254x256xf32>
      %select_n3A_304 = arith.select %and3A_295, %mul3A_301, %broadcast_in_dim3A_303 : vector<254x256xi1>, vector<254x256xf32>
      %swap3A_305 = arith.constant 0 : index
      %swap3A_306 = arith.constant 511 : index
      %swap3A_307 = arith.constant 0 : index
      %swap3A_308 = vector.load %arg13[%swap3A_305, %swap3A_306, %swap3A_307] : memref<4x2515x256xf32, #tpu.memory_space<vmem>>, vector<1x254x256xf32>
      %swap3A_309 = vector.shape_cast %swap3A_308 : vector<1x254x256xf32> to vector<254x256xf32>
      %swap3A_310 = vector.shape_cast %select_n3A_304 : vector<254x256xf32> to vector<1x254x256xf32>
      tpu.vector_store %arg13[%swap3A_305, %swap3A_306, %swap3A_307], %swap3A_310 {strides = array<i32>} : memref<4x2515x256xf32, #tpu.memory_space<vmem>>, vector<1x254x256xf32>,
      %slice3A_311 = vector.extract_strided_slice %get3A_226 {offsets = [0, 0], sizes = [254, 150], strides = [1, 1]} : vector<256x150xf32> to vector<254x150xf32>
      %slice3A_312 = vector.extract_strided_slice %get3A_229 {offsets = [2, 0], sizes = [254, 150], strides = [1, 1]} : vector<256x150xf32> to vector<254x150xf32>
      %add3A_313 = arith.addf %slice3A_311, %slice3A_312 : vector<254x150xf32>
      %swap3A_314 = arith.constant 511 : index
      %swap3A_315 = arith.constant 0 : index
      %swap3A_316 = vector.load %arg14[%swap3A_314, %swap3A_315] : memref<2515x150xf32, #tpu.memory_space<vmem>>, vector<254x150xf32>
      tpu.vector_store %arg14[%swap3A_314, %swap3A_315], %add3A_313 {strides = array<i32>} : memref<2515x150xf32, #tpu.memory_space<vmem>>, vector<254x150xf32>,
      %slice3A_317 = vector.extract_strided_slice %add3A_287 {offsets = [0, 0], sizes = [253, 1], strides = [1, 1]} : vector<254x1xf32> to vector<253x1xf32>
      %slice3A_318 = vector.extract_strided_slice %exp3A {offsets = [3, 0], sizes = [253, 1], strides = [1, 1]} : vector<256x1xf32> to vector<253x1xf32>
      %add3A_319 = arith.addf %slice3A_317, %slice3A_318 : vector<253x1xf32>
      %slice3A_320 = vector.extract_strided_slice %sub3A {offsets = [0, 0], sizes = [253, 256], strides = [1, 1]} : vector<256x256xi32> to vector<253x256xi32>
      %ge3A_321 = arith.constant 0 : i32
      %ge3A_322 = vector.broadcast %ge3A_321 : i32 to vector<253x256xi32>
      %ge3A_323 = arith.cmpi sge, %slice3A_320, %ge3A_322 : vector<253x256xi32>
      %lt3A_324 = arith.constant 4 : i32
      %lt3A_325 = vector.broadcast %lt3A_324 : i32 to vector<253x256xi32>
      %lt3A_326 = arith.cmpi slt, %slice3A_320, %lt3A_325 : vector<253x256xi32>
      %and3A_327 = arith.andi %ge3A_323, %lt3A_326 : vector<253x256xi1>
      %div3A_328 = arith.constant 1.000000e+00 : f32
      %div3A_329 = vector.broadcast %div3A_328 : f32 to vector<253x1xf32>
      %div3A_330 = arith.divf %div3A_329, %add3A_319 : vector<253x1xf32>
      %mul3A_331 = vector.broadcast %exp3A_236 : vector<1x256xf32> to vector<253x256xf32>
      %mul3A_332 = vector.broadcast %div3A_330 : vector<253x1xf32> to vector<253x256xf32>
      %mul3A_333 = arith.mulf %mul3A_331, %mul3A_332 : vector<253x256xf32>
      %jit3A_334 = arith.constant 0.000000e+00 : f32
      %broadcast_in_dim3A_335 = vector.broadcast %jit3A_334 : f32 to vector<253x256xf32>
      %select_n3A_336 = arith.select %and3A_327, %mul3A_333, %broadcast_in_dim3A_335 : vector<253x256xi1>, vector<253x256xf32>
      %swap3A_337 = arith.constant 0 : index
      %swap3A_338 = arith.constant 765 : index
      %swap3A_339 = arith.constant 0 : index
      %swap3A_340 = vector.load %arg13[%swap3A_337, %swap3A_338, %swap3A_339] : memref<4x2515x256xf32, #tpu.memory_space<vmem>>, vector<1x253x256xf32>
      %swap3A_341 = vector.shape_cast %swap3A_340 : vector<1x253x256xf32> to vector<253x256xf32>
      %swap3A_342 = vector.shape_cast %select_n3A_336 : vector<253x256xf32> to vector<1x253x256xf32>
      tpu.vector_store %arg13[%swap3A_337, %swap3A_338, %swap3A_339], %swap3A_342 {strides = array<i32>} : memref<4x2515x256xf32, #tpu.memory_space<vmem>>, vector<1x253x256xf32>,
      %slice3A_343 = vector.extract_strided_slice %get3A_226 {offsets = [0, 0], sizes = [253, 150], strides = [1, 1]} : vector<256x150xf32> to vector<253x150xf32>
      %slice3A_344 = vector.extract_strided_slice %get3A_229 {offsets = [3, 0], sizes = [253, 150], strides = [1, 1]} : vector<256x150xf32> to vector<253x150xf32>
      %add3A_345 = arith.addf %slice3A_343, %slice3A_344 : vector<253x150xf32>
      %swap3A_346 = arith.constant 765 : index
      %swap3A_347 = arith.constant 0 : index
      %swap3A_348 = vector.load %arg14[%swap3A_346, %swap3A_347] : memref<2515x150xf32, #tpu.memory_space<vmem>>, vector<253x150xf32>
      tpu.vector_store %arg14[%swap3A_346, %swap3A_347], %add3A_345 {strides = array<i32>} : memref<2515x150xf32, #tpu.memory_space<vmem>>, vector<253x150xf32>,
      %slice3A_349 = vector.extract_strided_slice %add3A_319 {offsets = [0, 0], sizes = [252, 1], strides = [1, 1]} : vector<253x1xf32> to vector<252x1xf32>
      %slice3A_350 = vector.extract_strided_slice %exp3A {offsets = [4, 0], sizes = [252, 1], strides = [1, 1]} : vector<256x1xf32> to vector<252x1xf32>
      %add3A_351 = arith.addf %slice3A_349, %slice3A_350 : vector<252x1xf32>
      %slice3A_352 = vector.extract_strided_slice %sub3A {offsets = [0, 0], sizes = [252, 256], strides = [1, 1]} : vector<256x256xi32> to vector<252x256xi32>
      %ge3A_353 = arith.constant 0 : i32
      %ge3A_354 = vector.broadcast %ge3A_353 : i32 to vector<252x256xi32>
      %ge3A_355 = arith.cmpi sge, %slice3A_352, %ge3A_354 : vector<252x256xi32>
      %lt3A_356 = arith.constant 5 : i32
      %lt3A_357 = vector.broadcast %lt3A_356 : i32 to vector<252x256xi32>
      %lt3A_358 = arith.cmpi slt, %slice3A_352, %lt3A_357 : vector<252x256xi32>
      %and3A_359 = arith.andi %ge3A_355, %lt3A_358 : vector<252x256xi1>
      %div3A_360 = arith.constant 1.000000e+00 : f32
      %div3A_361 = vector.broadcast %div3A_360 : f32 to vector<252x1xf32>
      %div3A_362 = arith.divf %div3A_361, %add3A_351 : vector<252x1xf32>
      %mul3A_363 = vector.broadcast %exp3A_236 : vector<1x256xf32> to vector<252x256xf32>
      %mul3A_364 = vector.broadcast %div3A_362 : vector<252x1xf32> to vector<252x256xf32>
      %mul3A_365 = arith.mulf %mul3A_363, %mul3A_364 : vector<252x256xf32>
      %jit3A_366 = arith.constant 0.000000e+00 : f32
      %broadcast_in_dim3A_367 = vector.broadcast %jit3A_366 : f32 to vector<252x256xf32>
      %select_n3A_368 = arith.select %and3A_359, %mul3A_365, %broadcast_in_dim3A_367 : vector<252x256xi1>, vector<252x256xf32>
      %swap3A_369 = arith.constant 0 : index
      %swap3A_370 = arith.constant 1018 : index
      %swap3A_371 = arith.constant 0 : index
      %swap3A_372 = vector.load %arg13[%swap3A_369, %swap3A_370, %swap3A_371] : memref<4x2515x256xf32, #tpu.memory_space<vmem>>, vector<1x252x256xf32>
      %swap3A_373 = vector.shape_cast %swap3A_372 : vector<1x252x256xf32> to vector<252x256xf32>
      %swap3A_374 = vector.shape_cast %select_n3A_368 : vector<252x256xf32> to vector<1x252x256xf32>
      tpu.vector_store %arg13[%swap3A_369, %swap3A_370, %swap3A_371], %swap3A_374 {strides = array<i32>} : memref<4x2515x256xf32, #tpu.memory_space<vmem>>, vector<1x252x256xf32>,
      %slice3A_375 = vector.extract_strided_slice %get3A_226 {offsets = [0, 0], sizes = [252, 150], strides = [1, 1]} : vector<256x150xf32> to vector<252x150xf32>
      %slice3A_376 = vector.extract_strided_slice %get3A_229 {offsets = [4, 0], sizes = [252, 150], strides = [1, 1]} : vector<256x150xf32> to vector<252x150xf32>
      %add3A_377 = arith.addf %slice3A_375, %slice3A_376 : vector<252x150xf32>
      %swap3A_378 = arith.constant 1018 : index
      %swap3A_379 = arith.constant 0 : index
      %swap3A_380 = vector.load %arg14[%swap3A_378, %swap3A_379] : memref<2515x150xf32, #tpu.memory_space<vmem>>, vector<252x150xf32>
      tpu.vector_store %arg14[%swap3A_378, %swap3A_379], %add3A_377 {strides = array<i32>} : memref<2515x150xf32, #tpu.memory_space<vmem>>, vector<252x150xf32>,
      %slice3A_381 = vector.extract_strided_slice %add3A_351 {offsets = [0, 0], sizes = [251, 1], strides = [1, 1]} : vector<252x1xf32> to vector<251x1xf32>
      %slice3A_382 = vector.extract_strided_slice %exp3A {offsets = [5, 0], sizes = [251, 1], strides = [1, 1]} : vector<256x1xf32> to vector<251x1xf32>
      %add3A_383 = arith.addf %slice3A_381, %slice3A_382 : vector<251x1xf32>
      %slice3A_384 = vector.extract_strided_slice %sub3A {offsets = [0, 0], sizes = [251, 256], strides = [1, 1]} : vector<256x256xi32> to vector<251x256xi32>
      %ge3A_385 = arith.constant 0 : i32
      %ge3A_386 = vector.broadcast %ge3A_385 : i32 to vector<251x256xi32>
      %ge3A_387 = arith.cmpi sge, %slice3A_384, %ge3A_386 : vector<251x256xi32>
      %lt3A_388 = arith.constant 6 : i32
      %lt3A_389 = vector.broadcast %lt3A_388 : i32 to vector<251x256xi32>
      %lt3A_390 = arith.cmpi slt, %slice3A_384, %lt3A_389 : vector<251x256xi32>
      %and3A_391 = arith.andi %ge3A_387, %lt3A_390 : vector<251x256xi1>
      %div3A_392 = arith.constant 1.000000e+00 : f32
      %div3A_393 = vector.broadcast %div3A_392 : f32 to vector<251x1xf32>
      %div3A_394 = arith.divf %div3A_393, %add3A_383 : vector<251x1xf32>
      %mul3A_395 = vector.broadcast %exp3A_236 : vector<1x256xf32> to vector<251x256xf32>
      %mul3A_396 = vector.broadcast %div3A_394 : vector<251x1xf32> to vector<251x256xf32>
      %mul3A_397 = arith.mulf %mul3A_395, %mul3A_396 : vector<251x256xf32>
      %jit3A_398 = arith.constant 0.000000e+00 : f32
      %broadcast_in_dim3A_399 = vector.broadcast %jit3A_398 : f32 to vector<251x256xf32>
      %select_n3A_400 = arith.select %and3A_391, %mul3A_397, %broadcast_in_dim3A_399 : vector<251x256xi1>, vector<251x256xf32>
      %swap3A_401 = arith.constant 0 : index
      %swap3A_402 = arith.constant 1270 : index
      %swap3A_403 = arith.constant 0 : index
      %swap3A_404 = vector.load %arg13[%swap3A_401, %swap3A_402, %swap3A_403] : memref<4x2515x256xf32, #tpu.memory_space<vmem>>, vector<1x251x256xf32>
      %swap3A_405 = vector.shape_cast %swap3A_404 : vector<1x251x256xf32> to vector<251x256xf32>
      %swap3A_406 = vector.shape_cast %select_n3A_400 : vector<251x256xf32> to vector<1x251x256xf32>
      tpu.vector_store %arg13[%swap3A_401, %swap3A_402, %swap3A_403], %swap3A_406 {strides = array<i32>} : memref<4x2515x256xf32, #tpu.memory_space<vmem>>, vector<1x251x256xf32>,
      %slice3A_407 = vector.extract_strided_slice %get3A_226 {offsets = [0, 0], sizes = [251, 150], strides = [1, 1]} : vector<256x150xf32> to vector<251x150xf32>
      %slice3A_408 = vector.extract_strided_slice %get3A_229 {offsets = [5, 0], sizes = [251, 150], strides = [1, 1]} : vector<256x150xf32> to vector<251x150xf32>
      %add3A_409 = arith.addf %slice3A_407, %slice3A_408 : vector<251x150xf32>
      %swap3A_410 = arith.constant 1270 : index
      %swap3A_411 = arith.constant 0 : index
      %swap3A_412 = vector.load %arg14[%swap3A_410, %swap3A_411] : memref<2515x150xf32, #tpu.memory_space<vmem>>, vector<251x150xf32>
      tpu.vector_store %arg14[%swap3A_410, %swap3A_411], %add3A_409 {strides = array<i32>} : memref<2515x150xf32, #tpu.memory_space<vmem>>, vector<251x150xf32>,
      %slice3A_413 = vector.extract_strided_slice %add3A_383 {offsets = [0, 0], sizes = [250, 1], strides = [1, 1]} : vector<251x1xf32> to vector<250x1xf32>
      %slice3A_414 = vector.extract_strided_slice %exp3A {offsets = [6, 0], sizes = [250, 1], strides = [1, 1]} : vector<256x1xf32> to vector<250x1xf32>
      %add3A_415 = arith.addf %slice3A_413, %slice3A_414 : vector<250x1xf32>
      %slice3A_416 = vector.extract_strided_slice %sub3A {offsets = [0, 0], sizes = [250, 256], strides = [1, 1]} : vector<256x256xi32> to vector<250x256xi32>
      %ge3A_417 = arith.constant 0 : i32
      %ge3A_418 = vector.broadcast %ge3A_417 : i32 to vector<250x256xi32>
      %ge3A_419 = arith.cmpi sge, %slice3A_416, %ge3A_418 : vector<250x256xi32>
      %lt3A_420 = arith.constant 7 : i32
      %lt3A_421 = vector.broadcast %lt3A_420 : i32 to vector<250x256xi32>
      %lt3A_422 = arith.cmpi slt, %slice3A_416, %lt3A_421 : vector<250x256xi32>
      %and3A_423 = arith.andi %ge3A_419, %lt3A_422 : vector<250x256xi1>
      %div3A_424 = arith.constant 1.000000e+00 : f32
      %div3A_425 = vector.broadcast %div3A_424 : f32 to vector<250x1xf32>
      %div3A_426 = arith.divf %div3A_425, %add3A_415 : vector<250x1xf32>
      %mul3A_427 = vector.broadcast %exp3A_236 : vector<1x256xf32> to vector<250x256xf32>
      %mul3A_428 = vector.broadcast %div3A_426 : vector<250x1xf32> to vector<250x256xf32>
      %mul3A_429 = arith.mulf %mul3A_427, %mul3A_428 : vector<250x256xf32>
      %jit3A_430 = arith.constant 0.000000e+00 : f32
      %broadcast_in_dim3A_431 = vector.broadcast %jit3A_430 : f32 to vector<250x256xf32>
      %select_n3A_432 = arith.select %and3A_423, %mul3A_429, %broadcast_in_dim3A_431 : vector<250x256xi1>, vector<250x256xf32>
      %swap3A_433 = arith.constant 0 : index
      %swap3A_434 = arith.constant 1521 : index
      %swap3A_435 = arith.constant 0 : index
      %swap3A_436 = vector.load %arg13[%swap3A_433, %swap3A_434, %swap3A_435] : memref<4x2515x256xf32, #tpu.memory_space<vmem>>, vector<1x250x256xf32>
      %swap3A_437 = vector.shape_cast %swap3A_436 : vector<1x250x256xf32> to vector<250x256xf32>
      %swap3A_438 = vector.shape_cast %select_n3A_432 : vector<250x256xf32> to vector<1x250x256xf32>
      tpu.vector_store %arg13[%swap3A_433, %swap3A_434, %swap3A_435], %swap3A_438 {strides = array<i32>} : memref<4x2515x256xf32, #tpu.memory_space<vmem>>, vector<1x250x256xf32>,
      %slice3A_439 = vector.extract_strided_slice %get3A_226 {offsets = [0, 0], sizes = [250, 150], strides = [1, 1]} : vector<256x150xf32> to vector<250x150xf32>
      %slice3A_440 = vector.extract_strided_slice %get3A_229 {offsets = [6, 0], sizes = [250, 150], strides = [1, 1]} : vector<256x150xf32> to vector<250x150xf32>
      %add3A_441 = arith.addf %slice3A_439, %slice3A_440 : vector<250x150xf32>
      %swap3A_442 = arith.constant 1521 : index
      %swap3A_443 = arith.constant 0 : index
      %swap3A_444 = vector.load %arg14[%swap3A_442, %swap3A_443] : memref<2515x150xf32, #tpu.memory_space<vmem>>, vector<250x150xf32>
      tpu.vector_store %arg14[%swap3A_442, %swap3A_443], %add3A_441 {strides = array<i32>} : memref<2515x150xf32, #tpu.memory_space<vmem>>, vector<250x150xf32>,
      %slice3A_445 = vector.extract_strided_slice %add3A_415 {offsets = [0, 0], sizes = [249, 1], strides = [1, 1]} : vector<250x1xf32> to vector<249x1xf32>
      %slice3A_446 = vector.extract_strided_slice %exp3A {offsets = [7, 0], sizes = [249, 1], strides = [1, 1]} : vector<256x1xf32> to vector<249x1xf32>
      %add3A_447 = arith.addf %slice3A_445, %slice3A_446 : vector<249x1xf32>
      %slice3A_448 = vector.extract_strided_slice %sub3A {offsets = [0, 0], sizes = [249, 256], strides = [1, 1]} : vector<256x256xi32> to vector<249x256xi32>
      %ge3A_449 = arith.constant 0 : i32
      %ge3A_450 = vector.broadcast %ge3A_449 : i32 to vector<249x256xi32>
      %ge3A_451 = arith.cmpi sge, %slice3A_448, %ge3A_450 : vector<249x256xi32>
      %lt3A_452 = arith.constant 8 : i32
      %lt3A_453 = vector.broadcast %lt3A_452 : i32 to vector<249x256xi32>
      %lt3A_454 = arith.cmpi slt, %slice3A_448, %lt3A_453 : vector<249x256xi32>
      %and3A_455 = arith.andi %ge3A_451, %lt3A_454 : vector<249x256xi1>
      %div3A_456 = arith.constant 1.000000e+00 : f32
      %div3A_457 = vector.broadcast %div3A_456 : f32 to vector<249x1xf32>
      %div3A_458 = arith.divf %div3A_457, %add3A_447 : vector<249x1xf32>
      %mul3A_459 = vector.broadcast %exp3A_236 : vector<1x256xf32> to vector<249x256xf32>
      %mul3A_460 = vector.broadcast %div3A_458 : vector<249x1xf32> to vector<249x256xf32>
      %mul3A_461 = arith.mulf %mul3A_459, %mul3A_460 : vector<249x256xf32>
      %jit3A_462 = arith.constant 0.000000e+00 : f32
      %broadcast_in_dim3A_463 = vector.broadcast %jit3A_462 : f32 to vector<249x256xf32>
      %select_n3A_464 = arith.select %and3A_455, %mul3A_461, %broadcast_in_dim3A_463 : vector<249x256xi1>, vector<249x256xf32>
      %swap3A_465 = arith.constant 0 : index
      %swap3A_466 = arith.constant 1771 : index
      %swap3A_467 = arith.constant 0 : index
      %swap3A_468 = vector.load %arg13[%swap3A_465, %swap3A_466, %swap3A_467] : memref<4x2515x256xf32, #tpu.memory_space<vmem>>, vector<1x249x256xf32>
      %swap3A_469 = vector.shape_cast %swap3A_468 : vector<1x249x256xf32> to vector<249x256xf32>
      %swap3A_470 = vector.shape_cast %select_n3A_464 : vector<249x256xf32> to vector<1x249x256xf32>
      tpu.vector_store %arg13[%swap3A_465, %swap3A_466, %swap3A_467], %swap3A_470 {strides = array<i32>} : memref<4x2515x256xf32, #tpu.memory_space<vmem>>, vector<1x249x256xf32>,
      %slice3A_471 = vector.extract_strided_slice %get3A_226 {offsets = [0, 0], sizes = [249, 150], strides = [1, 1]} : vector<256x150xf32> to vector<249x150xf32>
      %slice3A_472 = vector.extract_strided_slice %get3A_229 {offsets = [7, 0], sizes = [249, 150], strides = [1, 1]} : vector<256x150xf32> to vector<249x150xf32>
      %add3A_473 = arith.addf %slice3A_471, %slice3A_472 : vector<249x150xf32>
      %swap3A_474 = arith.constant 1771 : index
      %swap3A_475 = arith.constant 0 : index
      %swap3A_476 = vector.load %arg14[%swap3A_474, %swap3A_475] : memref<2515x150xf32, #tpu.memory_space<vmem>>, vector<249x150xf32>
      tpu.vector_store %arg14[%swap3A_474, %swap3A_475], %add3A_473 {strides = array<i32>} : memref<2515x150xf32, #tpu.memory_space<vmem>>, vector<249x150xf32>,
      %slice3A_477 = vector.extract_strided_slice %add3A_447 {offsets = [0, 0], sizes = [248, 1], strides = [1, 1]} : vector<249x1xf32> to vector<248x1xf32>
      %slice3A_478 = vector.extract_strided_slice %exp3A {offsets = [8, 0], sizes = [248, 1], strides = [1, 1]} : vector<256x1xf32> to vector<248x1xf32>
      %add3A_479 = arith.addf %slice3A_477, %slice3A_478 : vector<248x1xf32>
      %slice3A_480 = vector.extract_strided_slice %sub3A {offsets = [0, 0], sizes = [248, 256], strides = [1, 1]} : vector<256x256xi32> to vector<248x256xi32>
      %ge3A_481 = arith.constant 0 : i32
      %ge3A_482 = vector.broadcast %ge3A_481 : i32 to vector<248x256xi32>
      %ge3A_483 = arith.cmpi sge, %slice3A_480, %ge3A_482 : vector<248x256xi32>
      %lt3A_484 = arith.constant 9 : i32
      %lt3A_485 = vector.broadcast %lt3A_484 : i32 to vector<248x256xi32>
      %lt3A_486 = arith.cmpi slt, %slice3A_480, %lt3A_485 : vector<248x256xi32>
      %and3A_487 = arith.andi %ge3A_483, %lt3A_486 : vector<248x256xi1>
      %div3A_488 = arith.constant 1.000000e+00 : f32
      %div3A_489 = vector.broadcast %div3A_488 : f32 to vector<248x1xf32>
      %div3A_490 = arith.divf %div3A_489, %add3A_479 : vector<248x1xf32>
      %mul3A_491 = vector.broadcast %exp3A_236 : vector<1x256xf32> to vector<248x256xf32>
      %mul3A_492 = vector.broadcast %div3A_490 : vector<248x1xf32> to vector<248x256xf32>
      %mul3A_493 = arith.mulf %mul3A_491, %mul3A_492 : vector<248x256xf32>
      %jit3A_494 = arith.constant 0.000000e+00 : f32
      %broadcast_in_dim3A_495 = vector.broadcast %jit3A_494 : f32 to vector<248x256xf32>
      %select_n3A_496 = arith.select %and3A_487, %mul3A_493, %broadcast_in_dim3A_495 : vector<248x256xi1>, vector<248x256xf32>
      %swap3A_497 = arith.constant 0 : index
      %swap3A_498 = arith.constant 2020 : index
      %swap3A_499 = arith.constant 0 : index
      %swap3A_500 = vector.load %arg13[%swap3A_497, %swap3A_498, %swap3A_499] : memref<4x2515x256xf32, #tpu.memory_space<vmem>>, vector<1x248x256xf32>
      %swap3A_501 = vector.shape_cast %swap3A_500 : vector<1x248x256xf32> to vector<248x256xf32>
      %swap3A_502 = vector.shape_cast %select_n3A_496 : vector<248x256xf32> to vector<1x248x256xf32>
      tpu.vector_store %arg13[%swap3A_497, %swap3A_498, %swap3A_499], %swap3A_502 {strides = array<i32>} : memref<4x2515x256xf32, #tpu.memory_space<vmem>>, vector<1x248x256xf32>,
      %slice3A_503 = vector.extract_strided_slice %get3A_226 {offsets = [0, 0], sizes = [248, 150], strides = [1, 1]} : vector<256x150xf32> to vector<248x150xf32>
      %slice3A_504 = vector.extract_strided_slice %get3A_229 {offsets = [8, 0], sizes = [248, 150], strides = [1, 1]} : vector<256x150xf32> to vector<248x150xf32>
      %add3A_505 = arith.addf %slice3A_503, %slice3A_504 : vector<248x150xf32>
      %swap3A_506 = arith.constant 2020 : index
      %swap3A_507 = arith.constant 0 : index
      %swap3A_508 = vector.load %arg14[%swap3A_506, %swap3A_507] : memref<2515x150xf32, #tpu.memory_space<vmem>>, vector<248x150xf32>
      tpu.vector_store %arg14[%swap3A_506, %swap3A_507], %add3A_505 {strides = array<i32>} : memref<2515x150xf32, #tpu.memory_space<vmem>>, vector<248x150xf32>,
      %slice3A_509 = vector.extract_strided_slice %add3A_479 {offsets = [0, 0], sizes = [247, 1], strides = [1, 1]} : vector<248x1xf32> to vector<247x1xf32>
      %slice3A_510 = vector.extract_strided_slice %exp3A {offsets = [9, 0], sizes = [247, 1], strides = [1, 1]} : vector<256x1xf32> to vector<247x1xf32>
      %add3A_511 = arith.addf %slice3A_509, %slice3A_510 : vector<247x1xf32>
      %slice3A_512 = vector.extract_strided_slice %sub3A {offsets = [0, 0], sizes = [247, 256], strides = [1, 1]} : vector<256x256xi32> to vector<247x256xi32>
      %ge3A_513 = arith.constant 0 : i32
      %ge3A_514 = vector.broadcast %ge3A_513 : i32 to vector<247x256xi32>
      %ge3A_515 = arith.cmpi sge, %slice3A_512, %ge3A_514 : vector<247x256xi32>
      %lt3A_516 = arith.constant 10 : i32
      %lt3A_517 = vector.broadcast %lt3A_516 : i32 to vector<247x256xi32>
      %lt3A_518 = arith.cmpi slt, %slice3A_512, %lt3A_517 : vector<247x256xi32>
      %and3A_519 = arith.andi %ge3A_515, %lt3A_518 : vector<247x256xi1>
      %div3A_520 = arith.constant 1.000000e+00 : f32
      %div3A_521 = vector.broadcast %div3A_520 : f32 to vector<247x1xf32>
      %div3A_522 = arith.divf %div3A_521, %add3A_511 : vector<247x1xf32>
      %mul3A_523 = vector.broadcast %exp3A_236 : vector<1x256xf32> to vector<247x256xf32>
      %mul3A_524 = vector.broadcast %div3A_522 : vector<247x1xf32> to vector<247x256xf32>
      %mul3A_525 = arith.mulf %mul3A_523, %mul3A_524 : vector<247x256xf32>
      %jit3A_526 = arith.constant 0.000000e+00 : f32
      %broadcast_in_dim3A_527 = vector.broadcast %jit3A_526 : f32 to vector<247x256xf32>
      %select_n3A_528 = arith.select %and3A_519, %mul3A_525, %broadcast_in_dim3A_527 : vector<247x256xi1>, vector<247x256xf32>
      %swap3A_529 = arith.constant 0 : index
      %swap3A_530 = arith.constant 2268 : index
      %swap3A_531 = arith.constant 0 : index
      %swap3A_532 = vector.load %arg13[%swap3A_529, %swap3A_530, %swap3A_531] : memref<4x2515x256xf32, #tpu.memory_space<vmem>>, vector<1x247x256xf32>
      %swap3A_533 = vector.shape_cast %swap3A_532 : vector<1x247x256xf32> to vector<247x256xf32>
      %swap3A_534 = vector.shape_cast %select_n3A_528 : vector<247x256xf32> to vector<1x247x256xf32>
      tpu.vector_store %arg13[%swap3A_529, %swap3A_530, %swap3A_531], %swap3A_534 {strides = array<i32>} : memref<4x2515x256xf32, #tpu.memory_space<vmem>>, vector<1x247x256xf32>,
      %slice3A_535 = vector.extract_strided_slice %get3A_226 {offsets = [0, 0], sizes = [247, 150], strides = [1, 1]} : vector<256x150xf32> to vector<247x150xf32>
      %slice3A_536 = vector.extract_strided_slice %get3A_229 {offsets = [9, 0], sizes = [247, 150], strides = [1, 1]} : vector<256x150xf32> to vector<247x150xf32>
      %add3A_537 = arith.addf %slice3A_535, %slice3A_536 : vector<247x150xf32>
      %swap3A_538 = arith.constant 2268 : index
      %swap3A_539 = arith.constant 0 : index
      %swap3A_540 = vector.load %arg14[%swap3A_538, %swap3A_539] : memref<2515x150xf32, #tpu.memory_space<vmem>>, vector<247x150xf32>
      tpu.vector_store %arg14[%swap3A_538, %swap3A_539], %add3A_537 {strides = array<i32>} : memref<2515x150xf32, #tpu.memory_space<vmem>>, vector<247x150xf32>,
      %get3A_541 = arith.constant 0 : index
      %get3A_542 = arith.constant 0 : index
      %get3A_543 = vector.load %arg14[%get3A_541, %get3A_542] : memref<2515x150xf32, #tpu.memory_space<vmem>>, vector<512x150xf32>
      %get3A_544 = arith.constant 0 : index
      %get3A_545 = arith.constant 0 : index
      %get3A_546 = arith.constant 0 : index
      %get3A_547 = vector.load %arg13[%get3A_544, %get3A_545, %get3A_546] : memref<4x2515x256xf32, #tpu.memory_space<vmem>>, vector<1x512x256xf32>
      %get3A_548 = vector.shape_cast %get3A_547 : vector<1x512x256xf32> to vector<512x256xf32>
      %dot_general3A_549 = arith.constant dense<0.000000e+00> : vector<512x150xf32>
      %dot_general3A_550 = tpu.matmul %get3A_548, %get3A_232, %dot_general3A_549 {dimension_numbers = #tpu.dot_dimension_numbers<[1], [0], [0], [1], [0, 0, 1, 1], [], []>, precision = #tpu.contract_precision<fp32>, transpose_lhs_hint = false} : vector<512x256xf32>, vector<256x150xf32>, vector<512x150xf32> -> vector<512x150xf32>
      %add3A_551 = arith.addf %get3A_543, %dot_general3A_550 : vector<512x150xf32>
      %add3A_552 = vector.broadcast %get3A_213 : vector<1x150xf32> to vector<512x150xf32>
      %add3A_553 = arith.addf %add3A_551, %add3A_552 : vector<512x150xf32>
      %max3A = arith.constant 0.000000e+00 : f32
      %max3A_554 = vector.broadcast %max3A : f32 to vector<512x150xf32>
      %max3A_555 = arith.maximumf %add3A_553, %max3A_554 : vector<512x150xf32>
      %dot_general3A_556 = arith.constant dense<0.000000e+00> : vector<512x1xf32>
      %dot_general3A_557 = tpu.matmul %max3A_555, %get3A_216, %dot_general3A_556 {dimension_numbers = #tpu.dot_dimension_numbers<[1], [0], [0], [1], [0, 0, 1, 1], [], []>, precision = #tpu.contract_precision<fp32>, transpose_lhs_hint = false} : vector<512x150xf32>, vector<150x1xf32>, vector<512x1xf32> -> vector<512x1xf32>
      %add3A_558 = vector.broadcast %get3A_219 : vector<1x1xf32> to vector<512x1xf32>
      %add3A_559 = arith.addf %dot_general3A_557, %add3A_558 : vector<512x1xf32>
      %swap3A_560 = arith.constant 0 : index
      %swap3A_561 = arith.constant 0 : index
      %swap3A_562 = vector.load %arg12[%swap3A_560, %swap3A_561] : memref<10060x1xf32, #tpu.memory_space<vmem>>, vector<512x1xf32>
      tpu.vector_store %arg12[%swap3A_560, %swap3A_561], %add3A_559 {strides = array<i32>} : memref<10060x1xf32, #tpu.memory_space<vmem>>, vector<512x1xf32>,
      %get3A_563 = arith.constant 512 : index
      %get3A_564 = arith.constant 0 : index
      %get3A_565 = vector.load %arg14[%get3A_563, %get3A_564] : memref<2515x150xf32, #tpu.memory_space<vmem>>, vector<512x150xf32>
      %get3A_566 = arith.constant 0 : index
      %get3A_567 = arith.constant 512 : index
      %get3A_568 = arith.constant 0 : index
      %get3A_569 = vector.load %arg13[%get3A_566, %get3A_567, %get3A_568] : memref<4x2515x256xf32, #tpu.memory_space<vmem>>, vector<1x512x256xf32>
      %get3A_570 = vector.shape_cast %get3A_569 : vector<1x512x256xf32> to vector<512x256xf32>
      %dot_general3A_571 = arith.constant dense<0.000000e+00> : vector<512x150xf32>
      %dot_general3A_572 = tpu.matmul %get3A_570, %get3A_232, %dot_general3A_571 {dimension_numbers = #tpu.dot_dimension_numbers<[1], [0], [0], [1], [0, 0, 1, 1], [], []>, precision = #tpu.contract_precision<fp32>, transpose_lhs_hint = false} : vector<512x256xf32>, vector<256x150xf32>, vector<512x150xf32> -> vector<512x150xf32>
      %add3A_573 = arith.addf %get3A_565, %dot_general3A_572 : vector<512x150xf32>
      %add3A_574 = vector.broadcast %get3A_213 : vector<1x150xf32> to vector<512x150xf32>
      %add3A_575 = arith.addf %add3A_573, %add3A_574 : vector<512x150xf32>
      %max3A_576 = arith.constant 0.000000e+00 : f32
      %max3A_577 = vector.broadcast %max3A_576 : f32 to vector<512x150xf32>
      %max3A_578 = arith.maximumf %add3A_575, %max3A_577 : vector<512x150xf32>
      %dot_general3A_579 = arith.constant dense<0.000000e+00> : vector<512x1xf32>
      %dot_general3A_580 = tpu.matmul %max3A_578, %get3A_216, %dot_general3A_579 {dimension_numbers = #tpu.dot_dimension_numbers<[1], [0], [0], [1], [0, 0, 1, 1], [], []>, precision = #tpu.contract_precision<fp32>, transpose_lhs_hint = false} : vector<512x150xf32>, vector<150x1xf32>, vector<512x1xf32> -> vector<512x1xf32>
      %add3A_581 = vector.broadcast %get3A_219 : vector<1x1xf32> to vector<512x1xf32>
      %add3A_582 = arith.addf %dot_general3A_580, %add3A_581 : vector<512x1xf32>
      %swap3A_583 = arith.constant 512 : index
      %swap3A_584 = arith.constant 0 : index
      %swap3A_585 = vector.load %arg12[%swap3A_583, %swap3A_584] : memref<10060x1xf32, #tpu.memory_space<vmem>>, vector<512x1xf32>
      tpu.vector_store %arg12[%swap3A_583, %swap3A_584], %add3A_582 {strides = array<i32>} : memref<10060x1xf32, #tpu.memory_space<vmem>>, vector<512x1xf32>,
      %get3A_586 = arith.constant 1024 : index
      %get3A_587 = arith.constant 0 : index
      %get3A_588 = vector.load %arg14[%get3A_586, %get3A_587] : memref<2515x150xf32, #tpu.memory_space<vmem>>, vector<512x150xf32>
      %get3A_589 = arith.constant 0 : index
      %get3A_590 = arith.constant 1024 : index
      %get3A_591 = arith.constant 0 : index
      %get3A_592 = vector.load %arg13[%get3A_589, %get3A_590, %get3A_591] : memref<4x2515x256xf32, #tpu.memory_space<vmem>>, vector<1x512x256xf32>
      %get3A_593 = vector.shape_cast %get3A_592 : vector<1x512x256xf32> to vector<512x256xf32>
      %dot_general3A_594 = arith.constant dense<0.000000e+00> : vector<512x150xf32>
      %dot_general3A_595 = tpu.matmul %get3A_593, %get3A_232, %dot_general3A_594 {dimension_numbers = #tpu.dot_dimension_numbers<[1], [0], [0], [1], [0, 0, 1, 1], [], []>, precision = #tpu.contract_precision<fp32>, transpose_lhs_hint = false} : vector<512x256xf32>, vector<256x150xf32>, vector<512x150xf32> -> vector<512x150xf32>
      %add3A_596 = arith.addf %get3A_588, %dot_general3A_595 : vector<512x150xf32>
      %add3A_597 = vector.broadcast %get3A_213 : vector<1x150xf32> to vector<512x150xf32>
      %add3A_598 = arith.addf %add3A_596, %add3A_597 : vector<512x150xf32>
      %max3A_599 = arith.constant 0.000000e+00 : f32
      %max3A_600 = vector.broadcast %max3A_599 : f32 to vector<512x150xf32>
      %max3A_601 = arith.maximumf %add3A_598, %max3A_600 : vector<512x150xf32>
      %dot_general3A_602 = arith.constant dense<0.000000e+00> : vector<512x1xf32>
      %dot_general3A_603 = tpu.matmul %max3A_601, %get3A_216, %dot_general3A_602 {dimension_numbers = #tpu.dot_dimension_numbers<[1], [0], [0], [1], [0, 0, 1, 1], [], []>, precision = #tpu.contract_precision<fp32>, transpose_lhs_hint = false} : vector<512x150xf32>, vector<150x1xf32>, vector<512x1xf32> -> vector<512x1xf32>
      %add3A_604 = vector.broadcast %get3A_219 : vector<1x1xf32> to vector<512x1xf32>
      %add3A_605 = arith.addf %dot_general3A_603, %add3A_604 : vector<512x1xf32>
      %swap3A_606 = arith.constant 1024 : index
      %swap3A_607 = arith.constant 0 : index
      %swap3A_608 = vector.load %arg12[%swap3A_606, %swap3A_607] : memref<10060x1xf32, #tpu.memory_space<vmem>>, vector<512x1xf32>
      tpu.vector_store %arg12[%swap3A_606, %swap3A_607], %add3A_605 {strides = array<i32>} : memref<10060x1xf32, #tpu.memory_space<vmem>>, vector<512x1xf32>,
      %get3A_609 = arith.constant 1536 : index
      %get3A_610 = arith.constant 0 : index
      %get3A_611 = vector.load %arg14[%get3A_609, %get3A_610] : memref<2515x150xf32, #tpu.memory_space<vmem>>, vector<512x150xf32>
      %get3A_612 = arith.constant 0 : index
      %get3A_613 = arith.constant 1536 : index
      %get3A_614 = arith.constant 0 : index
      %get3A_615 = vector.load %arg13[%get3A_612, %get3A_613, %get3A_614] : memref<4x2515x256xf32, #tpu.memory_space<vmem>>, vector<1x512x256xf32>
      %get3A_616 = vector.shape_cast %get3A_615 : vector<1x512x256xf32> to vector<512x256xf32>
      %dot_general3A_617 = arith.constant dense<0.000000e+00> : vector<512x150xf32>
      %dot_general3A_618 = tpu.matmul %get3A_616, %get3A_232, %dot_general3A_617 {dimension_numbers = #tpu.dot_dimension_numbers<[1], [0], [0], [1], [0, 0, 1, 1], [], []>, precision = #tpu.contract_precision<fp32>, transpose_lhs_hint = false} : vector<512x256xf32>, vector<256x150xf32>, vector<512x150xf32> -> vector<512x150xf32>
      %add3A_619 = arith.addf %get3A_611, %dot_general3A_618 : vector<512x150xf32>
      %add3A_620 = vector.broadcast %get3A_213 : vector<1x150xf32> to vector<512x150xf32>
      %add3A_621 = arith.addf %add3A_619, %add3A_620 : vector<512x150xf32>
      %max3A_622 = arith.constant 0.000000e+00 : f32
      %max3A_623 = vector.broadcast %max3A_622 : f32 to vector<512x150xf32>
      %max3A_624 = arith.maximumf %add3A_621, %max3A_623 : vector<512x150xf32>
      %dot_general3A_625 = arith.constant dense<0.000000e+00> : vector<512x1xf32>
      %dot_general3A_626 = tpu.matmul %max3A_624, %get3A_216, %dot_general3A_625 {dimension_numbers = #tpu.dot_dimension_numbers<[1], [0], [0], [1], [0, 0, 1, 1], [], []>, precision = #tpu.contract_precision<fp32>, transpose_lhs_hint = false} : vector<512x150xf32>, vector<150x1xf32>, vector<512x1xf32> -> vector<512x1xf32>
      %add3A_627 = vector.broadcast %get3A_219 : vector<1x1xf32> to vector<512x1xf32>
      %add3A_628 = arith.addf %dot_general3A_626, %add3A_627 : vector<512x1xf32>
      %swap3A_629 = arith.constant 1536 : index
      %swap3A_630 = arith.constant 0 : index
      %swap3A_631 = vector.load %arg12[%swap3A_629, %swap3A_630] : memref<10060x1xf32, #tpu.memory_space<vmem>>, vector<512x1xf32>
      tpu.vector_store %arg12[%swap3A_629, %swap3A_630], %add3A_628 {strides = array<i32>} : memref<10060x1xf32, #tpu.memory_space<vmem>>, vector<512x1xf32>,
      %get3A_632 = arith.constant 2048 : index
      %get3A_633 = arith.constant 0 : index
      %get3A_634 = vector.load %arg14[%get3A_632, %get3A_633] : memref<2515x150xf32, #tpu.memory_space<vmem>>, vector<467x150xf32>
      %get3A_635 = arith.constant 0 : index
      %get3A_636 = arith.constant 2048 : index
      %get3A_637 = arith.constant 0 : index
      %get3A_638 = vector.load %arg13[%get3A_635, %get3A_636, %get3A_637] : memref<4x2515x256xf32, #tpu.memory_space<vmem>>, vector<1x467x256xf32>
      %get3A_639 = vector.shape_cast %get3A_638 : vector<1x467x256xf32> to vector<467x256xf32>
      %dot_general3A_640 = arith.constant dense<0.000000e+00> : vector<467x150xf32>
      %dot_general3A_641 = tpu.matmul %get3A_639, %get3A_232, %dot_general3A_640 {dimension_numbers = #tpu.dot_dimension_numbers<[1], [0], [0], [1], [0, 0, 1, 1], [], []>, precision = #tpu.contract_precision<fp32>, transpose_lhs_hint = false} : vector<467x256xf32>, vector<256x150xf32>, vector<467x150xf32> -> vector<467x150xf32>
      %add3A_642 = arith.addf %get3A_634, %dot_general3A_641 : vector<467x150xf32>
      %add3A_643 = vector.broadcast %get3A_213 : vector<1x150xf32> to vector<467x150xf32>
      %add3A_644 = arith.addf %add3A_642, %add3A_643 : vector<467x150xf32>
      %max3A_645 = arith.constant 0.000000e+00 : f32
      %max3A_646 = vector.broadcast %max3A_645 : f32 to vector<467x150xf32>
      %max3A_647 = arith.maximumf %add3A_644, %max3A_646 : vector<467x150xf32>
      %dot_general3A_648 = arith.constant dense<0.000000e+00> : vector<467x1xf32>
      %dot_general3A_649 = tpu.matmul %max3A_647, %get3A_216, %dot_general3A_648 {dimension_numbers = #tpu.dot_dimension_numbers<[1], [0], [0], [1], [0, 0, 1, 1], [], []>, precision = #tpu.contract_precision<fp32>, transpose_lhs_hint = false} : vector<467x150xf32>, vector<150x1xf32>, vector<467x1xf32> -> vector<467x1xf32>
      %add3A_650 = vector.broadcast %get3A_219 : vector<1x1xf32> to vector<467x1xf32>
      %add3A_651 = arith.addf %dot_general3A_649, %add3A_650 : vector<467x1xf32>
      %swap3A_652 = arith.constant 2048 : index
      %swap3A_653 = arith.constant 0 : index
      %swap3A_654 = vector.load %arg12[%swap3A_652, %swap3A_653] : memref<10060x1xf32, #tpu.memory_space<vmem>>, vector<467x1xf32>
      tpu.vector_store %arg12[%swap3A_652, %swap3A_653], %add3A_651 {strides = array<i32>} : memref<10060x1xf32, #tpu.memory_space<vmem>>, vector<467x1xf32>,
      %get3A_655 = arith.constant 256 : index
      %get3A_656 = arith.constant 0 : index
      %get3A_657 = vector.load %arg3[%get3A_655, %get3A_656] : memref<1024x1xf32, #tpu.memory_space<vmem>>, vector<256x1xf32>
      %get3A_658 = arith.constant 256 : index
      %get3A_659 = arith.constant 0 : index
      %get3A_660 = vector.load %arg5[%get3A_658, %get3A_659] : memref<1024x150xf32, #tpu.memory_space<vmem>>, vector<256x150xf32>
      %get3A_661 = arith.constant 256 : index
      %get3A_662 = arith.constant 0 : index
      %get3A_663 = vector.load %arg6[%get3A_661, %get3A_662] : memref<1024x150xf32, #tpu.memory_space<vmem>>, vector<256x150xf32>
      %get3A_664 = arith.constant 256 : index
      %get3A_665 = arith.constant 0 : index
      %get3A_666 = vector.load %arg7[%get3A_664, %get3A_665] : memref<1024x150xf32, #tpu.memory_space<vmem>>, vector<256x150xf32>
      %exp3A_667 = math.exp %get3A_657 : vector<256x1xf32>
      %get3A_668 = arith.constant 0 : index
      %get3A_669 = arith.constant 256 : index
      %get3A_670 = vector.load %arg4[%get3A_668, %get3A_669] : memref<1x1024xf32, #tpu.memory_space<vmem>>, vector<1x256xf32>
      %exp3A_671 = math.exp %get3A_670 : vector<1x256xf32>
      %ge3A_672 = arith.constant 0 : i32
      %ge3A_673 = vector.broadcast %ge3A_672 : i32 to vector<256x256xi32>
      %ge3A_674 = arith.cmpi sge, %sub3A, %ge3A_673 : vector<256x256xi32>
      %lt3A_675 = arith.constant 1 : i32
      %lt3A_676 = vector.broadcast %lt3A_675 : i32 to vector<256x256xi32>
      %lt3A_677 = arith.cmpi slt, %sub3A, %lt3A_676 : vector<256x256xi32>
      %and3A_678 = arith.andi %ge3A_674, %lt3A_677 : vector<256x256xi1>
      %div3A_679 = arith.constant 1.000000e+00 : f32
      %div3A_680 = vector.broadcast %div3A_679 : f32 to vector<256x1xf32>
      %div3A_681 = arith.divf %div3A_680, %exp3A_667 : vector<256x1xf32>
      %mul3A_682 = vector.broadcast %exp3A_671 : vector<1x256xf32> to vector<256x256xf32>
      %mul3A_683 = vector.broadcast %div3A_681 : vector<256x1xf32> to vector<256x256xf32>
      %mul3A_684 = arith.mulf %mul3A_682, %mul3A_683 : vector<256x256xf32>
      %jit3A_685 = arith.constant 0.000000e+00 : f32
      %broadcast_in_dim3A_686 = vector.broadcast %jit3A_685 : f32 to vector<256x256xf32>
      %select_n3A_687 = arith.select %and3A_678, %mul3A_684, %broadcast_in_dim3A_686 : vector<256x256xi1>, vector<256x256xf32>
      %swap3A_688 = arith.constant 1 : index
      %swap3A_689 = arith.constant 0 : index
      %swap3A_690 = arith.constant 0 : index
      %swap3A_691 = vector.load %arg13[%swap3A_688, %swap3A_689, %swap3A_690] : memref<4x2515x256xf32, #tpu.memory_space<vmem>>, vector<1x256x256xf32>
      %swap3A_692 = vector.shape_cast %swap3A_691 : vector<1x256x256xf32> to vector<256x256xf32>
      %swap3A_693 = vector.shape_cast %select_n3A_687 : vector<256x256xf32> to vector<1x256x256xf32>
      tpu.vector_store %arg13[%swap3A_688, %swap3A_689, %swap3A_690], %swap3A_693 {strides = array<i32>} : memref<4x2515x256xf32, #tpu.memory_space<vmem>>, vector<1x256x256xf32>,
      %add3A_694 = arith.addf %get3A_660, %get3A_663 : vector<256x150xf32>
      %swap3A_695 = arith.constant 0 : index
      %swap3A_696 = arith.constant 0 : index
      %swap3A_697 = vector.load %arg14[%swap3A_695, %swap3A_696] : memref<2515x150xf32, #tpu.memory_space<vmem>>, vector<256x150xf32>
      tpu.vector_store %arg14[%swap3A_695, %swap3A_696], %add3A_694 {strides = array<i32>} : memref<2515x150xf32, #tpu.memory_space<vmem>>, vector<256x150xf32>,
      %slice3A_698 = vector.extract_strided_slice %exp3A_667 {offsets = [0, 0], sizes = [255, 1], strides = [1, 1]} : vector<256x1xf32> to vector<255x1xf32>
      %slice3A_699 = vector.extract_strided_slice %exp3A_667 {offsets = [1, 0], sizes = [255, 1], strides = [1, 1]} : vector<256x1xf32> to vector<255x1xf32>
      %add3A_700 = arith.addf %slice3A_698, %slice3A_699 : vector<255x1xf32>
      %slice3A_701 = vector.extract_strided_slice %sub3A {offsets = [0, 0], sizes = [255, 256], strides = [1, 1]} : vector<256x256xi32> to vector<255x256xi32>
      %ge3A_702 = arith.constant 0 : i32
      %ge3A_703 = vector.broadcast %ge3A_702 : i32 to vector<255x256xi32>
      %ge3A_704 = arith.cmpi sge, %slice3A_701, %ge3A_703 : vector<255x256xi32>
      %lt3A_705 = arith.constant 2 : i32
      %lt3A_706 = vector.broadcast %lt3A_705 : i32 to vector<255x256xi32>
      %lt3A_707 = arith.cmpi slt, %slice3A_701, %lt3A_706 : vector<255x256xi32>
      %and3A_708 = arith.andi %ge3A_704, %lt3A_707 : vector<255x256xi1>
      %div3A_709 = arith.constant 1.000000e+00 : f32
      %div3A_710 = vector.broadcast %div3A_709 : f32 to vector<255x1xf32>
      %div3A_711 = arith.divf %div3A_710, %add3A_700 : vector<255x1xf32>
      %mul3A_712 = vector.broadcast %exp3A_671 : vector<1x256xf32> to vector<255x256xf32>
      %mul3A_713 = vector.broadcast %div3A_711 : vector<255x1xf32> to vector<255x256xf32>
      %mul3A_714 = arith.mulf %mul3A_712, %mul3A_713 : vector<255x256xf32>
      %jit3A_715 = arith.constant 0.000000e+00 : f32
      %broadcast_in_dim3A_716 = vector.broadcast %jit3A_715 : f32 to vector<255x256xf32>
      %select_n3A_717 = arith.select %and3A_708, %mul3A_714, %broadcast_in_dim3A_716 : vector<255x256xi1>, vector<255x256xf32>
      %swap3A_718 = arith.constant 1 : index
      %swap3A_719 = arith.constant 256 : index
      %swap3A_720 = arith.constant 0 : index
      %swap3A_721 = vector.load %arg13[%swap3A_718, %swap3A_719, %swap3A_720] : memref<4x2515x256xf32, #tpu.memory_space<vmem>>, vector<1x255x256xf32>
      %swap3A_722 = vector.shape_cast %swap3A_721 : vector<1x255x256xf32> to vector<255x256xf32>
      %swap3A_723 = vector.shape_cast %select_n3A_717 : vector<255x256xf32> to vector<1x255x256xf32>
      tpu.vector_store %arg13[%swap3A_718, %swap3A_719, %swap3A_720], %swap3A_723 {strides = array<i32>} : memref<4x2515x256xf32, #tpu.memory_space<vmem>>, vector<1x255x256xf32>,
      %slice3A_724 = vector.extract_strided_slice %get3A_660 {offsets = [0, 0], sizes = [255, 150], strides = [1, 1]} : vector<256x150xf32> to vector<255x150xf32>
      %slice3A_725 = vector.extract_strided_slice %get3A_663 {offsets = [1, 0], sizes = [255, 150], strides = [1, 1]} : vector<256x150xf32> to vector<255x150xf32>
      %add3A_726 = arith.addf %slice3A_724, %slice3A_725 : vector<255x150xf32>
      %swap3A_727 = arith.constant 256 : index
      %swap3A_728 = arith.constant 0 : index
      %swap3A_729 = vector.load %arg14[%swap3A_727, %swap3A_728] : memref<2515x150xf32, #tpu.memory_space<vmem>>, vector<255x150xf32>
      tpu.vector_store %arg14[%swap3A_727, %swap3A_728], %add3A_726 {strides = array<i32>} : memref<2515x150xf32, #tpu.memory_space<vmem>>, vector<255x150xf32>,
      %slice3A_730 = vector.extract_strided_slice %add3A_700 {offsets = [0, 0], sizes = [254, 1], strides = [1, 1]} : vector<255x1xf32> to vector<254x1xf32>
      %slice3A_731 = vector.extract_strided_slice %exp3A_667 {offsets = [2, 0], sizes = [254, 1], strides = [1, 1]} : vector<256x1xf32> to vector<254x1xf32>
      %add3A_732 = arith.addf %slice3A_730, %slice3A_731 : vector<254x1xf32>
      %slice3A_733 = vector.extract_strided_slice %sub3A {offsets = [0, 0], sizes = [254, 256], strides = [1, 1]} : vector<256x256xi32> to vector<254x256xi32>
      %ge3A_734 = arith.constant 0 : i32
      %ge3A_735 = vector.broadcast %ge3A_734 : i32 to vector<254x256xi32>
      %ge3A_736 = arith.cmpi sge, %slice3A_733, %ge3A_735 : vector<254x256xi32>
      %lt3A_737 = arith.constant 3 : i32
      %lt3A_738 = vector.broadcast %lt3A_737 : i32 to vector<254x256xi32>
      %lt3A_739 = arith.cmpi slt, %slice3A_733, %lt3A_738 : vector<254x256xi32>
      %and3A_740 = arith.andi %ge3A_736, %lt3A_739 : vector<254x256xi1>
      %div3A_741 = arith.constant 1.000000e+00 : f32
      %div3A_742 = vector.broadcast %div3A_741 : f32 to vector<254x1xf32>
      %div3A_743 = arith.divf %div3A_742, %add3A_732 : vector<254x1xf32>
      %mul3A_744 = vector.broadcast %exp3A_671 : vector<1x256xf32> to vector<254x256xf32>
      %mul3A_745 = vector.broadcast %div3A_743 : vector<254x1xf32> to vector<254x256xf32>
      %mul3A_746 = arith.mulf %mul3A_744, %mul3A_745 : vector<254x256xf32>
      %jit3A_747 = arith.constant 0.000000e+00 : f32
      %broadcast_in_dim3A_748 = vector.broadcast %jit3A_747 : f32 to vector<254x256xf32>
      %select_n3A_749 = arith.select %and3A_740, %mul3A_746, %broadcast_in_dim3A_748 : vector<254x256xi1>, vector<254x256xf32>
      %swap3A_750 = arith.constant 1 : index
      %swap3A_751 = arith.constant 511 : index
      %swap3A_752 = arith.constant 0 : index
      %swap3A_753 = vector.load %arg13[%swap3A_750, %swap3A_751, %swap3A_752] : memref<4x2515x256xf32, #tpu.memory_space<vmem>>, vector<1x254x256xf32>
      %swap3A_754 = vector.shape_cast %swap3A_753 : vector<1x254x256xf32> to vector<254x256xf32>
      %swap3A_755 = vector.shape_cast %select_n3A_749 : vector<254x256xf32> to vector<1x254x256xf32>
      tpu.vector_store %arg13[%swap3A_750, %swap3A_751, %swap3A_752], %swap3A_755 {strides = array<i32>} : memref<4x2515x256xf32, #tpu.memory_space<vmem>>, vector<1x254x256xf32>,
      %slice3A_756 = vector.extract_strided_slice %get3A_660 {offsets = [0, 0], sizes = [254, 150], strides = [1, 1]} : vector<256x150xf32> to vector<254x150xf32>
      %slice3A_757 = vector.extract_strided_slice %get3A_663 {offsets = [2, 0], sizes = [254, 150], strides = [1, 1]} : vector<256x150xf32> to vector<254x150xf32>
      %add3A_758 = arith.addf %slice3A_756, %slice3A_757 : vector<254x150xf32>
      %swap3A_759 = arith.constant 511 : index
      %swap3A_760 = arith.constant 0 : index
      %swap3A_761 = vector.load %arg14[%swap3A_759, %swap3A_760] : memref<2515x150xf32, #tpu.memory_space<vmem>>, vector<254x150xf32>
      tpu.vector_store %arg14[%swap3A_759, %swap3A_760], %add3A_758 {strides = array<i32>} : memref<2515x150xf32, #tpu.memory_space<vmem>>, vector<254x150xf32>,
      %slice3A_762 = vector.extract_strided_slice %add3A_732 {offsets = [0, 0], sizes = [253, 1], strides = [1, 1]} : vector<254x1xf32> to vector<253x1xf32>
      %slice3A_763 = vector.extract_strided_slice %exp3A_667 {offsets = [3, 0], sizes = [253, 1], strides = [1, 1]} : vector<256x1xf32> to vector<253x1xf32>
      %add3A_764 = arith.addf %slice3A_762, %slice3A_763 : vector<253x1xf32>
      %slice3A_765 = vector.extract_strided_slice %sub3A {offsets = [0, 0], sizes = [253, 256], strides = [1, 1]} : vector<256x256xi32> to vector<253x256xi32>
      %ge3A_766 = arith.constant 0 : i32
      %ge3A_767 = vector.broadcast %ge3A_766 : i32 to vector<253x256xi32>
      %ge3A_768 = arith.cmpi sge, %slice3A_765, %ge3A_767 : vector<253x256xi32>
      %lt3A_769 = arith.constant 4 : i32
      %lt3A_770 = vector.broadcast %lt3A_769 : i32 to vector<253x256xi32>
      %lt3A_771 = arith.cmpi slt, %slice3A_765, %lt3A_770 : vector<253x256xi32>
      %and3A_772 = arith.andi %ge3A_768, %lt3A_771 : vector<253x256xi1>
      %div3A_773 = arith.constant 1.000000e+00 : f32
      %div3A_774 = vector.broadcast %div3A_773 : f32 to vector<253x1xf32>
      %div3A_775 = arith.divf %div3A_774, %add3A_764 : vector<253x1xf32>
      %mul3A_776 = vector.broadcast %exp3A_671 : vector<1x256xf32> to vector<253x256xf32>
      %mul3A_777 = vector.broadcast %div3A_775 : vector<253x1xf32> to vector<253x256xf32>
      %mul3A_778 = arith.mulf %mul3A_776, %mul3A_777 : vector<253x256xf32>
      %jit3A_779 = arith.constant 0.000000e+00 : f32
      %broadcast_in_dim3A_780 = vector.broadcast %jit3A_779 : f32 to vector<253x256xf32>
      %select_n3A_781 = arith.select %and3A_772, %mul3A_778, %broadcast_in_dim3A_780 : vector<253x256xi1>, vector<253x256xf32>
      %swap3A_782 = arith.constant 1 : index
      %swap3A_783 = arith.constant 765 : index
      %swap3A_784 = arith.constant 0 : index
      %swap3A_785 = vector.load %arg13[%swap3A_782, %swap3A_783, %swap3A_784] : memref<4x2515x256xf32, #tpu.memory_space<vmem>>, vector<1x253x256xf32>
      %swap3A_786 = vector.shape_cast %swap3A_785 : vector<1x253x256xf32> to vector<253x256xf32>
      %swap3A_787 = vector.shape_cast %select_n3A_781 : vector<253x256xf32> to vector<1x253x256xf32>
      tpu.vector_store %arg13[%swap3A_782, %swap3A_783, %swap3A_784], %swap3A_787 {strides = array<i32>} : memref<4x2515x256xf32, #tpu.memory_space<vmem>>, vector<1x253x256xf32>,
      %slice3A_788 = vector.extract_strided_slice %get3A_660 {offsets = [0, 0], sizes = [253, 150], strides = [1, 1]} : vector<256x150xf32> to vector<253x150xf32>
      %slice3A_789 = vector.extract_strided_slice %get3A_663 {offsets = [3, 0], sizes = [253, 150], strides = [1, 1]} : vector<256x150xf32> to vector<253x150xf32>
      %add3A_790 = arith.addf %slice3A_788, %slice3A_789 : vector<253x150xf32>
      %swap3A_791 = arith.constant 765 : index
      %swap3A_792 = arith.constant 0 : index
      %swap3A_793 = vector.load %arg14[%swap3A_791, %swap3A_792] : memref<2515x150xf32, #tpu.memory_space<vmem>>, vector<253x150xf32>
      tpu.vector_store %arg14[%swap3A_791, %swap3A_792], %add3A_790 {strides = array<i32>} : memref<2515x150xf32, #tpu.memory_space<vmem>>, vector<253x150xf32>,
      %slice3A_794 = vector.extract_strided_slice %add3A_764 {offsets = [0, 0], sizes = [252, 1], strides = [1, 1]} : vector<253x1xf32> to vector<252x1xf32>
      %slice3A_795 = vector.extract_strided_slice %exp3A_667 {offsets = [4, 0], sizes = [252, 1], strides = [1, 1]} : vector<256x1xf32> to vector<252x1xf32>
      %add3A_796 = arith.addf %slice3A_794, %slice3A_795 : vector<252x1xf32>
      %slice3A_797 = vector.extract_strided_slice %sub3A {offsets = [0, 0], sizes = [252, 256], strides = [1, 1]} : vector<256x256xi32> to vector<252x256xi32>
      %ge3A_798 = arith.constant 0 : i32
      %ge3A_799 = vector.broadcast %ge3A_798 : i32 to vector<252x256xi32>
      %ge3A_800 = arith.cmpi sge, %slice3A_797, %ge3A_799 : vector<252x256xi32>
      %lt3A_801 = arith.constant 5 : i32
      %lt3A_802 = vector.broadcast %lt3A_801 : i32 to vector<252x256xi32>
      %lt3A_803 = arith.cmpi slt, %slice3A_797, %lt3A_802 : vector<252x256xi32>
      %and3A_804 = arith.andi %ge3A_800, %lt3A_803 : vector<252x256xi1>
      %div3A_805 = arith.constant 1.000000e+00 : f32
      %div3A_806 = vector.broadcast %div3A_805 : f32 to vector<252x1xf32>
      %div3A_807 = arith.divf %div3A_806, %add3A_796 : vector<252x1xf32>
      %mul3A_808 = vector.broadcast %exp3A_671 : vector<1x256xf32> to vector<252x256xf32>
      %mul3A_809 = vector.broadcast %div3A_807 : vector<252x1xf32> to vector<252x256xf32>
      %mul3A_810 = arith.mulf %mul3A_808, %mul3A_809 : vector<252x256xf32>
      %jit3A_811 = arith.constant 0.000000e+00 : f32
      %broadcast_in_dim3A_812 = vector.broadcast %jit3A_811 : f32 to vector<252x256xf32>
      %select_n3A_813 = arith.select %and3A_804, %mul3A_810, %broadcast_in_dim3A_812 : vector<252x256xi1>, vector<252x256xf32>
      %swap3A_814 = arith.constant 1 : index
      %swap3A_815 = arith.constant 1018 : index
      %swap3A_816 = arith.constant 0 : index
      %swap3A_817 = vector.load %arg13[%swap3A_814, %swap3A_815, %swap3A_816] : memref<4x2515x256xf32, #tpu.memory_space<vmem>>, vector<1x252x256xf32>
      %swap3A_818 = vector.shape_cast %swap3A_817 : vector<1x252x256xf32> to vector<252x256xf32>
      %swap3A_819 = vector.shape_cast %select_n3A_813 : vector<252x256xf32> to vector<1x252x256xf32>
      tpu.vector_store %arg13[%swap3A_814, %swap3A_815, %swap3A_816], %swap3A_819 {strides = array<i32>} : memref<4x2515x256xf32, #tpu.memory_space<vmem>>, vector<1x252x256xf32>,
      %slice3A_820 = vector.extract_strided_slice %get3A_660 {offsets = [0, 0], sizes = [252, 150], strides = [1, 1]} : vector<256x150xf32> to vector<252x150xf32>
      %slice3A_821 = vector.extract_strided_slice %get3A_663 {offsets = [4, 0], sizes = [252, 150], strides = [1, 1]} : vector<256x150xf32> to vector<252x150xf32>
      %add3A_822 = arith.addf %slice3A_820, %slice3A_821 : vector<252x150xf32>
      %swap3A_823 = arith.constant 1018 : index
      %swap3A_824 = arith.constant 0 : index
      %swap3A_825 = vector.load %arg14[%swap3A_823, %swap3A_824] : memref<2515x150xf32, #tpu.memory_space<vmem>>, vector<252x150xf32>
      tpu.vector_store %arg14[%swap3A_823, %swap3A_824], %add3A_822 {strides = array<i32>} : memref<2515x150xf32, #tpu.memory_space<vmem>>, vector<252x150xf32>,
      %slice3A_826 = vector.extract_strided_slice %add3A_796 {offsets = [0, 0], sizes = [251, 1], strides = [1, 1]} : vector<252x1xf32> to vector<251x1xf32>
      %slice3A_827 = vector.extract_strided_slice %exp3A_667 {offsets = [5, 0], sizes = [251, 1], strides = [1, 1]} : vector<256x1xf32> to vector<251x1xf32>
      %add3A_828 = arith.addf %slice3A_826, %slice3A_827 : vector<251x1xf32>
      %slice3A_829 = vector.extract_strided_slice %sub3A {offsets = [0, 0], sizes = [251, 256], strides = [1, 1]} : vector<256x256xi32> to vector<251x256xi32>
      %ge3A_830 = arith.constant 0 : i32
      %ge3A_831 = vector.broadcast %ge3A_830 : i32 to vector<251x256xi32>
      %ge3A_832 = arith.cmpi sge, %slice3A_829, %ge3A_831 : vector<251x256xi32>
      %lt3A_833 = arith.constant 6 : i32
      %lt3A_834 = vector.broadcast %lt3A_833 : i32 to vector<251x256xi32>
      %lt3A_835 = arith.cmpi slt, %slice3A_829, %lt3A_834 : vector<251x256xi32>
      %and3A_836 = arith.andi %ge3A_832, %lt3A_835 : vector<251x256xi1>
      %div3A_837 = arith.constant 1.000000e+00 : f32
      %div3A_838 = vector.broadcast %div3A_837 : f32 to vector<251x1xf32>
      %div3A_839 = arith.divf %div3A_838, %add3A_828 : vector<251x1xf32>
      %mul3A_840 = vector.broadcast %exp3A_671 : vector<1x256xf32> to vector<251x256xf32>
      %mul3A_841 = vector.broadcast %div3A_839 : vector<251x1xf32> to vector<251x256xf32>
      %mul3A_842 = arith.mulf %mul3A_840, %mul3A_841 : vector<251x256xf32>
      %jit3A_843 = arith.constant 0.000000e+00 : f32
      %broadcast_in_dim3A_844 = vector.broadcast %jit3A_843 : f32 to vector<251x256xf32>
      %select_n3A_845 = arith.select %and3A_836, %mul3A_842, %broadcast_in_dim3A_844 : vector<251x256xi1>, vector<251x256xf32>
      %swap3A_846 = arith.constant 1 : index
      %swap3A_847 = arith.constant 1270 : index
      %swap3A_848 = arith.constant 0 : index
      %swap3A_849 = vector.load %arg13[%swap3A_846, %swap3A_847, %swap3A_848] : memref<4x2515x256xf32, #tpu.memory_space<vmem>>, vector<1x251x256xf32>
      %swap3A_850 = vector.shape_cast %swap3A_849 : vector<1x251x256xf32> to vector<251x256xf32>
      %swap3A_851 = vector.shape_cast %select_n3A_845 : vector<251x256xf32> to vector<1x251x256xf32>
      tpu.vector_store %arg13[%swap3A_846, %swap3A_847, %swap3A_848], %swap3A_851 {strides = array<i32>} : memref<4x2515x256xf32, #tpu.memory_space<vmem>>, vector<1x251x256xf32>,
      %slice3A_852 = vector.extract_strided_slice %get3A_660 {offsets = [0, 0], sizes = [251, 150], strides = [1, 1]} : vector<256x150xf32> to vector<251x150xf32>
      %slice3A_853 = vector.extract_strided_slice %get3A_663 {offsets = [5, 0], sizes = [251, 150], strides = [1, 1]} : vector<256x150xf32> to vector<251x150xf32>
      %add3A_854 = arith.addf %slice3A_852, %slice3A_853 : vector<251x150xf32>
      %swap3A_855 = arith.constant 1270 : index
      %swap3A_856 = arith.constant 0 : index
      %swap3A_857 = vector.load %arg14[%swap3A_855, %swap3A_856] : memref<2515x150xf32, #tpu.memory_space<vmem>>, vector<251x150xf32>
      tpu.vector_store %arg14[%swap3A_855, %swap3A_856], %add3A_854 {strides = array<i32>} : memref<2515x150xf32, #tpu.memory_space<vmem>>, vector<251x150xf32>,
      %slice3A_858 = vector.extract_strided_slice %add3A_828 {offsets = [0, 0], sizes = [250, 1], strides = [1, 1]} : vector<251x1xf32> to vector<250x1xf32>
      %slice3A_859 = vector.extract_strided_slice %exp3A_667 {offsets = [6, 0], sizes = [250, 1], strides = [1, 1]} : vector<256x1xf32> to vector<250x1xf32>
      %add3A_860 = arith.addf %slice3A_858, %slice3A_859 : vector<250x1xf32>
      %slice3A_861 = vector.extract_strided_slice %sub3A {offsets = [0, 0], sizes = [250, 256], strides = [1, 1]} : vector<256x256xi32> to vector<250x256xi32>
      %ge3A_862 = arith.constant 0 : i32
      %ge3A_863 = vector.broadcast %ge3A_862 : i32 to vector<250x256xi32>
      %ge3A_864 = arith.cmpi sge, %slice3A_861, %ge3A_863 : vector<250x256xi32>
      %lt3A_865 = arith.constant 7 : i32
      %lt3A_866 = vector.broadcast %lt3A_865 : i32 to vector<250x256xi32>
      %lt3A_867 = arith.cmpi slt, %slice3A_861, %lt3A_866 : vector<250x256xi32>
      %and3A_868 = arith.andi %ge3A_864, %lt3A_867 : vector<250x256xi1>
      %div3A_869 = arith.constant 1.000000e+00 : f32
      %div3A_870 = vector.broadcast %div3A_869 : f32 to vector<250x1xf32>
      %div3A_871 = arith.divf %div3A_870, %add3A_860 : vector<250x1xf32>
      %mul3A_872 = vector.broadcast %exp3A_671 : vector<1x256xf32> to vector<250x256xf32>
      %mul3A_873 = vector.broadcast %div3A_871 : vector<250x1xf32> to vector<250x256xf32>
      %mul3A_874 = arith.mulf %mul3A_872, %mul3A_873 : vector<250x256xf32>
      %jit3A_875 = arith.constant 0.000000e+00 : f32
      %broadcast_in_dim3A_876 = vector.broadcast %jit3A_875 : f32 to vector<250x256xf32>
      %select_n3A_877 = arith.select %and3A_868, %mul3A_874, %broadcast_in_dim3A_876 : vector<250x256xi1>, vector<250x256xf32>
      %swap3A_878 = arith.constant 1 : index
      %swap3A_879 = arith.constant 1521 : index
      %swap3A_880 = arith.constant 0 : index
      %swap3A_881 = vector.load %arg13[%swap3A_878, %swap3A_879, %swap3A_880] : memref<4x2515x256xf32, #tpu.memory_space<vmem>>, vector<1x250x256xf32>
      %swap3A_882 = vector.shape_cast %swap3A_881 : vector<1x250x256xf32> to vector<250x256xf32>
      %swap3A_883 = vector.shape_cast %select_n3A_877 : vector<250x256xf32> to vector<1x250x256xf32>
      tpu.vector_store %arg13[%swap3A_878, %swap3A_879, %swap3A_880], %swap3A_883 {strides = array<i32>} : memref<4x2515x256xf32, #tpu.memory_space<vmem>>, vector<1x250x256xf32>,
      %slice3A_884 = vector.extract_strided_slice %get3A_660 {offsets = [0, 0], sizes = [250, 150], strides = [1, 1]} : vector<256x150xf32> to vector<250x150xf32>
      %slice3A_885 = vector.extract_strided_slice %get3A_663 {offsets = [6, 0], sizes = [250, 150], strides = [1, 1]} : vector<256x150xf32> to vector<250x150xf32>
      %add3A_886 = arith.addf %slice3A_884, %slice3A_885 : vector<250x150xf32>
      %swap3A_887 = arith.constant 1521 : index
      %swap3A_888 = arith.constant 0 : index
      %swap3A_889 = vector.load %arg14[%swap3A_887, %swap3A_888] : memref<2515x150xf32, #tpu.memory_space<vmem>>, vector<250x150xf32>
      tpu.vector_store %arg14[%swap3A_887, %swap3A_888], %add3A_886 {strides = array<i32>} : memref<2515x150xf32, #tpu.memory_space<vmem>>, vector<250x150xf32>,
      %slice3A_890 = vector.extract_strided_slice %add3A_860 {offsets = [0, 0], sizes = [249, 1], strides = [1, 1]} : vector<250x1xf32> to vector<249x1xf32>
      %slice3A_891 = vector.extract_strided_slice %exp3A_667 {offsets = [7, 0], sizes = [249, 1], strides = [1, 1]} : vector<256x1xf32> to vector<249x1xf32>
      %add3A_892 = arith.addf %slice3A_890, %slice3A_891 : vector<249x1xf32>
      %slice3A_893 = vector.extract_strided_slice %sub3A {offsets = [0, 0], sizes = [249, 256], strides = [1, 1]} : vector<256x256xi32> to vector<249x256xi32>
      %ge3A_894 = arith.constant 0 : i32
      %ge3A_895 = vector.broadcast %ge3A_894 : i32 to vector<249x256xi32>
      %ge3A_896 = arith.cmpi sge, %slice3A_893, %ge3A_895 : vector<249x256xi32>
      %lt3A_897 = arith.constant 8 : i32
      %lt3A_898 = vector.broadcast %lt3A_897 : i32 to vector<249x256xi32>
      %lt3A_899 = arith.cmpi slt, %slice3A_893, %lt3A_898 : vector<249x256xi32>
      %and3A_900 = arith.andi %ge3A_896, %lt3A_899 : vector<249x256xi1>
      %div3A_901 = arith.constant 1.000000e+00 : f32
      %div3A_902 = vector.broadcast %div3A_901 : f32 to vector<249x1xf32>
      %div3A_903 = arith.divf %div3A_902, %add3A_892 : vector<249x1xf32>
      %mul3A_904 = vector.broadcast %exp3A_671 : vector<1x256xf32> to vector<249x256xf32>
      %mul3A_905 = vector.broadcast %div3A_903 : vector<249x1xf32> to vector<249x256xf32>
      %mul3A_906 = arith.mulf %mul3A_904, %mul3A_905 : vector<249x256xf32>
      %jit3A_907 = arith.constant 0.000000e+00 : f32
      %broadcast_in_dim3A_908 = vector.broadcast %jit3A_907 : f32 to vector<249x256xf32>
      %select_n3A_909 = arith.select %and3A_900, %mul3A_906, %broadcast_in_dim3A_908 : vector<249x256xi1>, vector<249x256xf32>
      %swap3A_910 = arith.constant 1 : index
      %swap3A_911 = arith.constant 1771 : index
      %swap3A_912 = arith.constant 0 : index
      %swap3A_913 = vector.load %arg13[%swap3A_910, %swap3A_911, %swap3A_912] : memref<4x2515x256xf32, #tpu.memory_space<vmem>>, vector<1x249x256xf32>
      %swap3A_914 = vector.shape_cast %swap3A_913 : vector<1x249x256xf32> to vector<249x256xf32>
      %swap3A_915 = vector.shape_cast %select_n3A_909 : vector<249x256xf32> to vector<1x249x256xf32>
      tpu.vector_store %arg13[%swap3A_910, %swap3A_911, %swap3A_912], %swap3A_915 {strides = array<i32>} : memref<4x2515x256xf32, #tpu.memory_space<vmem>>, vector<1x249x256xf32>,
      %slice3A_916 = vector.extract_strided_slice %get3A_660 {offsets = [0, 0], sizes = [249, 150], strides = [1, 1]} : vector<256x150xf32> to vector<249x150xf32>
      %slice3A_917 = vector.extract_strided_slice %get3A_663 {offsets = [7, 0], sizes = [249, 150], strides = [1, 1]} : vector<256x150xf32> to vector<249x150xf32>
      %add3A_918 = arith.addf %slice3A_916, %slice3A_917 : vector<249x150xf32>
      %swap3A_919 = arith.constant 1771 : index
      %swap3A_920 = arith.constant 0 : index
      %swap3A_921 = vector.load %arg14[%swap3A_919, %swap3A_920] : memref<2515x150xf32, #tpu.memory_space<vmem>>, vector<249x150xf32>
      tpu.vector_store %arg14[%swap3A_919, %swap3A_920], %add3A_918 {strides = array<i32>} : memref<2515x150xf32, #tpu.memory_space<vmem>>, vector<249x150xf32>,
      %slice3A_922 = vector.extract_strided_slice %add3A_892 {offsets = [0, 0], sizes = [248, 1], strides = [1, 1]} : vector<249x1xf32> to vector<248x1xf32>
      %slice3A_923 = vector.extract_strided_slice %exp3A_667 {offsets = [8, 0], sizes = [248, 1], strides = [1, 1]} : vector<256x1xf32> to vector<248x1xf32>
      %add3A_924 = arith.addf %slice3A_922, %slice3A_923 : vector<248x1xf32>
      %slice3A_925 = vector.extract_strided_slice %sub3A {offsets = [0, 0], sizes = [248, 256], strides = [1, 1]} : vector<256x256xi32> to vector<248x256xi32>
      %ge3A_926 = arith.constant 0 : i32
      %ge3A_927 = vector.broadcast %ge3A_926 : i32 to vector<248x256xi32>
      %ge3A_928 = arith.cmpi sge, %slice3A_925, %ge3A_927 : vector<248x256xi32>
      %lt3A_929 = arith.constant 9 : i32
      %lt3A_930 = vector.broadcast %lt3A_929 : i32 to vector<248x256xi32>
      %lt3A_931 = arith.cmpi slt, %slice3A_925, %lt3A_930 : vector<248x256xi32>
      %and3A_932 = arith.andi %ge3A_928, %lt3A_931 : vector<248x256xi1>
      %div3A_933 = arith.constant 1.000000e+00 : f32
      %div3A_934 = vector.broadcast %div3A_933 : f32 to vector<248x1xf32>
      %div3A_935 = arith.divf %div3A_934, %add3A_924 : vector<248x1xf32>
      %mul3A_936 = vector.broadcast %exp3A_671 : vector<1x256xf32> to vector<248x256xf32>
      %mul3A_937 = vector.broadcast %div3A_935 : vector<248x1xf32> to vector<248x256xf32>
      %mul3A_938 = arith.mulf %mul3A_936, %mul3A_937 : vector<248x256xf32>
      %jit3A_939 = arith.constant 0.000000e+00 : f32
      %broadcast_in_dim3A_940 = vector.broadcast %jit3A_939 : f32 to vector<248x256xf32>
      %select_n3A_941 = arith.select %and3A_932, %mul3A_938, %broadcast_in_dim3A_940 : vector<248x256xi1>, vector<248x256xf32>
      %swap3A_942 = arith.constant 1 : index
      %swap3A_943 = arith.constant 2020 : index
      %swap3A_944 = arith.constant 0 : index
      %swap3A_945 = vector.load %arg13[%swap3A_942, %swap3A_943, %swap3A_944] : memref<4x2515x256xf32, #tpu.memory_space<vmem>>, vector<1x248x256xf32>
      %swap3A_946 = vector.shape_cast %swap3A_945 : vector<1x248x256xf32> to vector<248x256xf32>
      %swap3A_947 = vector.shape_cast %select_n3A_941 : vector<248x256xf32> to vector<1x248x256xf32>
      tpu.vector_store %arg13[%swap3A_942, %swap3A_943, %swap3A_944], %swap3A_947 {strides = array<i32>} : memref<4x2515x256xf32, #tpu.memory_space<vmem>>, vector<1x248x256xf32>,
      %slice3A_948 = vector.extract_strided_slice %get3A_660 {offsets = [0, 0], sizes = [248, 150], strides = [1, 1]} : vector<256x150xf32> to vector<248x150xf32>
      %slice3A_949 = vector.extract_strided_slice %get3A_663 {offsets = [8, 0], sizes = [248, 150], strides = [1, 1]} : vector<256x150xf32> to vector<248x150xf32>
      %add3A_950 = arith.addf %slice3A_948, %slice3A_949 : vector<248x150xf32>
      %swap3A_951 = arith.constant 2020 : index
      %swap3A_952 = arith.constant 0 : index
      %swap3A_953 = vector.load %arg14[%swap3A_951, %swap3A_952] : memref<2515x150xf32, #tpu.memory_space<vmem>>, vector<248x150xf32>
      tpu.vector_store %arg14[%swap3A_951, %swap3A_952], %add3A_950 {strides = array<i32>} : memref<2515x150xf32, #tpu.memory_space<vmem>>, vector<248x150xf32>,
      %slice3A_954 = vector.extract_strided_slice %add3A_924 {offsets = [0, 0], sizes = [247, 1], strides = [1, 1]} : vector<248x1xf32> to vector<247x1xf32>
      %slice3A_955 = vector.extract_strided_slice %exp3A_667 {offsets = [9, 0], sizes = [247, 1], strides = [1, 1]} : vector<256x1xf32> to vector<247x1xf32>
      %add3A_956 = arith.addf %slice3A_954, %slice3A_955 : vector<247x1xf32>
      %slice3A_957 = vector.extract_strided_slice %sub3A {offsets = [0, 0], sizes = [247, 256], strides = [1, 1]} : vector<256x256xi32> to vector<247x256xi32>
      %ge3A_958 = arith.constant 0 : i32
      %ge3A_959 = vector.broadcast %ge3A_958 : i32 to vector<247x256xi32>
      %ge3A_960 = arith.cmpi sge, %slice3A_957, %ge3A_959 : vector<247x256xi32>
      %lt3A_961 = arith.constant 10 : i32
      %lt3A_962 = vector.broadcast %lt3A_961 : i32 to vector<247x256xi32>
      %lt3A_963 = arith.cmpi slt, %slice3A_957, %lt3A_962 : vector<247x256xi32>
      %and3A_964 = arith.andi %ge3A_960, %lt3A_963 : vector<247x256xi1>
      %div3A_965 = arith.constant 1.000000e+00 : f32
      %div3A_966 = vector.broadcast %div3A_965 : f32 to vector<247x1xf32>
      %div3A_967 = arith.divf %div3A_966, %add3A_956 : vector<247x1xf32>
      %mul3A_968 = vector.broadcast %exp3A_671 : vector<1x256xf32> to vector<247x256xf32>
      %mul3A_969 = vector.broadcast %div3A_967 : vector<247x1xf32> to vector<247x256xf32>
      %mul3A_970 = arith.mulf %mul3A_968, %mul3A_969 : vector<247x256xf32>
      %jit3A_971 = arith.constant 0.000000e+00 : f32
      %broadcast_in_dim3A_972 = vector.broadcast %jit3A_971 : f32 to vector<247x256xf32>
      %select_n3A_973 = arith.select %and3A_964, %mul3A_970, %broadcast_in_dim3A_972 : vector<247x256xi1>, vector<247x256xf32>
      %swap3A_974 = arith.constant 1 : index
      %swap3A_975 = arith.constant 2268 : index
      %swap3A_976 = arith.constant 0 : index
      %swap3A_977 = vector.load %arg13[%swap3A_974, %swap3A_975, %swap3A_976] : memref<4x2515x256xf32, #tpu.memory_space<vmem>>, vector<1x247x256xf32>
      %swap3A_978 = vector.shape_cast %swap3A_977 : vector<1x247x256xf32> to vector<247x256xf32>
      %swap3A_979 = vector.shape_cast %select_n3A_973 : vector<247x256xf32> to vector<1x247x256xf32>
      tpu.vector_store %arg13[%swap3A_974, %swap3A_975, %swap3A_976], %swap3A_979 {strides = array<i32>} : memref<4x2515x256xf32, #tpu.memory_space<vmem>>, vector<1x247x256xf32>,
      %slice3A_980 = vector.extract_strided_slice %get3A_660 {offsets = [0, 0], sizes = [247, 150], strides = [1, 1]} : vector<256x150xf32> to vector<247x150xf32>
      %slice3A_981 = vector.extract_strided_slice %get3A_663 {offsets = [9, 0], sizes = [247, 150], strides = [1, 1]} : vector<256x150xf32> to vector<247x150xf32>
      %add3A_982 = arith.addf %slice3A_980, %slice3A_981 : vector<247x150xf32>
      %swap3A_983 = arith.constant 2268 : index
      %swap3A_984 = arith.constant 0 : index
      %swap3A_985 = vector.load %arg14[%swap3A_983, %swap3A_984] : memref<2515x150xf32, #tpu.memory_space<vmem>>, vector<247x150xf32>
      tpu.vector_store %arg14[%swap3A_983, %swap3A_984], %add3A_982 {strides = array<i32>} : memref<2515x150xf32, #tpu.memory_space<vmem>>, vector<247x150xf32>,
      %get3A_986 = arith.constant 0 : index
      %get3A_987 = arith.constant 0 : index
      %get3A_988 = vector.load %arg14[%get3A_986, %get3A_987] : memref<2515x150xf32, #tpu.memory_space<vmem>>, vector<512x150xf32>
      %get3A_989 = arith.constant 1 : index
      %get3A_990 = arith.constant 0 : index
      %get3A_991 = arith.constant 0 : index
      %get3A_992 = vector.load %arg13[%get3A_989, %get3A_990, %get3A_991] : memref<4x2515x256xf32, #tpu.memory_space<vmem>>, vector<1x512x256xf32>
      %get3A_993 = vector.shape_cast %get3A_992 : vector<1x512x256xf32> to vector<512x256xf32>
      %dot_general3A_994 = arith.constant dense<0.000000e+00> : vector<512x150xf32>
      %dot_general3A_995 = tpu.matmul %get3A_993, %get3A_666, %dot_general3A_994 {dimension_numbers = #tpu.dot_dimension_numbers<[1], [0], [0], [1], [0, 0, 1, 1], [], []>, precision = #tpu.contract_precision<fp32>, transpose_lhs_hint = false} : vector<512x256xf32>, vector<256x150xf32>, vector<512x150xf32> -> vector<512x150xf32>
      %add3A_996 = arith.addf %get3A_988, %dot_general3A_995 : vector<512x150xf32>
      %add3A_997 = vector.broadcast %get3A_213 : vector<1x150xf32> to vector<512x150xf32>
      %add3A_998 = arith.addf %add3A_996, %add3A_997 : vector<512x150xf32>
      %max3A_999 = arith.constant 0.000000e+00 : f32
      %max3A_1000 = vector.broadcast %max3A_999 : f32 to vector<512x150xf32>
      %max3A_1001 = arith.maximumf %add3A_998, %max3A_1000 : vector<512x150xf32>
      %dot_general3A_1002 = arith.constant dense<0.000000e+00> : vector<512x1xf32>
      %dot_general3A_1003 = tpu.matmul %max3A_1001, %get3A_216, %dot_general3A_1002 {dimension_numbers = #tpu.dot_dimension_numbers<[1], [0], [0], [1], [0, 0, 1, 1], [], []>, precision = #tpu.contract_precision<fp32>, transpose_lhs_hint = false} : vector<512x150xf32>, vector<150x1xf32>, vector<512x1xf32> -> vector<512x1xf32>
      %add3A_1004 = vector.broadcast %get3A_219 : vector<1x1xf32> to vector<512x1xf32>
      %add3A_1005 = arith.addf %dot_general3A_1003, %add3A_1004 : vector<512x1xf32>
      %swap3A_1006 = arith.constant 2515 : index
      %swap3A_1007 = arith.constant 0 : index
      %swap3A_1008 = vector.load %arg12[%swap3A_1006, %swap3A_1007] : memref<10060x1xf32, #tpu.memory_space<vmem>>, vector<512x1xf32>
      tpu.vector_store %arg12[%swap3A_1006, %swap3A_1007], %add3A_1005 {strides = array<i32>} : memref<10060x1xf32, #tpu.memory_space<vmem>>, vector<512x1xf32>,
      %get3A_1009 = arith.constant 512 : index
      %get3A_1010 = arith.constant 0 : index
      %get3A_1011 = vector.load %arg14[%get3A_1009, %get3A_1010] : memref<2515x150xf32, #tpu.memory_space<vmem>>, vector<512x150xf32>
      %get3A_1012 = arith.constant 1 : index
      %get3A_1013 = arith.constant 512 : index
      %get3A_1014 = arith.constant 0 : index
      %get3A_1015 = vector.load %arg13[%get3A_1012, %get3A_1013, %get3A_1014] : memref<4x2515x256xf32, #tpu.memory_space<vmem>>, vector<1x512x256xf32>
      %get3A_1016 = vector.shape_cast %get3A_1015 : vector<1x512x256xf32> to vector<512x256xf32>
      %dot_general3A_1017 = arith.constant dense<0.000000e+00> : vector<512x150xf32>
      %dot_general3A_1018 = tpu.matmul %get3A_1016, %get3A_666, %dot_general3A_1017 {dimension_numbers = #tpu.dot_dimension_numbers<[1], [0], [0], [1], [0, 0, 1, 1], [], []>, precision = #tpu.contract_precision<fp32>, transpose_lhs_hint = false} : vector<512x256xf32>, vector<256x150xf32>, vector<512x150xf32> -> vector<512x150xf32>
      %add3A_1019 = arith.addf %get3A_1011, %dot_general3A_1018 : vector<512x150xf32>
      %add3A_1020 = vector.broadcast %get3A_213 : vector<1x150xf32> to vector<512x150xf32>
      %add3A_1021 = arith.addf %add3A_1019, %add3A_1020 : vector<512x150xf32>
      %max3A_1022 = arith.constant 0.000000e+00 : f32
      %max3A_1023 = vector.broadcast %max3A_1022 : f32 to vector<512x150xf32>
      %max3A_1024 = arith.maximumf %add3A_1021, %max3A_1023 : vector<512x150xf32>
      %dot_general3A_1025 = arith.constant dense<0.000000e+00> : vector<512x1xf32>
      %dot_general3A_1026 = tpu.matmul %max3A_1024, %get3A_216, %dot_general3A_1025 {dimension_numbers = #tpu.dot_dimension_numbers<[1], [0], [0], [1], [0, 0, 1, 1], [], []>, precision = #tpu.contract_precision<fp32>, transpose_lhs_hint = false} : vector<512x150xf32>, vector<150x1xf32>, vector<512x1xf32> -> vector<512x1xf32>
      %add3A_1027 = vector.broadcast %get3A_219 : vector<1x1xf32> to vector<512x1xf32>
      %add3A_1028 = arith.addf %dot_general3A_1026, %add3A_1027 : vector<512x1xf32>
      %swap3A_1029 = arith.constant 3027 : index
      %swap3A_1030 = arith.constant 0 : index
      %swap3A_1031 = vector.load %arg12[%swap3A_1029, %swap3A_1030] : memref<10060x1xf32, #tpu.memory_space<vmem>>, vector<512x1xf32>
      tpu.vector_store %arg12[%swap3A_1029, %swap3A_1030], %add3A_1028 {strides = array<i32>} : memref<10060x1xf32, #tpu.memory_space<vmem>>, vector<512x1xf32>,
      %get3A_1032 = arith.constant 1024 : index
      %get3A_1033 = arith.constant 0 : index
      %get3A_1034 = vector.load %arg14[%get3A_1032, %get3A_1033] : memref<2515x150xf32, #tpu.memory_space<vmem>>, vector<512x150xf32>
      %get3A_1035 = arith.constant 1 : index
      %get3A_1036 = arith.constant 1024 : index
      %get3A_1037 = arith.constant 0 : index
      %get3A_1038 = vector.load %arg13[%get3A_1035, %get3A_1036, %get3A_1037] : memref<4x2515x256xf32, #tpu.memory_space<vmem>>, vector<1x512x256xf32>
      %get3A_1039 = vector.shape_cast %get3A_1038 : vector<1x512x256xf32> to vector<512x256xf32>
      %dot_general3A_1040 = arith.constant dense<0.000000e+00> : vector<512x150xf32>
      %dot_general3A_1041 = tpu.matmul %get3A_1039, %get3A_666, %dot_general3A_1040 {dimension_numbers = #tpu.dot_dimension_numbers<[1], [0], [0], [1], [0, 0, 1, 1], [], []>, precision = #tpu.contract_precision<fp32>, transpose_lhs_hint = false} : vector<512x256xf32>, vector<256x150xf32>, vector<512x150xf32> -> vector<512x150xf32>
      %add3A_1042 = arith.addf %get3A_1034, %dot_general3A_1041 : vector<512x150xf32>
      %add3A_1043 = vector.broadcast %get3A_213 : vector<1x150xf32> to vector<512x150xf32>
      %add3A_1044 = arith.addf %add3A_1042, %add3A_1043 : vector<512x150xf32>
      %max3A_1045 = arith.constant 0.000000e+00 : f32
      %max3A_1046 = vector.broadcast %max3A_1045 : f32 to vector<512x150xf32>
      %max3A_1047 = arith.maximumf %add3A_1044, %max3A_1046 : vector<512x150xf32>
      %dot_general3A_1048 = arith.constant dense<0.000000e+00> : vector<512x1xf32>
      %dot_general3A_1049 = tpu.matmul %max3A_1047, %get3A_216, %dot_general3A_1048 {dimension_numbers = #tpu.dot_dimension_numbers<[1], [0], [0], [1], [0, 0, 1, 1], [], []>, precision = #tpu.contract_precision<fp32>, transpose_lhs_hint = false} : vector<512x150xf32>, vector<150x1xf32>, vector<512x1xf32> -> vector<512x1xf32>
      %add3A_1050 = vector.broadcast %get3A_219 : vector<1x1xf32> to vector<512x1xf32>
      %add3A_1051 = arith.addf %dot_general3A_1049, %add3A_1050 : vector<512x1xf32>
      %swap3A_1052 = arith.constant 3539 : index
      %swap3A_1053 = arith.constant 0 : index
      %swap3A_1054 = vector.load %arg12[%swap3A_1052, %swap3A_1053] : memref<10060x1xf32, #tpu.memory_space<vmem>>, vector<512x1xf32>
      tpu.vector_store %arg12[%swap3A_1052, %swap3A_1053], %add3A_1051 {strides = array<i32>} : memref<10060x1xf32, #tpu.memory_space<vmem>>, vector<512x1xf32>,
      %get3A_1055 = arith.constant 1536 : index
      %get3A_1056 = arith.constant 0 : index
      %get3A_1057 = vector.load %arg14[%get3A_1055, %get3A_1056] : memref<2515x150xf32, #tpu.memory_space<vmem>>, vector<512x150xf32>
      %get3A_1058 = arith.constant 1 : index
      %get3A_1059 = arith.constant 1536 : index
      %get3A_1060 = arith.constant 0 : index
      %get3A_1061 = vector.load %arg13[%get3A_1058, %get3A_1059, %get3A_1060] : memref<4x2515x256xf32, #tpu.memory_space<vmem>>, vector<1x512x256xf32>
      %get3A_1062 = vector.shape_cast %get3A_1061 : vector<1x512x256xf32> to vector<512x256xf32>
      %dot_general3A_1063 = arith.constant dense<0.000000e+00> : vector<512x150xf32>
      %dot_general3A_1064 = tpu.matmul %get3A_1062, %get3A_666, %dot_general3A_1063 {dimension_numbers = #tpu.dot_dimension_numbers<[1], [0], [0], [1], [0, 0, 1, 1], [], []>, precision = #tpu.contract_precision<fp32>, transpose_lhs_hint = false} : vector<512x256xf32>, vector<256x150xf32>, vector<512x150xf32> -> vector<512x150xf32>
      %add3A_1065 = arith.addf %get3A_1057, %dot_general3A_1064 : vector<512x150xf32>
      %add3A_1066 = vector.broadcast %get3A_213 : vector<1x150xf32> to vector<512x150xf32>
      %add3A_1067 = arith.addf %add3A_1065, %add3A_1066 : vector<512x150xf32>
      %max3A_1068 = arith.constant 0.000000e+00 : f32
      %max3A_1069 = vector.broadcast %max3A_1068 : f32 to vector<512x150xf32>
      %max3A_1070 = arith.maximumf %add3A_1067, %max3A_1069 : vector<512x150xf32>
      %dot_general3A_1071 = arith.constant dense<0.000000e+00> : vector<512x1xf32>
      %dot_general3A_1072 = tpu.matmul %max3A_1070, %get3A_216, %dot_general3A_1071 {dimension_numbers = #tpu.dot_dimension_numbers<[1], [0], [0], [1], [0, 0, 1, 1], [], []>, precision = #tpu.contract_precision<fp32>, transpose_lhs_hint = false} : vector<512x150xf32>, vector<150x1xf32>, vector<512x1xf32> -> vector<512x1xf32>
      %add3A_1073 = vector.broadcast %get3A_219 : vector<1x1xf32> to vector<512x1xf32>
      %add3A_1074 = arith.addf %dot_general3A_1072, %add3A_1073 : vector<512x1xf32>
      %swap3A_1075 = arith.constant 4051 : index
      %swap3A_1076 = arith.constant 0 : index
      %swap3A_1077 = vector.load %arg12[%swap3A_1075, %swap3A_1076] : memref<10060x1xf32, #tpu.memory_space<vmem>>, vector<512x1xf32>
      tpu.vector_store %arg12[%swap3A_1075, %swap3A_1076], %add3A_1074 {strides = array<i32>} : memref<10060x1xf32, #tpu.memory_space<vmem>>, vector<512x1xf32>,
      %get3A_1078 = arith.constant 2048 : index
      %get3A_1079 = arith.constant 0 : index
      %get3A_1080 = vector.load %arg14[%get3A_1078, %get3A_1079] : memref<2515x150xf32, #tpu.memory_space<vmem>>, vector<467x150xf32>
      %get3A_1081 = arith.constant 1 : index
      %get3A_1082 = arith.constant 2048 : index
      %get3A_1083 = arith.constant 0 : index
      %get3A_1084 = vector.load %arg13[%get3A_1081, %get3A_1082, %get3A_1083] : memref<4x2515x256xf32, #tpu.memory_space<vmem>>, vector<1x467x256xf32>
      %get3A_1085 = vector.shape_cast %get3A_1084 : vector<1x467x256xf32> to vector<467x256xf32>
      %dot_general3A_1086 = arith.constant dense<0.000000e+00> : vector<467x150xf32>
      %dot_general3A_1087 = tpu.matmul %get3A_1085, %get3A_666, %dot_general3A_1086 {dimension_numbers = #tpu.dot_dimension_numbers<[1], [0], [0], [1], [0, 0, 1, 1], [], []>, precision = #tpu.contract_precision<fp32>, transpose_lhs_hint = false} : vector<467x256xf32>, vector<256x150xf32>, vector<467x150xf32> -> vector<467x150xf32>
      %add3A_1088 = arith.addf %get3A_1080, %dot_general3A_1087 : vector<467x150xf32>
      %add3A_1089 = vector.broadcast %get3A_213 : vector<1x150xf32> to vector<467x150xf32>
      %add3A_1090 = arith.addf %add3A_1088, %add3A_1089 : vector<467x150xf32>
      %max3A_1091 = arith.constant 0.000000e+00 : f32
      %max3A_1092 = vector.broadcast %max3A_1091 : f32 to vector<467x150xf32>
      %max3A_1093 = arith.maximumf %add3A_1090, %max3A_1092 : vector<467x150xf32>
      %dot_general3A_1094 = arith.constant dense<0.000000e+00> : vector<467x1xf32>
      %dot_general3A_1095 = tpu.matmul %max3A_1093, %get3A_216, %dot_general3A_1094 {dimension_numbers = #tpu.dot_dimension_numbers<[1], [0], [0], [1], [0, 0, 1, 1], [], []>, precision = #tpu.contract_precision<fp32>, transpose_lhs_hint = false} : vector<467x150xf32>, vector<150x1xf32>, vector<467x1xf32> -> vector<467x1xf32>
      %add3A_1096 = vector.broadcast %get3A_219 : vector<1x1xf32> to vector<467x1xf32>
      %add3A_1097 = arith.addf %dot_general3A_1095, %add3A_1096 : vector<467x1xf32>
      %swap3A_1098 = arith.constant 4563 : index
      %swap3A_1099 = arith.constant 0 : index
      %swap3A_1100 = vector.load %arg12[%swap3A_1098, %swap3A_1099] : memref<10060x1xf32, #tpu.memory_space<vmem>>, vector<467x1xf32>
      tpu.vector_store %arg12[%swap3A_1098, %swap3A_1099], %add3A_1097 {strides = array<i32>} : memref<10060x1xf32, #tpu.memory_space<vmem>>, vector<467x1xf32>,
      %get3A_1101 = arith.constant 512 : index
      %get3A_1102 = arith.constant 0 : index
      %get3A_1103 = vector.load %arg3[%get3A_1101, %get3A_1102] : memref<1024x1xf32, #tpu.memory_space<vmem>>, vector<256x1xf32>
      %get3A_1104 = arith.constant 512 : index
      %get3A_1105 = arith.constant 0 : index
      %get3A_1106 = vector.load %arg5[%get3A_1104, %get3A_1105] : memref<1024x150xf32, #tpu.memory_space<vmem>>, vector<256x150xf32>
      %get3A_1107 = arith.constant 512 : index
      %get3A_1108 = arith.constant 0 : index
      %get3A_1109 = vector.load %arg6[%get3A_1107, %get3A_1108] : memref<1024x150xf32, #tpu.memory_space<vmem>>, vector<256x150xf32>
      %get3A_1110 = arith.constant 512 : index
      %get3A_1111 = arith.constant 0 : index
      %get3A_1112 = vector.load %arg7[%get3A_1110, %get3A_1111] : memref<1024x150xf32, #tpu.memory_space<vmem>>, vector<256x150xf32>
      %exp3A_1113 = math.exp %get3A_1103 : vector<256x1xf32>
      %get3A_1114 = arith.constant 0 : index
      %get3A_1115 = arith.constant 512 : index
      %get3A_1116 = vector.load %arg4[%get3A_1114, %get3A_1115] : memref<1x1024xf32, #tpu.memory_space<vmem>>, vector<1x256xf32>
      %exp3A_1117 = math.exp %get3A_1116 : vector<1x256xf32>
      %ge3A_1118 = arith.constant 0 : i32
      %ge3A_1119 = vector.broadcast %ge3A_1118 : i32 to vector<256x256xi32>
      %ge3A_1120 = arith.cmpi sge, %sub3A, %ge3A_1119 : vector<256x256xi32>
      %lt3A_1121 = arith.constant 1 : i32
      %lt3A_1122 = vector.broadcast %lt3A_1121 : i32 to vector<256x256xi32>
      %lt3A_1123 = arith.cmpi slt, %sub3A, %lt3A_1122 : vector<256x256xi32>
      %and3A_1124 = arith.andi %ge3A_1120, %lt3A_1123 : vector<256x256xi1>
      %div3A_1125 = arith.constant 1.000000e+00 : f32
      %div3A_1126 = vector.broadcast %div3A_1125 : f32 to vector<256x1xf32>
      %div3A_1127 = arith.divf %div3A_1126, %exp3A_1113 : vector<256x1xf32>
      %mul3A_1128 = vector.broadcast %exp3A_1117 : vector<1x256xf32> to vector<256x256xf32>
      %mul3A_1129 = vector.broadcast %div3A_1127 : vector<256x1xf32> to vector<256x256xf32>
      %mul3A_1130 = arith.mulf %mul3A_1128, %mul3A_1129 : vector<256x256xf32>
      %jit3A_1131 = arith.constant 0.000000e+00 : f32
      %broadcast_in_dim3A_1132 = vector.broadcast %jit3A_1131 : f32 to vector<256x256xf32>
      %select_n3A_1133 = arith.select %and3A_1124, %mul3A_1130, %broadcast_in_dim3A_1132 : vector<256x256xi1>, vector<256x256xf32>
      %swap3A_1134 = arith.constant 2 : index
      %swap3A_1135 = arith.constant 0 : index
      %swap3A_1136 = arith.constant 0 : index
      %swap3A_1137 = vector.load %arg13[%swap3A_1134, %swap3A_1135, %swap3A_1136] : memref<4x2515x256xf32, #tpu.memory_space<vmem>>, vector<1x256x256xf32>
      %swap3A_1138 = vector.shape_cast %swap3A_1137 : vector<1x256x256xf32> to vector<256x256xf32>
      %swap3A_1139 = vector.shape_cast %select_n3A_1133 : vector<256x256xf32> to vector<1x256x256xf32>
      tpu.vector_store %arg13[%swap3A_1134, %swap3A_1135, %swap3A_1136], %swap3A_1139 {strides = array<i32>} : memref<4x2515x256xf32, #tpu.memory_space<vmem>>, vector<1x256x256xf32>,
      %add3A_1140 = arith.addf %get3A_1106, %get3A_1109 : vector<256x150xf32>
      %swap3A_1141 = arith.constant 0 : index
      %swap3A_1142 = arith.constant 0 : index
      %swap3A_1143 = vector.load %arg14[%swap3A_1141, %swap3A_1142] : memref<2515x150xf32, #tpu.memory_space<vmem>>, vector<256x150xf32>
      tpu.vector_store %arg14[%swap3A_1141, %swap3A_1142], %add3A_1140 {strides = array<i32>} : memref<2515x150xf32, #tpu.memory_space<vmem>>, vector<256x150xf32>,
      %slice3A_1144 = vector.extract_strided_slice %exp3A_1113 {offsets = [0, 0], sizes = [255, 1], strides = [1, 1]} : vector<256x1xf32> to vector<255x1xf32>
      %slice3A_1145 = vector.extract_strided_slice %exp3A_1113 {offsets = [1, 0], sizes = [255, 1], strides = [1, 1]} : vector<256x1xf32> to vector<255x1xf32>
      %add3A_1146 = arith.addf %slice3A_1144, %slice3A_1145 : vector<255x1xf32>
      %slice3A_1147 = vector.extract_strided_slice %sub3A {offsets = [0, 0], sizes = [255, 256], strides = [1, 1]} : vector<256x256xi32> to vector<255x256xi32>
      %ge3A_1148 = arith.constant 0 : i32
      %ge3A_1149 = vector.broadcast %ge3A_1148 : i32 to vector<255x256xi32>
      %ge3A_1150 = arith.cmpi sge, %slice3A_1147, %ge3A_1149 : vector<255x256xi32>
      %lt3A_1151 = arith.constant 2 : i32
      %lt3A_1152 = vector.broadcast %lt3A_1151 : i32 to vector<255x256xi32>
      %lt3A_1153 = arith.cmpi slt, %slice3A_1147, %lt3A_1152 : vector<255x256xi32>
      %and3A_1154 = arith.andi %ge3A_1150, %lt3A_1153 : vector<255x256xi1>
      %div3A_1155 = arith.constant 1.000000e+00 : f32
      %div3A_1156 = vector.broadcast %div3A_1155 : f32 to vector<255x1xf32>
      %div3A_1157 = arith.divf %div3A_1156, %add3A_1146 : vector<255x1xf32>
      %mul3A_1158 = vector.broadcast %exp3A_1117 : vector<1x256xf32> to vector<255x256xf32>
      %mul3A_1159 = vector.broadcast %div3A_1157 : vector<255x1xf32> to vector<255x256xf32>
      %mul3A_1160 = arith.mulf %mul3A_1158, %mul3A_1159 : vector<255x256xf32>
      %jit3A_1161 = arith.constant 0.000000e+00 : f32
      %broadcast_in_dim3A_1162 = vector.broadcast %jit3A_1161 : f32 to vector<255x256xf32>
      %select_n3A_1163 = arith.select %and3A_1154, %mul3A_1160, %broadcast_in_dim3A_1162 : vector<255x256xi1>, vector<255x256xf32>
      %swap3A_1164 = arith.constant 2 : index
      %swap3A_1165 = arith.constant 256 : index
      %swap3A_1166 = arith.constant 0 : index
      %swap3A_1167 = vector.load %arg13[%swap3A_1164, %swap3A_1165, %swap3A_1166] : memref<4x2515x256xf32, #tpu.memory_space<vmem>>, vector<1x255x256xf32>
      %swap3A_1168 = vector.shape_cast %swap3A_1167 : vector<1x255x256xf32> to vector<255x256xf32>
      %swap3A_1169 = vector.shape_cast %select_n3A_1163 : vector<255x256xf32> to vector<1x255x256xf32>
      tpu.vector_store %arg13[%swap3A_1164, %swap3A_1165, %swap3A_1166], %swap3A_1169 {strides = array<i32>} : memref<4x2515x256xf32, #tpu.memory_space<vmem>>, vector<1x255x256xf32>,
      %slice3A_1170 = vector.extract_strided_slice %get3A_1106 {offsets = [0, 0], sizes = [255, 150], strides = [1, 1]} : vector<256x150xf32> to vector<255x150xf32>
      %slice3A_1171 = vector.extract_strided_slice %get3A_1109 {offsets = [1, 0], sizes = [255, 150], strides = [1, 1]} : vector<256x150xf32> to vector<255x150xf32>
      %add3A_1172 = arith.addf %slice3A_1170, %slice3A_1171 : vector<255x150xf32>
      %swap3A_1173 = arith.constant 256 : index
      %swap3A_1174 = arith.constant 0 : index
      %swap3A_1175 = vector.load %arg14[%swap3A_1173, %swap3A_1174] : memref<2515x150xf32, #tpu.memory_space<vmem>>, vector<255x150xf32>
      tpu.vector_store %arg14[%swap3A_1173, %swap3A_1174], %add3A_1172 {strides = array<i32>} : memref<2515x150xf32, #tpu.memory_space<vmem>>, vector<255x150xf32>,
      %slice3A_1176 = vector.extract_strided_slice %add3A_1146 {offsets = [0, 0], sizes = [254, 1], strides = [1, 1]} : vector<255x1xf32> to vector<254x1xf32>
      %slice3A_1177 = vector.extract_strided_slice %exp3A_1113 {offsets = [2, 0], sizes = [254, 1], strides = [1, 1]} : vector<256x1xf32> to vector<254x1xf32>
      %add3A_1178 = arith.addf %slice3A_1176, %slice3A_1177 : vector<254x1xf32>
      %slice3A_1179 = vector.extract_strided_slice %sub3A {offsets = [0, 0], sizes = [254, 256], strides = [1, 1]} : vector<256x256xi32> to vector<254x256xi32>
      %ge3A_1180 = arith.constant 0 : i32
      %ge3A_1181 = vector.broadcast %ge3A_1180 : i32 to vector<254x256xi32>
      %ge3A_1182 = arith.cmpi sge, %slice3A_1179, %ge3A_1181 : vector<254x256xi32>
      %lt3A_1183 = arith.constant 3 : i32
      %lt3A_1184 = vector.broadcast %lt3A_1183 : i32 to vector<254x256xi32>
      %lt3A_1185 = arith.cmpi slt, %slice3A_1179, %lt3A_1184 : vector<254x256xi32>
      %and3A_1186 = arith.andi %ge3A_1182, %lt3A_1185 : vector<254x256xi1>
      %div3A_1187 = arith.constant 1.000000e+00 : f32
      %div3A_1188 = vector.broadcast %div3A_1187 : f32 to vector<254x1xf32>
      %div3A_1189 = arith.divf %div3A_1188, %add3A_1178 : vector<254x1xf32>
      %mul3A_1190 = vector.broadcast %exp3A_1117 : vector<1x256xf32> to vector<254x256xf32>
      %mul3A_1191 = vector.broadcast %div3A_1189 : vector<254x1xf32> to vector<254x256xf32>
      %mul3A_1192 = arith.mulf %mul3A_1190, %mul3A_1191 : vector<254x256xf32>
      %jit3A_1193 = arith.constant 0.000000e+00 : f32
      %broadcast_in_dim3A_1194 = vector.broadcast %jit3A_1193 : f32 to vector<254x256xf32>
      %select_n3A_1195 = arith.select %and3A_1186, %mul3A_1192, %broadcast_in_dim3A_1194 : vector<254x256xi1>, vector<254x256xf32>
      %swap3A_1196 = arith.constant 2 : index
      %swap3A_1197 = arith.constant 511 : index
      %swap3A_1198 = arith.constant 0 : index
      %swap3A_1199 = vector.load %arg13[%swap3A_1196, %swap3A_1197, %swap3A_1198] : memref<4x2515x256xf32, #tpu.memory_space<vmem>>, vector<1x254x256xf32>
      %swap3A_1200 = vector.shape_cast %swap3A_1199 : vector<1x254x256xf32> to vector<254x256xf32>
      %swap3A_1201 = vector.shape_cast %select_n3A_1195 : vector<254x256xf32> to vector<1x254x256xf32>
      tpu.vector_store %arg13[%swap3A_1196, %swap3A_1197, %swap3A_1198], %swap3A_1201 {strides = array<i32>} : memref<4x2515x256xf32, #tpu.memory_space<vmem>>, vector<1x254x256xf32>,
      %slice3A_1202 = vector.extract_strided_slice %get3A_1106 {offsets = [0, 0], sizes = [254, 150], strides = [1, 1]} : vector<256x150xf32> to vector<254x150xf32>
      %slice3A_1203 = vector.extract_strided_slice %get3A_1109 {offsets = [2, 0], sizes = [254, 150], strides = [1, 1]} : vector<256x150xf32> to vector<254x150xf32>
      %add3A_1204 = arith.addf %slice3A_1202, %slice3A_1203 : vector<254x150xf32>
      %swap3A_1205 = arith.constant 511 : index
      %swap3A_1206 = arith.constant 0 : index
      %swap3A_1207 = vector.load %arg14[%swap3A_1205, %swap3A_1206] : memref<2515x150xf32, #tpu.memory_space<vmem>>, vector<254x150xf32>
      tpu.vector_store %arg14[%swap3A_1205, %swap3A_1206], %add3A_1204 {strides = array<i32>} : memref<2515x150xf32, #tpu.memory_space<vmem>>, vector<254x150xf32>,
      %slice3A_1208 = vector.extract_strided_slice %add3A_1178 {offsets = [0, 0], sizes = [253, 1], strides = [1, 1]} : vector<254x1xf32> to vector<253x1xf32>
      %slice3A_1209 = vector.extract_strided_slice %exp3A_1113 {offsets = [3, 0], sizes = [253, 1], strides = [1, 1]} : vector<256x1xf32> to vector<253x1xf32>
      %add3A_1210 = arith.addf %slice3A_1208, %slice3A_1209 : vector<253x1xf32>
      %slice3A_1211 = vector.extract_strided_slice %sub3A {offsets = [0, 0], sizes = [253, 256], strides = [1, 1]} : vector<256x256xi32> to vector<253x256xi32>
      %ge3A_1212 = arith.constant 0 : i32
      %ge3A_1213 = vector.broadcast %ge3A_1212 : i32 to vector<253x256xi32>
      %ge3A_1214 = arith.cmpi sge, %slice3A_1211, %ge3A_1213 : vector<253x256xi32>
      %lt3A_1215 = arith.constant 4 : i32
      %lt3A_1216 = vector.broadcast %lt3A_1215 : i32 to vector<253x256xi32>
      %lt3A_1217 = arith.cmpi slt, %slice3A_1211, %lt3A_1216 : vector<253x256xi32>
      %and3A_1218 = arith.andi %ge3A_1214, %lt3A_1217 : vector<253x256xi1>
      %div3A_1219 = arith.constant 1.000000e+00 : f32
      %div3A_1220 = vector.broadcast %div3A_1219 : f32 to vector<253x1xf32>
      %div3A_1221 = arith.divf %div3A_1220, %add3A_1210 : vector<253x1xf32>
      %mul3A_1222 = vector.broadcast %exp3A_1117 : vector<1x256xf32> to vector<253x256xf32>
      %mul3A_1223 = vector.broadcast %div3A_1221 : vector<253x1xf32> to vector<253x256xf32>
      %mul3A_1224 = arith.mulf %mul3A_1222, %mul3A_1223 : vector<253x256xf32>
      %jit3A_1225 = arith.constant 0.000000e+00 : f32
      %broadcast_in_dim3A_1226 = vector.broadcast %jit3A_1225 : f32 to vector<253x256xf32>
      %select_n3A_1227 = arith.select %and3A_1218, %mul3A_1224, %broadcast_in_dim3A_1226 : vector<253x256xi1>, vector<253x256xf32>
      %swap3A_1228 = arith.constant 2 : index
      %swap3A_1229 = arith.constant 765 : index
      %swap3A_1230 = arith.constant 0 : index
      %swap3A_1231 = vector.load %arg13[%swap3A_1228, %swap3A_1229, %swap3A_1230] : memref<4x2515x256xf32, #tpu.memory_space<vmem>>, vector<1x253x256xf32>
      %swap3A_1232 = vector.shape_cast %swap3A_1231 : vector<1x253x256xf32> to vector<253x256xf32>
      %swap3A_1233 = vector.shape_cast %select_n3A_1227 : vector<253x256xf32> to vector<1x253x256xf32>
      tpu.vector_store %arg13[%swap3A_1228, %swap3A_1229, %swap3A_1230], %swap3A_1233 {strides = array<i32>} : memref<4x2515x256xf32, #tpu.memory_space<vmem>>, vector<1x253x256xf32>,
      %slice3A_1234 = vector.extract_strided_slice %get3A_1106 {offsets = [0, 0], sizes = [253, 150], strides = [1, 1]} : vector<256x150xf32> to vector<253x150xf32>
      %slice3A_1235 = vector.extract_strided_slice %get3A_1109 {offsets = [3, 0], sizes = [253, 150], strides = [1, 1]} : vector<256x150xf32> to vector<253x150xf32>
      %add3A_1236 = arith.addf %slice3A_1234, %slice3A_1235 : vector<253x150xf32>
      %swap3A_1237 = arith.constant 765 : index
      %swap3A_1238 = arith.constant 0 : index
      %swap3A_1239 = vector.load %arg14[%swap3A_1237, %swap3A_1238] : memref<2515x150xf32, #tpu.memory_space<vmem>>, vector<253x150xf32>
      tpu.vector_store %arg14[%swap3A_1237, %swap3A_1238], %add3A_1236 {strides = array<i32>} : memref<2515x150xf32, #tpu.memory_space<vmem>>, vector<253x150xf32>,
      %slice3A_1240 = vector.extract_strided_slice %add3A_1210 {offsets = [0, 0], sizes = [252, 1], strides = [1, 1]} : vector<253x1xf32> to vector<252x1xf32>
      %slice3A_1241 = vector.extract_strided_slice %exp3A_1113 {offsets = [4, 0], sizes = [252, 1], strides = [1, 1]} : vector<256x1xf32> to vector<252x1xf32>
      %add3A_1242 = arith.addf %slice3A_1240, %slice3A_1241 : vector<252x1xf32>
      %slice3A_1243 = vector.extract_strided_slice %sub3A {offsets = [0, 0], sizes = [252, 256], strides = [1, 1]} : vector<256x256xi32> to vector<252x256xi32>
      %ge3A_1244 = arith.constant 0 : i32
      %ge3A_1245 = vector.broadcast %ge3A_1244 : i32 to vector<252x256xi32>
      %ge3A_1246 = arith.cmpi sge, %slice3A_1243, %ge3A_1245 : vector<252x256xi32>
      %lt3A_1247 = arith.constant 5 : i32
      %lt3A_1248 = vector.broadcast %lt3A_1247 : i32 to vector<252x256xi32>
      %lt3A_1249 = arith.cmpi slt, %slice3A_1243, %lt3A_1248 : vector<252x256xi32>
      %and3A_1250 = arith.andi %ge3A_1246, %lt3A_1249 : vector<252x256xi1>
      %div3A_1251 = arith.constant 1.000000e+00 : f32
      %div3A_1252 = vector.broadcast %div3A_1251 : f32 to vector<252x1xf32>
      %div3A_1253 = arith.divf %div3A_1252, %add3A_1242 : vector<252x1xf32>
      %mul3A_1254 = vector.broadcast %exp3A_1117 : vector<1x256xf32> to vector<252x256xf32>
      %mul3A_1255 = vector.broadcast %div3A_1253 : vector<252x1xf32> to vector<252x256xf32>
      %mul3A_1256 = arith.mulf %mul3A_1254, %mul3A_1255 : vector<252x256xf32>
      %jit3A_1257 = arith.constant 0.000000e+00 : f32
      %broadcast_in_dim3A_1258 = vector.broadcast %jit3A_1257 : f32 to vector<252x256xf32>
      %select_n3A_1259 = arith.select %and3A_1250, %mul3A_1256, %broadcast_in_dim3A_1258 : vector<252x256xi1>, vector<252x256xf32>
      %swap3A_1260 = arith.constant 2 : index
      %swap3A_1261 = arith.constant 1018 : index
      %swap3A_1262 = arith.constant 0 : index
      %swap3A_1263 = vector.load %arg13[%swap3A_1260, %swap3A_1261, %swap3A_1262] : memref<4x2515x256xf32, #tpu.memory_space<vmem>>, vector<1x252x256xf32>
      %swap3A_1264 = vector.shape_cast %swap3A_1263 : vector<1x252x256xf32> to vector<252x256xf32>
      %swap3A_1265 = vector.shape_cast %select_n3A_1259 : vector<252x256xf32> to vector<1x252x256xf32>
      tpu.vector_store %arg13[%swap3A_1260, %swap3A_1261, %swap3A_1262], %swap3A_1265 {strides = array<i32>} : memref<4x2515x256xf32, #tpu.memory_space<vmem>>, vector<1x252x256xf32>,
      %slice3A_1266 = vector.extract_strided_slice %get3A_1106 {offsets = [0, 0], sizes = [252, 150], strides = [1, 1]} : vector<256x150xf32> to vector<252x150xf32>
      %slice3A_1267 = vector.extract_strided_slice %get3A_1109 {offsets = [4, 0], sizes = [252, 150], strides = [1, 1]} : vector<256x150xf32> to vector<252x150xf32>
      %add3A_1268 = arith.addf %slice3A_1266, %slice3A_1267 : vector<252x150xf32>
      %swap3A_1269 = arith.constant 1018 : index
      %swap3A_1270 = arith.constant 0 : index
      %swap3A_1271 = vector.load %arg14[%swap3A_1269, %swap3A_1270] : memref<2515x150xf32, #tpu.memory_space<vmem>>, vector<252x150xf32>
      tpu.vector_store %arg14[%swap3A_1269, %swap3A_1270], %add3A_1268 {strides = array<i32>} : memref<2515x150xf32, #tpu.memory_space<vmem>>, vector<252x150xf32>,
      %slice3A_1272 = vector.extract_strided_slice %add3A_1242 {offsets = [0, 0], sizes = [251, 1], strides = [1, 1]} : vector<252x1xf32> to vector<251x1xf32>
      %slice3A_1273 = vector.extract_strided_slice %exp3A_1113 {offsets = [5, 0], sizes = [251, 1], strides = [1, 1]} : vector<256x1xf32> to vector<251x1xf32>
      %add3A_1274 = arith.addf %slice3A_1272, %slice3A_1273 : vector<251x1xf32>
      %slice3A_1275 = vector.extract_strided_slice %sub3A {offsets = [0, 0], sizes = [251, 256], strides = [1, 1]} : vector<256x256xi32> to vector<251x256xi32>
      %ge3A_1276 = arith.constant 0 : i32
      %ge3A_1277 = vector.broadcast %ge3A_1276 : i32 to vector<251x256xi32>
      %ge3A_1278 = arith.cmpi sge, %slice3A_1275, %ge3A_1277 : vector<251x256xi32>
      %lt3A_1279 = arith.constant 6 : i32
      %lt3A_1280 = vector.broadcast %lt3A_1279 : i32 to vector<251x256xi32>
      %lt3A_1281 = arith.cmpi slt, %slice3A_1275, %lt3A_1280 : vector<251x256xi32>
      %and3A_1282 = arith.andi %ge3A_1278, %lt3A_1281 : vector<251x256xi1>
      %div3A_1283 = arith.constant 1.000000e+00 : f32
      %div3A_1284 = vector.broadcast %div3A_1283 : f32 to vector<251x1xf32>
      %div3A_1285 = arith.divf %div3A_1284, %add3A_1274 : vector<251x1xf32>
      %mul3A_1286 = vector.broadcast %exp3A_1117 : vector<1x256xf32> to vector<251x256xf32>
      %mul3A_1287 = vector.broadcast %div3A_1285 : vector<251x1xf32> to vector<251x256xf32>
      %mul3A_1288 = arith.mulf %mul3A_1286, %mul3A_1287 : vector<251x256xf32>
      %jit3A_1289 = arith.constant 0.000000e+00 : f32
      %broadcast_in_dim3A_1290 = vector.broadcast %jit3A_1289 : f32 to vector<251x256xf32>
      %select_n3A_1291 = arith.select %and3A_1282, %mul3A_1288, %broadcast_in_dim3A_1290 : vector<251x256xi1>, vector<251x256xf32>
      %swap3A_1292 = arith.constant 2 : index
      %swap3A_1293 = arith.constant 1270 : index
      %swap3A_1294 = arith.constant 0 : index
      %swap3A_1295 = vector.load %arg13[%swap3A_1292, %swap3A_1293, %swap3A_1294] : memref<4x2515x256xf32, #tpu.memory_space<vmem>>, vector<1x251x256xf32>
      %swap3A_1296 = vector.shape_cast %swap3A_1295 : vector<1x251x256xf32> to vector<251x256xf32>
      %swap3A_1297 = vector.shape_cast %select_n3A_1291 : vector<251x256xf32> to vector<1x251x256xf32>
      tpu.vector_store %arg13[%swap3A_1292, %swap3A_1293, %swap3A_1294], %swap3A_1297 {strides = array<i32>} : memref<4x2515x256xf32, #tpu.memory_space<vmem>>, vector<1x251x256xf32>,
      %slice3A_1298 = vector.extract_strided_slice %get3A_1106 {offsets = [0, 0], sizes = [251, 150], strides = [1, 1]} : vector<256x150xf32> to vector<251x150xf32>
      %slice3A_1299 = vector.extract_strided_slice %get3A_1109 {offsets = [5, 0], sizes = [251, 150], strides = [1, 1]} : vector<256x150xf32> to vector<251x150xf32>
      %add3A_1300 = arith.addf %slice3A_1298, %slice3A_1299 : vector<251x150xf32>
      %swap3A_1301 = arith.constant 1270 : index
      %swap3A_1302 = arith.constant 0 : index
      %swap3A_1303 = vector.load %arg14[%swap3A_1301, %swap3A_1302] : memref<2515x150xf32, #tpu.memory_space<vmem>>, vector<251x150xf32>
      tpu.vector_store %arg14[%swap3A_1301, %swap3A_1302], %add3A_1300 {strides = array<i32>} : memref<2515x150xf32, #tpu.memory_space<vmem>>, vector<251x150xf32>,
      %slice3A_1304 = vector.extract_strided_slice %add3A_1274 {offsets = [0, 0], sizes = [250, 1], strides = [1, 1]} : vector<251x1xf32> to vector<250x1xf32>
      %slice3A_1305 = vector.extract_strided_slice %exp3A_1113 {offsets = [6, 0], sizes = [250, 1], strides = [1, 1]} : vector<256x1xf32> to vector<250x1xf32>
      %add3A_1306 = arith.addf %slice3A_1304, %slice3A_1305 : vector<250x1xf32>
      %slice3A_1307 = vector.extract_strided_slice %sub3A {offsets = [0, 0], sizes = [250, 256], strides = [1, 1]} : vector<256x256xi32> to vector<250x256xi32>
      %ge3A_1308 = arith.constant 0 : i32
      %ge3A_1309 = vector.broadcast %ge3A_1308 : i32 to vector<250x256xi32>
      %ge3A_1310 = arith.cmpi sge, %slice3A_1307, %ge3A_1309 : vector<250x256xi32>
      %lt3A_1311 = arith.constant 7 : i32
      %lt3A_1312 = vector.broadcast %lt3A_1311 : i32 to vector<250x256xi32>
      %lt3A_1313 = arith.cmpi slt, %slice3A_1307, %lt3A_1312 : vector<250x256xi32>
      %and3A_1314 = arith.andi %ge3A_1310, %lt3A_1313 : vector<250x256xi1>
      %div3A_1315 = arith.constant 1.000000e+00 : f32
      %div3A_1316 = vector.broadcast %div3A_1315 : f32 to vector<250x1xf32>
      %div3A_1317 = arith.divf %div3A_1316, %add3A_1306 : vector<250x1xf32>
      %mul3A_1318 = vector.broadcast %exp3A_1117 : vector<1x256xf32> to vector<250x256xf32>
      %mul3A_1319 = vector.broadcast %div3A_1317 : vector<250x1xf32> to vector<250x256xf32>
      %mul3A_1320 = arith.mulf %mul3A_1318, %mul3A_1319 : vector<250x256xf32>
      %jit3A_1321 = arith.constant 0.000000e+00 : f32
      %broadcast_in_dim3A_1322 = vector.broadcast %jit3A_1321 : f32 to vector<250x256xf32>
      %select_n3A_1323 = arith.select %and3A_1314, %mul3A_1320, %broadcast_in_dim3A_1322 : vector<250x256xi1>, vector<250x256xf32>
      %swap3A_1324 = arith.constant 2 : index
      %swap3A_1325 = arith.constant 1521 : index
      %swap3A_1326 = arith.constant 0 : index
      %swap3A_1327 = vector.load %arg13[%swap3A_1324, %swap3A_1325, %swap3A_1326] : memref<4x2515x256xf32, #tpu.memory_space<vmem>>, vector<1x250x256xf32>
      %swap3A_1328 = vector.shape_cast %swap3A_1327 : vector<1x250x256xf32> to vector<250x256xf32>
      %swap3A_1329 = vector.shape_cast %select_n3A_1323 : vector<250x256xf32> to vector<1x250x256xf32>
      tpu.vector_store %arg13[%swap3A_1324, %swap3A_1325, %swap3A_1326], %swap3A_1329 {strides = array<i32>} : memref<4x2515x256xf32, #tpu.memory_space<vmem>>, vector<1x250x256xf32>,
      %slice3A_1330 = vector.extract_strided_slice %get3A_1106 {offsets = [0, 0], sizes = [250, 150], strides = [1, 1]} : vector<256x150xf32> to vector<250x150xf32>
      %slice3A_1331 = vector.extract_strided_slice %get3A_1109 {offsets = [6, 0], sizes = [250, 150], strides = [1, 1]} : vector<256x150xf32> to vector<250x150xf32>
      %add3A_1332 = arith.addf %slice3A_1330, %slice3A_1331 : vector<250x150xf32>
      %swap3A_1333 = arith.constant 1521 : index
      %swap3A_1334 = arith.constant 0 : index
      %swap3A_1335 = vector.load %arg14[%swap3A_1333, %swap3A_1334] : memref<2515x150xf32, #tpu.memory_space<vmem>>, vector<250x150xf32>
      tpu.vector_store %arg14[%swap3A_1333, %swap3A_1334], %add3A_1332 {strides = array<i32>} : memref<2515x150xf32, #tpu.memory_space<vmem>>, vector<250x150xf32>,
      %slice3A_1336 = vector.extract_strided_slice %add3A_1306 {offsets = [0, 0], sizes = [249, 1], strides = [1, 1]} : vector<250x1xf32> to vector<249x1xf32>
      %slice3A_1337 = vector.extract_strided_slice %exp3A_1113 {offsets = [7, 0], sizes = [249, 1], strides = [1, 1]} : vector<256x1xf32> to vector<249x1xf32>
      %add3A_1338 = arith.addf %slice3A_1336, %slice3A_1337 : vector<249x1xf32>
      %slice3A_1339 = vector.extract_strided_slice %sub3A {offsets = [0, 0], sizes = [249, 256], strides = [1, 1]} : vector<256x256xi32> to vector<249x256xi32>
      %ge3A_1340 = arith.constant 0 : i32
      %ge3A_1341 = vector.broadcast %ge3A_1340 : i32 to vector<249x256xi32>
      %ge3A_1342 = arith.cmpi sge, %slice3A_1339, %ge3A_1341 : vector<249x256xi32>
      %lt3A_1343 = arith.constant 8 : i32
      %lt3A_1344 = vector.broadcast %lt3A_1343 : i32 to vector<249x256xi32>
      %lt3A_1345 = arith.cmpi slt, %slice3A_1339, %lt3A_1344 : vector<249x256xi32>
      %and3A_1346 = arith.andi %ge3A_1342, %lt3A_1345 : vector<249x256xi1>
      %div3A_1347 = arith.constant 1.000000e+00 : f32
      %div3A_1348 = vector.broadcast %div3A_1347 : f32 to vector<249x1xf32>
      %div3A_1349 = arith.divf %div3A_1348, %add3A_1338 : vector<249x1xf32>
      %mul3A_1350 = vector.broadcast %exp3A_1117 : vector<1x256xf32> to vector<249x256xf32>
      %mul3A_1351 = vector.broadcast %div3A_1349 : vector<249x1xf32> to vector<249x256xf32>
      %mul3A_1352 = arith.mulf %mul3A_1350, %mul3A_1351 : vector<249x256xf32>
      %jit3A_1353 = arith.constant 0.000000e+00 : f32
      %broadcast_in_dim3A_1354 = vector.broadcast %jit3A_1353 : f32 to vector<249x256xf32>
      %select_n3A_1355 = arith.select %and3A_1346, %mul3A_1352, %broadcast_in_dim3A_1354 : vector<249x256xi1>, vector<249x256xf32>
      %swap3A_1356 = arith.constant 2 : index
      %swap3A_1357 = arith.constant 1771 : index
      %swap3A_1358 = arith.constant 0 : index
      %swap3A_1359 = vector.load %arg13[%swap3A_1356, %swap3A_1357, %swap3A_1358] : memref<4x2515x256xf32, #tpu.memory_space<vmem>>, vector<1x249x256xf32>
      %swap3A_1360 = vector.shape_cast %swap3A_1359 : vector<1x249x256xf32> to vector<249x256xf32>
      %swap3A_1361 = vector.shape_cast %select_n3A_1355 : vector<249x256xf32> to vector<1x249x256xf32>
      tpu.vector_store %arg13[%swap3A_1356, %swap3A_1357, %swap3A_1358], %swap3A_1361 {strides = array<i32>} : memref<4x2515x256xf32, #tpu.memory_space<vmem>>, vector<1x249x256xf32>,
      %slice3A_1362 = vector.extract_strided_slice %get3A_1106 {offsets = [0, 0], sizes = [249, 150], strides = [1, 1]} : vector<256x150xf32> to vector<249x150xf32>
      %slice3A_1363 = vector.extract_strided_slice %get3A_1109 {offsets = [7, 0], sizes = [249, 150], strides = [1, 1]} : vector<256x150xf32> to vector<249x150xf32>
      %add3A_1364 = arith.addf %slice3A_1362, %slice3A_1363 : vector<249x150xf32>
      %swap3A_1365 = arith.constant 1771 : index
      %swap3A_1366 = arith.constant 0 : index
      %swap3A_1367 = vector.load %arg14[%swap3A_1365, %swap3A_1366] : memref<2515x150xf32, #tpu.memory_space<vmem>>, vector<249x150xf32>
      tpu.vector_store %arg14[%swap3A_1365, %swap3A_1366], %add3A_1364 {strides = array<i32>} : memref<2515x150xf32, #tpu.memory_space<vmem>>, vector<249x150xf32>,
      %slice3A_1368 = vector.extract_strided_slice %add3A_1338 {offsets = [0, 0], sizes = [248, 1], strides = [1, 1]} : vector<249x1xf32> to vector<248x1xf32>
      %slice3A_1369 = vector.extract_strided_slice %exp3A_1113 {offsets = [8, 0], sizes = [248, 1], strides = [1, 1]} : vector<256x1xf32> to vector<248x1xf32>
      %add3A_1370 = arith.addf %slice3A_1368, %slice3A_1369 : vector<248x1xf32>
      %slice3A_1371 = vector.extract_strided_slice %sub3A {offsets = [0, 0], sizes = [248, 256], strides = [1, 1]} : vector<256x256xi32> to vector<248x256xi32>
      %ge3A_1372 = arith.constant 0 : i32
      %ge3A_1373 = vector.broadcast %ge3A_1372 : i32 to vector<248x256xi32>
      %ge3A_1374 = arith.cmpi sge, %slice3A_1371, %ge3A_1373 : vector<248x256xi32>
      %lt3A_1375 = arith.constant 9 : i32
      %lt3A_1376 = vector.broadcast %lt3A_1375 : i32 to vector<248x256xi32>
      %lt3A_1377 = arith.cmpi slt, %slice3A_1371, %lt3A_1376 : vector<248x256xi32>
      %and3A_1378 = arith.andi %ge3A_1374, %lt3A_1377 : vector<248x256xi1>
      %div3A_1379 = arith.constant 1.000000e+00 : f32
      %div3A_1380 = vector.broadcast %div3A_1379 : f32 to vector<248x1xf32>
      %div3A_1381 = arith.divf %div3A_1380, %add3A_1370 : vector<248x1xf32>
      %mul3A_1382 = vector.broadcast %exp3A_1117 : vector<1x256xf32> to vector<248x256xf32>
      %mul3A_1383 = vector.broadcast %div3A_1381 : vector<248x1xf32> to vector<248x256xf32>
      %mul3A_1384 = arith.mulf %mul3A_1382, %mul3A_1383 : vector<248x256xf32>
      %jit3A_1385 = arith.constant 0.000000e+00 : f32
      %broadcast_in_dim3A_1386 = vector.broadcast %jit3A_1385 : f32 to vector<248x256xf32>
      %select_n3A_1387 = arith.select %and3A_1378, %mul3A_1384, %broadcast_in_dim3A_1386 : vector<248x256xi1>, vector<248x256xf32>
      %swap3A_1388 = arith.constant 2 : index
      %swap3A_1389 = arith.constant 2020 : index
      %swap3A_1390 = arith.constant 0 : index
      %swap3A_1391 = vector.load %arg13[%swap3A_1388, %swap3A_1389, %swap3A_1390] : memref<4x2515x256xf32, #tpu.memory_space<vmem>>, vector<1x248x256xf32>
      %swap3A_1392 = vector.shape_cast %swap3A_1391 : vector<1x248x256xf32> to vector<248x256xf32>
      %swap3A_1393 = vector.shape_cast %select_n3A_1387 : vector<248x256xf32> to vector<1x248x256xf32>
      tpu.vector_store %arg13[%swap3A_1388, %swap3A_1389, %swap3A_1390], %swap3A_1393 {strides = array<i32>} : memref<4x2515x256xf32, #tpu.memory_space<vmem>>, vector<1x248x256xf32>,
      %slice3A_1394 = vector.extract_strided_slice %get3A_1106 {offsets = [0, 0], sizes = [248, 150], strides = [1, 1]} : vector<256x150xf32> to vector<248x150xf32>
      %slice3A_1395 = vector.extract_strided_slice %get3A_1109 {offsets = [8, 0], sizes = [248, 150], strides = [1, 1]} : vector<256x150xf32> to vector<248x150xf32>
      %add3A_1396 = arith.addf %slice3A_1394, %slice3A_1395 : vector<248x150xf32>
      %swap3A_1397 = arith.constant 2020 : index
      %swap3A_1398 = arith.constant 0 : index
      %swap3A_1399 = vector.load %arg14[%swap3A_1397, %swap3A_1398] : memref<2515x150xf32, #tpu.memory_space<vmem>>, vector<248x150xf32>
      tpu.vector_store %arg14[%swap3A_1397, %swap3A_1398], %add3A_1396 {strides = array<i32>} : memref<2515x150xf32, #tpu.memory_space<vmem>>, vector<248x150xf32>,
      %slice3A_1400 = vector.extract_strided_slice %add3A_1370 {offsets = [0, 0], sizes = [247, 1], strides = [1, 1]} : vector<248x1xf32> to vector<247x1xf32>
      %slice3A_1401 = vector.extract_strided_slice %exp3A_1113 {offsets = [9, 0], sizes = [247, 1], strides = [1, 1]} : vector<256x1xf32> to vector<247x1xf32>
      %add3A_1402 = arith.addf %slice3A_1400, %slice3A_1401 : vector<247x1xf32>
      %slice3A_1403 = vector.extract_strided_slice %sub3A {offsets = [0, 0], sizes = [247, 256], strides = [1, 1]} : vector<256x256xi32> to vector<247x256xi32>
      %ge3A_1404 = arith.constant 0 : i32
      %ge3A_1405 = vector.broadcast %ge3A_1404 : i32 to vector<247x256xi32>
      %ge3A_1406 = arith.cmpi sge, %slice3A_1403, %ge3A_1405 : vector<247x256xi32>
      %lt3A_1407 = arith.constant 10 : i32
      %lt3A_1408 = vector.broadcast %lt3A_1407 : i32 to vector<247x256xi32>
      %lt3A_1409 = arith.cmpi slt, %slice3A_1403, %lt3A_1408 : vector<247x256xi32>
      %and3A_1410 = arith.andi %ge3A_1406, %lt3A_1409 : vector<247x256xi1>
      %div3A_1411 = arith.constant 1.000000e+00 : f32
      %div3A_1412 = vector.broadcast %div3A_1411 : f32 to vector<247x1xf32>
      %div3A_1413 = arith.divf %div3A_1412, %add3A_1402 : vector<247x1xf32>
      %mul3A_1414 = vector.broadcast %exp3A_1117 : vector<1x256xf32> to vector<247x256xf32>
      %mul3A_1415 = vector.broadcast %div3A_1413 : vector<247x1xf32> to vector<247x256xf32>
      %mul3A_1416 = arith.mulf %mul3A_1414, %mul3A_1415 : vector<247x256xf32>
      %jit3A_1417 = arith.constant 0.000000e+00 : f32
      %broadcast_in_dim3A_1418 = vector.broadcast %jit3A_1417 : f32 to vector<247x256xf32>
      %select_n3A_1419 = arith.select %and3A_1410, %mul3A_1416, %broadcast_in_dim3A_1418 : vector<247x256xi1>, vector<247x256xf32>
      %swap3A_1420 = arith.constant 2 : index
      %swap3A_1421 = arith.constant 2268 : index
      %swap3A_1422 = arith.constant 0 : index
      %swap3A_1423 = vector.load %arg13[%swap3A_1420, %swap3A_1421, %swap3A_1422] : memref<4x2515x256xf32, #tpu.memory_space<vmem>>, vector<1x247x256xf32>
      %swap3A_1424 = vector.shape_cast %swap3A_1423 : vector<1x247x256xf32> to vector<247x256xf32>
      %swap3A_1425 = vector.shape_cast %select_n3A_1419 : vector<247x256xf32> to vector<1x247x256xf32>
      tpu.vector_store %arg13[%swap3A_1420, %swap3A_1421, %swap3A_1422], %swap3A_1425 {strides = array<i32>} : memref<4x2515x256xf32, #tpu.memory_space<vmem>>, vector<1x247x256xf32>,
      %slice3A_1426 = vector.extract_strided_slice %get3A_1106 {offsets = [0, 0], sizes = [247, 150], strides = [1, 1]} : vector<256x150xf32> to vector<247x150xf32>
      %slice3A_1427 = vector.extract_strided_slice %get3A_1109 {offsets = [9, 0], sizes = [247, 150], strides = [1, 1]} : vector<256x150xf32> to vector<247x150xf32>
      %add3A_1428 = arith.addf %slice3A_1426, %slice3A_1427 : vector<247x150xf32>
      %swap3A_1429 = arith.constant 2268 : index
      %swap3A_1430 = arith.constant 0 : index
      %swap3A_1431 = vector.load %arg14[%swap3A_1429, %swap3A_1430] : memref<2515x150xf32, #tpu.memory_space<vmem>>, vector<247x150xf32>
      tpu.vector_store %arg14[%swap3A_1429, %swap3A_1430], %add3A_1428 {strides = array<i32>} : memref<2515x150xf32, #tpu.memory_space<vmem>>, vector<247x150xf32>,
      %get3A_1432 = arith.constant 0 : index
      %get3A_1433 = arith.constant 0 : index
      %get3A_1434 = vector.load %arg14[%get3A_1432, %get3A_1433] : memref<2515x150xf32, #tpu.memory_space<vmem>>, vector<512x150xf32>
      %get3A_1435 = arith.constant 2 : index
      %get3A_1436 = arith.constant 0 : index
      %get3A_1437 = arith.constant 0 : index
      %get3A_1438 = vector.load %arg13[%get3A_1435, %get3A_1436, %get3A_1437] : memref<4x2515x256xf32, #tpu.memory_space<vmem>>, vector<1x512x256xf32>
      %get3A_1439 = vector.shape_cast %get3A_1438 : vector<1x512x256xf32> to vector<512x256xf32>
      %dot_general3A_1440 = arith.constant dense<0.000000e+00> : vector<512x150xf32>
      %dot_general3A_1441 = tpu.matmul %get3A_1439, %get3A_1112, %dot_general3A_1440 {dimension_numbers = #tpu.dot_dimension_numbers<[1], [0], [0], [1], [0, 0, 1, 1], [], []>, precision = #tpu.contract_precision<fp32>, transpose_lhs_hint = false} : vector<512x256xf32>, vector<256x150xf32>, vector<512x150xf32> -> vector<512x150xf32>
      %add3A_1442 = arith.addf %get3A_1434, %dot_general3A_1441 : vector<512x150xf32>
      %add3A_1443 = vector.broadcast %get3A_213 : vector<1x150xf32> to vector<512x150xf32>
      %add3A_1444 = arith.addf %add3A_1442, %add3A_1443 : vector<512x150xf32>
      %max3A_1445 = arith.constant 0.000000e+00 : f32
      %max3A_1446 = vector.broadcast %max3A_1445 : f32 to vector<512x150xf32>
      %max3A_1447 = arith.maximumf %add3A_1444, %max3A_1446 : vector<512x150xf32>
      %dot_general3A_1448 = arith.constant dense<0.000000e+00> : vector<512x1xf32>
      %dot_general3A_1449 = tpu.matmul %max3A_1447, %get3A_216, %dot_general3A_1448 {dimension_numbers = #tpu.dot_dimension_numbers<[1], [0], [0], [1], [0, 0, 1, 1], [], []>, precision = #tpu.contract_precision<fp32>, transpose_lhs_hint = false} : vector<512x150xf32>, vector<150x1xf32>, vector<512x1xf32> -> vector<512x1xf32>
      %add3A_1450 = vector.broadcast %get3A_219 : vector<1x1xf32> to vector<512x1xf32>
      %add3A_1451 = arith.addf %dot_general3A_1449, %add3A_1450 : vector<512x1xf32>
      %swap3A_1452 = arith.constant 5030 : index
      %swap3A_1453 = arith.constant 0 : index
      %swap3A_1454 = vector.load %arg12[%swap3A_1452, %swap3A_1453] : memref<10060x1xf32, #tpu.memory_space<vmem>>, vector<512x1xf32>
      tpu.vector_store %arg12[%swap3A_1452, %swap3A_1453], %add3A_1451 {strides = array<i32>} : memref<10060x1xf32, #tpu.memory_space<vmem>>, vector<512x1xf32>,
      %get3A_1455 = arith.constant 512 : index
      %get3A_1456 = arith.constant 0 : index
      %get3A_1457 = vector.load %arg14[%get3A_1455, %get3A_1456] : memref<2515x150xf32, #tpu.memory_space<vmem>>, vector<512x150xf32>
      %get3A_1458 = arith.constant 2 : index
      %get3A_1459 = arith.constant 512 : index
      %get3A_1460 = arith.constant 0 : index
      %get3A_1461 = vector.load %arg13[%get3A_1458, %get3A_1459, %get3A_1460] : memref<4x2515x256xf32, #tpu.memory_space<vmem>>, vector<1x512x256xf32>
      %get3A_1462 = vector.shape_cast %get3A_1461 : vector<1x512x256xf32> to vector<512x256xf32>
      %dot_general3A_1463 = arith.constant dense<0.000000e+00> : vector<512x150xf32>
      %dot_general3A_1464 = tpu.matmul %get3A_1462, %get3A_1112, %dot_general3A_1463 {dimension_numbers = #tpu.dot_dimension_numbers<[1], [0], [0], [1], [0, 0, 1, 1], [], []>, precision = #tpu.contract_precision<fp32>, transpose_lhs_hint = false} : vector<512x256xf32>, vector<256x150xf32>, vector<512x150xf32> -> vector<512x150xf32>
      %add3A_1465 = arith.addf %get3A_1457, %dot_general3A_1464 : vector<512x150xf32>
      %add3A_1466 = vector.broadcast %get3A_213 : vector<1x150xf32> to vector<512x150xf32>
      %add3A_1467 = arith.addf %add3A_1465, %add3A_1466 : vector<512x150xf32>
      %max3A_1468 = arith.constant 0.000000e+00 : f32
      %max3A_1469 = vector.broadcast %max3A_1468 : f32 to vector<512x150xf32>
      %max3A_1470 = arith.maximumf %add3A_1467, %max3A_1469 : vector<512x150xf32>
      %dot_general3A_1471 = arith.constant dense<0.000000e+00> : vector<512x1xf32>
      %dot_general3A_1472 = tpu.matmul %max3A_1470, %get3A_216, %dot_general3A_1471 {dimension_numbers = #tpu.dot_dimension_numbers<[1], [0], [0], [1], [0, 0, 1, 1], [], []>, precision = #tpu.contract_precision<fp32>, transpose_lhs_hint = false} : vector<512x150xf32>, vector<150x1xf32>, vector<512x1xf32> -> vector<512x1xf32>
      %add3A_1473 = vector.broadcast %get3A_219 : vector<1x1xf32> to vector<512x1xf32>
      %add3A_1474 = arith.addf %dot_general3A_1472, %add3A_1473 : vector<512x1xf32>
      %swap3A_1475 = arith.constant 5542 : index
      %swap3A_1476 = arith.constant 0 : index
      %swap3A_1477 = vector.load %arg12[%swap3A_1475, %swap3A_1476] : memref<10060x1xf32, #tpu.memory_space<vmem>>, vector<512x1xf32>
      tpu.vector_store %arg12[%swap3A_1475, %swap3A_1476], %add3A_1474 {strides = array<i32>} : memref<10060x1xf32, #tpu.memory_space<vmem>>, vector<512x1xf32>,
      %get3A_1478 = arith.constant 1024 : index
      %get3A_1479 = arith.constant 0 : index
      %get3A_1480 = vector.load %arg14[%get3A_1478, %get3A_1479] : memref<2515x150xf32, #tpu.memory_space<vmem>>, vector<512x150xf32>
      %get3A_1481 = arith.constant 2 : index
      %get3A_1482 = arith.constant 1024 : index
      %get3A_1483 = arith.constant 0 : index
      %get3A_1484 = vector.load %arg13[%get3A_1481, %get3A_1482, %get3A_1483] : memref<4x2515x256xf32, #tpu.memory_space<vmem>>, vector<1x512x256xf32>
      %get3A_1485 = vector.shape_cast %get3A_1484 : vector<1x512x256xf32> to vector<512x256xf32>
      %dot_general3A_1486 = arith.constant dense<0.000000e+00> : vector<512x150xf32>
      %dot_general3A_1487 = tpu.matmul %get3A_1485, %get3A_1112, %dot_general3A_1486 {dimension_numbers = #tpu.dot_dimension_numbers<[1], [0], [0], [1], [0, 0, 1, 1], [], []>, precision = #tpu.contract_precision<fp32>, transpose_lhs_hint = false} : vector<512x256xf32>, vector<256x150xf32>, vector<512x150xf32> -> vector<512x150xf32>
      %add3A_1488 = arith.addf %get3A_1480, %dot_general3A_1487 : vector<512x150xf32>
      %add3A_1489 = vector.broadcast %get3A_213 : vector<1x150xf32> to vector<512x150xf32>
      %add3A_1490 = arith.addf %add3A_1488, %add3A_1489 : vector<512x150xf32>
      %max3A_1491 = arith.constant 0.000000e+00 : f32
      %max3A_1492 = vector.broadcast %max3A_1491 : f32 to vector<512x150xf32>
      %max3A_1493 = arith.maximumf %add3A_1490, %max3A_1492 : vector<512x150xf32>
      %dot_general3A_1494 = arith.constant dense<0.000000e+00> : vector<512x1xf32>
      %dot_general3A_1495 = tpu.matmul %max3A_1493, %get3A_216, %dot_general3A_1494 {dimension_numbers = #tpu.dot_dimension_numbers<[1], [0], [0], [1], [0, 0, 1, 1], [], []>, precision = #tpu.contract_precision<fp32>, transpose_lhs_hint = false} : vector<512x150xf32>, vector<150x1xf32>, vector<512x1xf32> -> vector<512x1xf32>
      %add3A_1496 = vector.broadcast %get3A_219 : vector<1x1xf32> to vector<512x1xf32>
      %add3A_1497 = arith.addf %dot_general3A_1495, %add3A_1496 : vector<512x1xf32>
      %swap3A_1498 = arith.constant 6054 : index
      %swap3A_1499 = arith.constant 0 : index
      %swap3A_1500 = vector.load %arg12[%swap3A_1498, %swap3A_1499] : memref<10060x1xf32, #tpu.memory_space<vmem>>, vector<512x1xf32>
      tpu.vector_store %arg12[%swap3A_1498, %swap3A_1499], %add3A_1497 {strides = array<i32>} : memref<10060x1xf32, #tpu.memory_space<vmem>>, vector<512x1xf32>,
      %get3A_1501 = arith.constant 1536 : index
      %get3A_1502 = arith.constant 0 : index
      %get3A_1503 = vector.load %arg14[%get3A_1501, %get3A_1502] : memref<2515x150xf32, #tpu.memory_space<vmem>>, vector<512x150xf32>
      %get3A_1504 = arith.constant 2 : index
      %get3A_1505 = arith.constant 1536 : index
      %get3A_1506 = arith.constant 0 : index
      %get3A_1507 = vector.load %arg13[%get3A_1504, %get3A_1505, %get3A_1506] : memref<4x2515x256xf32, #tpu.memory_space<vmem>>, vector<1x512x256xf32>
      %get3A_1508 = vector.shape_cast %get3A_1507 : vector<1x512x256xf32> to vector<512x256xf32>
      %dot_general3A_1509 = arith.constant dense<0.000000e+00> : vector<512x150xf32>
      %dot_general3A_1510 = tpu.matmul %get3A_1508, %get3A_1112, %dot_general3A_1509 {dimension_numbers = #tpu.dot_dimension_numbers<[1], [0], [0], [1], [0, 0, 1, 1], [], []>, precision = #tpu.contract_precision<fp32>, transpose_lhs_hint = false} : vector<512x256xf32>, vector<256x150xf32>, vector<512x150xf32> -> vector<512x150xf32>
      %add3A_1511 = arith.addf %get3A_1503, %dot_general3A_1510 : vector<512x150xf32>
      %add3A_1512 = vector.broadcast %get3A_213 : vector<1x150xf32> to vector<512x150xf32>
      %add3A_1513 = arith.addf %add3A_1511, %add3A_1512 : vector<512x150xf32>
      %max3A_1514 = arith.constant 0.000000e+00 : f32
      %max3A_1515 = vector.broadcast %max3A_1514 : f32 to vector<512x150xf32>
      %max3A_1516 = arith.maximumf %add3A_1513, %max3A_1515 : vector<512x150xf32>
      %dot_general3A_1517 = arith.constant dense<0.000000e+00> : vector<512x1xf32>
      %dot_general3A_1518 = tpu.matmul %max3A_1516, %get3A_216, %dot_general3A_1517 {dimension_numbers = #tpu.dot_dimension_numbers<[1], [0], [0], [1], [0, 0, 1, 1], [], []>, precision = #tpu.contract_precision<fp32>, transpose_lhs_hint = false} : vector<512x150xf32>, vector<150x1xf32>, vector<512x1xf32> -> vector<512x1xf32>
      %add3A_1519 = vector.broadcast %get3A_219 : vector<1x1xf32> to vector<512x1xf32>
      %add3A_1520 = arith.addf %dot_general3A_1518, %add3A_1519 : vector<512x1xf32>
      %swap3A_1521 = arith.constant 6566 : index
      %swap3A_1522 = arith.constant 0 : index
      %swap3A_1523 = vector.load %arg12[%swap3A_1521, %swap3A_1522] : memref<10060x1xf32, #tpu.memory_space<vmem>>, vector<512x1xf32>
      tpu.vector_store %arg12[%swap3A_1521, %swap3A_1522], %add3A_1520 {strides = array<i32>} : memref<10060x1xf32, #tpu.memory_space<vmem>>, vector<512x1xf32>,
      %get3A_1524 = arith.constant 2048 : index
      %get3A_1525 = arith.constant 0 : index
      %get3A_1526 = vector.load %arg14[%get3A_1524, %get3A_1525] : memref<2515x150xf32, #tpu.memory_space<vmem>>, vector<467x150xf32>
      %get3A_1527 = arith.constant 2 : index
      %get3A_1528 = arith.constant 2048 : index
      %get3A_1529 = arith.constant 0 : index
      %get3A_1530 = vector.load %arg13[%get3A_1527, %get3A_1528, %get3A_1529] : memref<4x2515x256xf32, #tpu.memory_space<vmem>>, vector<1x467x256xf32>
      %get3A_1531 = vector.shape_cast %get3A_1530 : vector<1x467x256xf32> to vector<467x256xf32>
      %dot_general3A_1532 = arith.constant dense<0.000000e+00> : vector<467x150xf32>
      %dot_general3A_1533 = tpu.matmul %get3A_1531, %get3A_1112, %dot_general3A_1532 {dimension_numbers = #tpu.dot_dimension_numbers<[1], [0], [0], [1], [0, 0, 1, 1], [], []>, precision = #tpu.contract_precision<fp32>, transpose_lhs_hint = false} : vector<467x256xf32>, vector<256x150xf32>, vector<467x150xf32> -> vector<467x150xf32>
      %add3A_1534 = arith.addf %get3A_1526, %dot_general3A_1533 : vector<467x150xf32>
      %add3A_1535 = vector.broadcast %get3A_213 : vector<1x150xf32> to vector<467x150xf32>
      %add3A_1536 = arith.addf %add3A_1534, %add3A_1535 : vector<467x150xf32>
      %max3A_1537 = arith.constant 0.000000e+00 : f32
      %max3A_1538 = vector.broadcast %max3A_1537 : f32 to vector<467x150xf32>
      %max3A_1539 = arith.maximumf %add3A_1536, %max3A_1538 : vector<467x150xf32>
      %dot_general3A_1540 = arith.constant dense<0.000000e+00> : vector<467x1xf32>
      %dot_general3A_1541 = tpu.matmul %max3A_1539, %get3A_216, %dot_general3A_1540 {dimension_numbers = #tpu.dot_dimension_numbers<[1], [0], [0], [1], [0, 0, 1, 1], [], []>, precision = #tpu.contract_precision<fp32>, transpose_lhs_hint = false} : vector<467x150xf32>, vector<150x1xf32>, vector<467x1xf32> -> vector<467x1xf32>
      %add3A_1542 = vector.broadcast %get3A_219 : vector<1x1xf32> to vector<467x1xf32>
      %add3A_1543 = arith.addf %dot_general3A_1541, %add3A_1542 : vector<467x1xf32>
      %swap3A_1544 = arith.constant 7078 : index
      %swap3A_1545 = arith.constant 0 : index
      %swap3A_1546 = vector.load %arg12[%swap3A_1544, %swap3A_1545] : memref<10060x1xf32, #tpu.memory_space<vmem>>, vector<467x1xf32>
      tpu.vector_store %arg12[%swap3A_1544, %swap3A_1545], %add3A_1543 {strides = array<i32>} : memref<10060x1xf32, #tpu.memory_space<vmem>>, vector<467x1xf32>,
      %get3A_1547 = arith.constant 768 : index
      %get3A_1548 = arith.constant 0 : index
      %get3A_1549 = vector.load %arg3[%get3A_1547, %get3A_1548] : memref<1024x1xf32, #tpu.memory_space<vmem>>, vector<256x1xf32>
      %get3A_1550 = arith.constant 768 : index
      %get3A_1551 = arith.constant 0 : index
      %get3A_1552 = vector.load %arg5[%get3A_1550, %get3A_1551] : memref<1024x150xf32, #tpu.memory_space<vmem>>, vector<256x150xf32>
      %get3A_1553 = arith.constant 768 : index
      %get3A_1554 = arith.constant 0 : index
      %get3A_1555 = vector.load %arg6[%get3A_1553, %get3A_1554] : memref<1024x150xf32, #tpu.memory_space<vmem>>, vector<256x150xf32>
      %get3A_1556 = arith.constant 768 : index
      %get3A_1557 = arith.constant 0 : index
      %get3A_1558 = vector.load %arg7[%get3A_1556, %get3A_1557] : memref<1024x150xf32, #tpu.memory_space<vmem>>, vector<256x150xf32>
      %exp3A_1559 = math.exp %get3A_1549 : vector<256x1xf32>
      %get3A_1560 = arith.constant 0 : index
      %get3A_1561 = arith.constant 768 : index
      %get3A_1562 = vector.load %arg4[%get3A_1560, %get3A_1561] : memref<1x1024xf32, #tpu.memory_space<vmem>>, vector<1x256xf32>
      %exp3A_1563 = math.exp %get3A_1562 : vector<1x256xf32>
      %ge3A_1564 = arith.constant 0 : i32
      %ge3A_1565 = vector.broadcast %ge3A_1564 : i32 to vector<256x256xi32>
      %ge3A_1566 = arith.cmpi sge, %sub3A, %ge3A_1565 : vector<256x256xi32>
      %lt3A_1567 = arith.constant 1 : i32
      %lt3A_1568 = vector.broadcast %lt3A_1567 : i32 to vector<256x256xi32>
      %lt3A_1569 = arith.cmpi slt, %sub3A, %lt3A_1568 : vector<256x256xi32>
      %and3A_1570 = arith.andi %ge3A_1566, %lt3A_1569 : vector<256x256xi1>
      %div3A_1571 = arith.constant 1.000000e+00 : f32
      %div3A_1572 = vector.broadcast %div3A_1571 : f32 to vector<256x1xf32>
      %div3A_1573 = arith.divf %div3A_1572, %exp3A_1559 : vector<256x1xf32>
      %mul3A_1574 = vector.broadcast %exp3A_1563 : vector<1x256xf32> to vector<256x256xf32>
      %mul3A_1575 = vector.broadcast %div3A_1573 : vector<256x1xf32> to vector<256x256xf32>
      %mul3A_1576 = arith.mulf %mul3A_1574, %mul3A_1575 : vector<256x256xf32>
      %jit3A_1577 = arith.constant 0.000000e+00 : f32
      %broadcast_in_dim3A_1578 = vector.broadcast %jit3A_1577 : f32 to vector<256x256xf32>
      %select_n3A_1579 = arith.select %and3A_1570, %mul3A_1576, %broadcast_in_dim3A_1578 : vector<256x256xi1>, vector<256x256xf32>
      %swap3A_1580 = arith.constant 3 : index
      %swap3A_1581 = arith.constant 0 : index
      %swap3A_1582 = arith.constant 0 : index
      %swap3A_1583 = vector.load %arg13[%swap3A_1580, %swap3A_1581, %swap3A_1582] : memref<4x2515x256xf32, #tpu.memory_space<vmem>>, vector<1x256x256xf32>
      %swap3A_1584 = vector.shape_cast %swap3A_1583 : vector<1x256x256xf32> to vector<256x256xf32>
      %swap3A_1585 = vector.shape_cast %select_n3A_1579 : vector<256x256xf32> to vector<1x256x256xf32>
      tpu.vector_store %arg13[%swap3A_1580, %swap3A_1581, %swap3A_1582], %swap3A_1585 {strides = array<i32>} : memref<4x2515x256xf32, #tpu.memory_space<vmem>>, vector<1x256x256xf32>,
      %add3A_1586 = arith.addf %get3A_1552, %get3A_1555 : vector<256x150xf32>
      %swap3A_1587 = arith.constant 0 : index
      %swap3A_1588 = arith.constant 0 : index
      %swap3A_1589 = vector.load %arg14[%swap3A_1587, %swap3A_1588] : memref<2515x150xf32, #tpu.memory_space<vmem>>, vector<256x150xf32>
      tpu.vector_store %arg14[%swap3A_1587, %swap3A_1588], %add3A_1586 {strides = array<i32>} : memref<2515x150xf32, #tpu.memory_space<vmem>>, vector<256x150xf32>,
      %slice3A_1590 = vector.extract_strided_slice %exp3A_1559 {offsets = [0, 0], sizes = [255, 1], strides = [1, 1]} : vector<256x1xf32> to vector<255x1xf32>
      %slice3A_1591 = vector.extract_strided_slice %exp3A_1559 {offsets = [1, 0], sizes = [255, 1], strides = [1, 1]} : vector<256x1xf32> to vector<255x1xf32>
      %add3A_1592 = arith.addf %slice3A_1590, %slice3A_1591 : vector<255x1xf32>
      %slice3A_1593 = vector.extract_strided_slice %sub3A {offsets = [0, 0], sizes = [255, 256], strides = [1, 1]} : vector<256x256xi32> to vector<255x256xi32>
      %ge3A_1594 = arith.constant 0 : i32
      %ge3A_1595 = vector.broadcast %ge3A_1594 : i32 to vector<255x256xi32>
      %ge3A_1596 = arith.cmpi sge, %slice3A_1593, %ge3A_1595 : vector<255x256xi32>
      %lt3A_1597 = arith.constant 2 : i32
      %lt3A_1598 = vector.broadcast %lt3A_1597 : i32 to vector<255x256xi32>
      %lt3A_1599 = arith.cmpi slt, %slice3A_1593, %lt3A_1598 : vector<255x256xi32>
      %and3A_1600 = arith.andi %ge3A_1596, %lt3A_1599 : vector<255x256xi1>
      %div3A_1601 = arith.constant 1.000000e+00 : f32
      %div3A_1602 = vector.broadcast %div3A_1601 : f32 to vector<255x1xf32>
      %div3A_1603 = arith.divf %div3A_1602, %add3A_1592 : vector<255x1xf32>
      %mul3A_1604 = vector.broadcast %exp3A_1563 : vector<1x256xf32> to vector<255x256xf32>
      %mul3A_1605 = vector.broadcast %div3A_1603 : vector<255x1xf32> to vector<255x256xf32>
      %mul3A_1606 = arith.mulf %mul3A_1604, %mul3A_1605 : vector<255x256xf32>
      %jit3A_1607 = arith.constant 0.000000e+00 : f32
      %broadcast_in_dim3A_1608 = vector.broadcast %jit3A_1607 : f32 to vector<255x256xf32>
      %select_n3A_1609 = arith.select %and3A_1600, %mul3A_1606, %broadcast_in_dim3A_1608 : vector<255x256xi1>, vector<255x256xf32>
      %swap3A_1610 = arith.constant 3 : index
      %swap3A_1611 = arith.constant 256 : index
      %swap3A_1612 = arith.constant 0 : index
      %swap3A_1613 = vector.load %arg13[%swap3A_1610, %swap3A_1611, %swap3A_1612] : memref<4x2515x256xf32, #tpu.memory_space<vmem>>, vector<1x255x256xf32>
      %swap3A_1614 = vector.shape_cast %swap3A_1613 : vector<1x255x256xf32> to vector<255x256xf32>
      %swap3A_1615 = vector.shape_cast %select_n3A_1609 : vector<255x256xf32> to vector<1x255x256xf32>
      tpu.vector_store %arg13[%swap3A_1610, %swap3A_1611, %swap3A_1612], %swap3A_1615 {strides = array<i32>} : memref<4x2515x256xf32, #tpu.memory_space<vmem>>, vector<1x255x256xf32>,
      %slice3A_1616 = vector.extract_strided_slice %get3A_1552 {offsets = [0, 0], sizes = [255, 150], strides = [1, 1]} : vector<256x150xf32> to vector<255x150xf32>
      %slice3A_1617 = vector.extract_strided_slice %get3A_1555 {offsets = [1, 0], sizes = [255, 150], strides = [1, 1]} : vector<256x150xf32> to vector<255x150xf32>
      %add3A_1618 = arith.addf %slice3A_1616, %slice3A_1617 : vector<255x150xf32>
      %swap3A_1619 = arith.constant 256 : index
      %swap3A_1620 = arith.constant 0 : index
      %swap3A_1621 = vector.load %arg14[%swap3A_1619, %swap3A_1620] : memref<2515x150xf32, #tpu.memory_space<vmem>>, vector<255x150xf32>
      tpu.vector_store %arg14[%swap3A_1619, %swap3A_1620], %add3A_1618 {strides = array<i32>} : memref<2515x150xf32, #tpu.memory_space<vmem>>, vector<255x150xf32>,
      %slice3A_1622 = vector.extract_strided_slice %add3A_1592 {offsets = [0, 0], sizes = [254, 1], strides = [1, 1]} : vector<255x1xf32> to vector<254x1xf32>
      %slice3A_1623 = vector.extract_strided_slice %exp3A_1559 {offsets = [2, 0], sizes = [254, 1], strides = [1, 1]} : vector<256x1xf32> to vector<254x1xf32>
      %add3A_1624 = arith.addf %slice3A_1622, %slice3A_1623 : vector<254x1xf32>
      %slice3A_1625 = vector.extract_strided_slice %sub3A {offsets = [0, 0], sizes = [254, 256], strides = [1, 1]} : vector<256x256xi32> to vector<254x256xi32>
      %ge3A_1626 = arith.constant 0 : i32
      %ge3A_1627 = vector.broadcast %ge3A_1626 : i32 to vector<254x256xi32>
      %ge3A_1628 = arith.cmpi sge, %slice3A_1625, %ge3A_1627 : vector<254x256xi32>
      %lt3A_1629 = arith.constant 3 : i32
      %lt3A_1630 = vector.broadcast %lt3A_1629 : i32 to vector<254x256xi32>
      %lt3A_1631 = arith.cmpi slt, %slice3A_1625, %lt3A_1630 : vector<254x256xi32>
      %and3A_1632 = arith.andi %ge3A_1628, %lt3A_1631 : vector<254x256xi1>
      %div3A_1633 = arith.constant 1.000000e+00 : f32
      %div3A_1634 = vector.broadcast %div3A_1633 : f32 to vector<254x1xf32>
      %div3A_1635 = arith.divf %div3A_1634, %add3A_1624 : vector<254x1xf32>
      %mul3A_1636 = vector.broadcast %exp3A_1563 : vector<1x256xf32> to vector<254x256xf32>
      %mul3A_1637 = vector.broadcast %div3A_1635 : vector<254x1xf32> to vector<254x256xf32>
      %mul3A_1638 = arith.mulf %mul3A_1636, %mul3A_1637 : vector<254x256xf32>
      %jit3A_1639 = arith.constant 0.000000e+00 : f32
      %broadcast_in_dim3A_1640 = vector.broadcast %jit3A_1639 : f32 to vector<254x256xf32>
      %select_n3A_1641 = arith.select %and3A_1632, %mul3A_1638, %broadcast_in_dim3A_1640 : vector<254x256xi1>, vector<254x256xf32>
      %swap3A_1642 = arith.constant 3 : index
      %swap3A_1643 = arith.constant 511 : index
      %swap3A_1644 = arith.constant 0 : index
      %swap3A_1645 = vector.load %arg13[%swap3A_1642, %swap3A_1643, %swap3A_1644] : memref<4x2515x256xf32, #tpu.memory_space<vmem>>, vector<1x254x256xf32>
      %swap3A_1646 = vector.shape_cast %swap3A_1645 : vector<1x254x256xf32> to vector<254x256xf32>
      %swap3A_1647 = vector.shape_cast %select_n3A_1641 : vector<254x256xf32> to vector<1x254x256xf32>
      tpu.vector_store %arg13[%swap3A_1642, %swap3A_1643, %swap3A_1644], %swap3A_1647 {strides = array<i32>} : memref<4x2515x256xf32, #tpu.memory_space<vmem>>, vector<1x254x256xf32>,
      %slice3A_1648 = vector.extract_strided_slice %get3A_1552 {offsets = [0, 0], sizes = [254, 150], strides = [1, 1]} : vector<256x150xf32> to vector<254x150xf32>
      %slice3A_1649 = vector.extract_strided_slice %get3A_1555 {offsets = [2, 0], sizes = [254, 150], strides = [1, 1]} : vector<256x150xf32> to vector<254x150xf32>
      %add3A_1650 = arith.addf %slice3A_1648, %slice3A_1649 : vector<254x150xf32>
      %swap3A_1651 = arith.constant 511 : index
      %swap3A_1652 = arith.constant 0 : index
      %swap3A_1653 = vector.load %arg14[%swap3A_1651, %swap3A_1652] : memref<2515x150xf32, #tpu.memory_space<vmem>>, vector<254x150xf32>
      tpu.vector_store %arg14[%swap3A_1651, %swap3A_1652], %add3A_1650 {strides = array<i32>} : memref<2515x150xf32, #tpu.memory_space<vmem>>, vector<254x150xf32>,
      %slice3A_1654 = vector.extract_strided_slice %add3A_1624 {offsets = [0, 0], sizes = [253, 1], strides = [1, 1]} : vector<254x1xf32> to vector<253x1xf32>
      %slice3A_1655 = vector.extract_strided_slice %exp3A_1559 {offsets = [3, 0], sizes = [253, 1], strides = [1, 1]} : vector<256x1xf32> to vector<253x1xf32>
      %add3A_1656 = arith.addf %slice3A_1654, %slice3A_1655 : vector<253x1xf32>
      %slice3A_1657 = vector.extract_strided_slice %sub3A {offsets = [0, 0], sizes = [253, 256], strides = [1, 1]} : vector<256x256xi32> to vector<253x256xi32>
      %ge3A_1658 = arith.constant 0 : i32
      %ge3A_1659 = vector.broadcast %ge3A_1658 : i32 to vector<253x256xi32>
      %ge3A_1660 = arith.cmpi sge, %slice3A_1657, %ge3A_1659 : vector<253x256xi32>
      %lt3A_1661 = arith.constant 4 : i32
      %lt3A_1662 = vector.broadcast %lt3A_1661 : i32 to vector<253x256xi32>
      %lt3A_1663 = arith.cmpi slt, %slice3A_1657, %lt3A_1662 : vector<253x256xi32>
      %and3A_1664 = arith.andi %ge3A_1660, %lt3A_1663 : vector<253x256xi1>
      %div3A_1665 = arith.constant 1.000000e+00 : f32
      %div3A_1666 = vector.broadcast %div3A_1665 : f32 to vector<253x1xf32>
      %div3A_1667 = arith.divf %div3A_1666, %add3A_1656 : vector<253x1xf32>
      %mul3A_1668 = vector.broadcast %exp3A_1563 : vector<1x256xf32> to vector<253x256xf32>
      %mul3A_1669 = vector.broadcast %div3A_1667 : vector<253x1xf32> to vector<253x256xf32>
      %mul3A_1670 = arith.mulf %mul3A_1668, %mul3A_1669 : vector<253x256xf32>
      %jit3A_1671 = arith.constant 0.000000e+00 : f32
      %broadcast_in_dim3A_1672 = vector.broadcast %jit3A_1671 : f32 to vector<253x256xf32>
      %select_n3A_1673 = arith.select %and3A_1664, %mul3A_1670, %broadcast_in_dim3A_1672 : vector<253x256xi1>, vector<253x256xf32>
      %swap3A_1674 = arith.constant 3 : index
      %swap3A_1675 = arith.constant 765 : index
      %swap3A_1676 = arith.constant 0 : index
      %swap3A_1677 = vector.load %arg13[%swap3A_1674, %swap3A_1675, %swap3A_1676] : memref<4x2515x256xf32, #tpu.memory_space<vmem>>, vector<1x253x256xf32>
      %swap3A_1678 = vector.shape_cast %swap3A_1677 : vector<1x253x256xf32> to vector<253x256xf32>
      %swap3A_1679 = vector.shape_cast %select_n3A_1673 : vector<253x256xf32> to vector<1x253x256xf32>
      tpu.vector_store %arg13[%swap3A_1674, %swap3A_1675, %swap3A_1676], %swap3A_1679 {strides = array<i32>} : memref<4x2515x256xf32, #tpu.memory_space<vmem>>, vector<1x253x256xf32>,
      %slice3A_1680 = vector.extract_strided_slice %get3A_1552 {offsets = [0, 0], sizes = [253, 150], strides = [1, 1]} : vector<256x150xf32> to vector<253x150xf32>
      %slice3A_1681 = vector.extract_strided_slice %get3A_1555 {offsets = [3, 0], sizes = [253, 150], strides = [1, 1]} : vector<256x150xf32> to vector<253x150xf32>
      %add3A_1682 = arith.addf %slice3A_1680, %slice3A_1681 : vector<253x150xf32>
      %swap3A_1683 = arith.constant 765 : index
      %swap3A_1684 = arith.constant 0 : index
      %swap3A_1685 = vector.load %arg14[%swap3A_1683, %swap3A_1684] : memref<2515x150xf32, #tpu.memory_space<vmem>>, vector<253x150xf32>
      tpu.vector_store %arg14[%swap3A_1683, %swap3A_1684], %add3A_1682 {strides = array<i32>} : memref<2515x150xf32, #tpu.memory_space<vmem>>, vector<253x150xf32>,
      %slice3A_1686 = vector.extract_strided_slice %add3A_1656 {offsets = [0, 0], sizes = [252, 1], strides = [1, 1]} : vector<253x1xf32> to vector<252x1xf32>
      %slice3A_1687 = vector.extract_strided_slice %exp3A_1559 {offsets = [4, 0], sizes = [252, 1], strides = [1, 1]} : vector<256x1xf32> to vector<252x1xf32>
      %add3A_1688 = arith.addf %slice3A_1686, %slice3A_1687 : vector<252x1xf32>
      %slice3A_1689 = vector.extract_strided_slice %sub3A {offsets = [0, 0], sizes = [252, 256], strides = [1, 1]} : vector<256x256xi32> to vector<252x256xi32>
      %ge3A_1690 = arith.constant 0 : i32
      %ge3A_1691 = vector.broadcast %ge3A_1690 : i32 to vector<252x256xi32>
      %ge3A_1692 = arith.cmpi sge, %slice3A_1689, %ge3A_1691 : vector<252x256xi32>
      %lt3A_1693 = arith.constant 5 : i32
      %lt3A_1694 = vector.broadcast %lt3A_1693 : i32 to vector<252x256xi32>
      %lt3A_1695 = arith.cmpi slt, %slice3A_1689, %lt3A_1694 : vector<252x256xi32>
      %and3A_1696 = arith.andi %ge3A_1692, %lt3A_1695 : vector<252x256xi1>
      %div3A_1697 = arith.constant 1.000000e+00 : f32
      %div3A_1698 = vector.broadcast %div3A_1697 : f32 to vector<252x1xf32>
      %div3A_1699 = arith.divf %div3A_1698, %add3A_1688 : vector<252x1xf32>
      %mul3A_1700 = vector.broadcast %exp3A_1563 : vector<1x256xf32> to vector<252x256xf32>
      %mul3A_1701 = vector.broadcast %div3A_1699 : vector<252x1xf32> to vector<252x256xf32>
      %mul3A_1702 = arith.mulf %mul3A_1700, %mul3A_1701 : vector<252x256xf32>
      %jit3A_1703 = arith.constant 0.000000e+00 : f32
      %broadcast_in_dim3A_1704 = vector.broadcast %jit3A_1703 : f32 to vector<252x256xf32>
      %select_n3A_1705 = arith.select %and3A_1696, %mul3A_1702, %broadcast_in_dim3A_1704 : vector<252x256xi1>, vector<252x256xf32>
      %swap3A_1706 = arith.constant 3 : index
      %swap3A_1707 = arith.constant 1018 : index
      %swap3A_1708 = arith.constant 0 : index
      %swap3A_1709 = vector.load %arg13[%swap3A_1706, %swap3A_1707, %swap3A_1708] : memref<4x2515x256xf32, #tpu.memory_space<vmem>>, vector<1x252x256xf32>
      %swap3A_1710 = vector.shape_cast %swap3A_1709 : vector<1x252x256xf32> to vector<252x256xf32>
      %swap3A_1711 = vector.shape_cast %select_n3A_1705 : vector<252x256xf32> to vector<1x252x256xf32>
      tpu.vector_store %arg13[%swap3A_1706, %swap3A_1707, %swap3A_1708], %swap3A_1711 {strides = array<i32>} : memref<4x2515x256xf32, #tpu.memory_space<vmem>>, vector<1x252x256xf32>,
      %slice3A_1712 = vector.extract_strided_slice %get3A_1552 {offsets = [0, 0], sizes = [252, 150], strides = [1, 1]} : vector<256x150xf32> to vector<252x150xf32>
      %slice3A_1713 = vector.extract_strided_slice %get3A_1555 {offsets = [4, 0], sizes = [252, 150], strides = [1, 1]} : vector<256x150xf32> to vector<252x150xf32>
      %add3A_1714 = arith.addf %slice3A_1712, %slice3A_1713 : vector<252x150xf32>
      %swap3A_1715 = arith.constant 1018 : index
      %swap3A_1716 = arith.constant 0 : index
      %swap3A_1717 = vector.load %arg14[%swap3A_1715, %swap3A_1716] : memref<2515x150xf32, #tpu.memory_space<vmem>>, vector<252x150xf32>
      tpu.vector_store %arg14[%swap3A_1715, %swap3A_1716], %add3A_1714 {strides = array<i32>} : memref<2515x150xf32, #tpu.memory_space<vmem>>, vector<252x150xf32>,
      %slice3A_1718 = vector.extract_strided_slice %add3A_1688 {offsets = [0, 0], sizes = [251, 1], strides = [1, 1]} : vector<252x1xf32> to vector<251x1xf32>
      %slice3A_1719 = vector.extract_strided_slice %exp3A_1559 {offsets = [5, 0], sizes = [251, 1], strides = [1, 1]} : vector<256x1xf32> to vector<251x1xf32>
      %add3A_1720 = arith.addf %slice3A_1718, %slice3A_1719 : vector<251x1xf32>
      %slice3A_1721 = vector.extract_strided_slice %sub3A {offsets = [0, 0], sizes = [251, 256], strides = [1, 1]} : vector<256x256xi32> to vector<251x256xi32>
      %ge3A_1722 = arith.constant 0 : i32
      %ge3A_1723 = vector.broadcast %ge3A_1722 : i32 to vector<251x256xi32>
      %ge3A_1724 = arith.cmpi sge, %slice3A_1721, %ge3A_1723 : vector<251x256xi32>
      %lt3A_1725 = arith.constant 6 : i32
      %lt3A_1726 = vector.broadcast %lt3A_1725 : i32 to vector<251x256xi32>
      %lt3A_1727 = arith.cmpi slt, %slice3A_1721, %lt3A_1726 : vector<251x256xi32>
      %and3A_1728 = arith.andi %ge3A_1724, %lt3A_1727 : vector<251x256xi1>
      %div3A_1729 = arith.constant 1.000000e+00 : f32
      %div3A_1730 = vector.broadcast %div3A_1729 : f32 to vector<251x1xf32>
      %div3A_1731 = arith.divf %div3A_1730, %add3A_1720 : vector<251x1xf32>
      %mul3A_1732 = vector.broadcast %exp3A_1563 : vector<1x256xf32> to vector<251x256xf32>
      %mul3A_1733 = vector.broadcast %div3A_1731 : vector<251x1xf32> to vector<251x256xf32>
      %mul3A_1734 = arith.mulf %mul3A_1732, %mul3A_1733 : vector<251x256xf32>
      %jit3A_1735 = arith.constant 0.000000e+00 : f32
      %broadcast_in_dim3A_1736 = vector.broadcast %jit3A_1735 : f32 to vector<251x256xf32>
      %select_n3A_1737 = arith.select %and3A_1728, %mul3A_1734, %broadcast_in_dim3A_1736 : vector<251x256xi1>, vector<251x256xf32>
      %swap3A_1738 = arith.constant 3 : index
      %swap3A_1739 = arith.constant 1270 : index
      %swap3A_1740 = arith.constant 0 : index
      %swap3A_1741 = vector.load %arg13[%swap3A_1738, %swap3A_1739, %swap3A_1740] : memref<4x2515x256xf32, #tpu.memory_space<vmem>>, vector<1x251x256xf32>
      %swap3A_1742 = vector.shape_cast %swap3A_1741 : vector<1x251x256xf32> to vector<251x256xf32>
      %swap3A_1743 = vector.shape_cast %select_n3A_1737 : vector<251x256xf32> to vector<1x251x256xf32>
      tpu.vector_store %arg13[%swap3A_1738, %swap3A_1739, %swap3A_1740], %swap3A_1743 {strides = array<i32>} : memref<4x2515x256xf32, #tpu.memory_space<vmem>>, vector<1x251x256xf32>,
      %slice3A_1744 = vector.extract_strided_slice %get3A_1552 {offsets = [0, 0], sizes = [251, 150], strides = [1, 1]} : vector<256x150xf32> to vector<251x150xf32>
      %slice3A_1745 = vector.extract_strided_slice %get3A_1555 {offsets = [5, 0], sizes = [251, 150], strides = [1, 1]} : vector<256x150xf32> to vector<251x150xf32>
      %add3A_1746 = arith.addf %slice3A_1744, %slice3A_1745 : vector<251x150xf32>
      %swap3A_1747 = arith.constant 1270 : index
      %swap3A_1748 = arith.constant 0 : index
      %swap3A_1749 = vector.load %arg14[%swap3A_1747, %swap3A_1748] : memref<2515x150xf32, #tpu.memory_space<vmem>>, vector<251x150xf32>
      tpu.vector_store %arg14[%swap3A_1747, %swap3A_1748], %add3A_1746 {strides = array<i32>} : memref<2515x150xf32, #tpu.memory_space<vmem>>, vector<251x150xf32>,
      %slice3A_1750 = vector.extract_strided_slice %add3A_1720 {offsets = [0, 0], sizes = [250, 1], strides = [1, 1]} : vector<251x1xf32> to vector<250x1xf32>
      %slice3A_1751 = vector.extract_strided_slice %exp3A_1559 {offsets = [6, 0], sizes = [250, 1], strides = [1, 1]} : vector<256x1xf32> to vector<250x1xf32>
      %add3A_1752 = arith.addf %slice3A_1750, %slice3A_1751 : vector<250x1xf32>
      %slice3A_1753 = vector.extract_strided_slice %sub3A {offsets = [0, 0], sizes = [250, 256], strides = [1, 1]} : vector<256x256xi32> to vector<250x256xi32>
      %ge3A_1754 = arith.constant 0 : i32
      %ge3A_1755 = vector.broadcast %ge3A_1754 : i32 to vector<250x256xi32>
      %ge3A_1756 = arith.cmpi sge, %slice3A_1753, %ge3A_1755 : vector<250x256xi32>
      %lt3A_1757 = arith.constant 7 : i32
      %lt3A_1758 = vector.broadcast %lt3A_1757 : i32 to vector<250x256xi32>
      %lt3A_1759 = arith.cmpi slt, %slice3A_1753, %lt3A_1758 : vector<250x256xi32>
      %and3A_1760 = arith.andi %ge3A_1756, %lt3A_1759 : vector<250x256xi1>
      %div3A_1761 = arith.constant 1.000000e+00 : f32
      %div3A_1762 = vector.broadcast %div3A_1761 : f32 to vector<250x1xf32>
      %div3A_1763 = arith.divf %div3A_1762, %add3A_1752 : vector<250x1xf32>
      %mul3A_1764 = vector.broadcast %exp3A_1563 : vector<1x256xf32> to vector<250x256xf32>
      %mul3A_1765 = vector.broadcast %div3A_1763 : vector<250x1xf32> to vector<250x256xf32>
      %mul3A_1766 = arith.mulf %mul3A_1764, %mul3A_1765 : vector<250x256xf32>
      %jit3A_1767 = arith.constant 0.000000e+00 : f32
      %broadcast_in_dim3A_1768 = vector.broadcast %jit3A_1767 : f32 to vector<250x256xf32>
      %select_n3A_1769 = arith.select %and3A_1760, %mul3A_1766, %broadcast_in_dim3A_1768 : vector<250x256xi1>, vector<250x256xf32>
      %swap3A_1770 = arith.constant 3 : index
      %swap3A_1771 = arith.constant 1521 : index
      %swap3A_1772 = arith.constant 0 : index
      %swap3A_1773 = vector.load %arg13[%swap3A_1770, %swap3A_1771, %swap3A_1772] : memref<4x2515x256xf32, #tpu.memory_space<vmem>>, vector<1x250x256xf32>
      %swap3A_1774 = vector.shape_cast %swap3A_1773 : vector<1x250x256xf32> to vector<250x256xf32>
      %swap3A_1775 = vector.shape_cast %select_n3A_1769 : vector<250x256xf32> to vector<1x250x256xf32>
      tpu.vector_store %arg13[%swap3A_1770, %swap3A_1771, %swap3A_1772], %swap3A_1775 {strides = array<i32>} : memref<4x2515x256xf32, #tpu.memory_space<vmem>>, vector<1x250x256xf32>,
      %slice3A_1776 = vector.extract_strided_slice %get3A_1552 {offsets = [0, 0], sizes = [250, 150], strides = [1, 1]} : vector<256x150xf32> to vector<250x150xf32>
      %slice3A_1777 = vector.extract_strided_slice %get3A_1555 {offsets = [6, 0], sizes = [250, 150], strides = [1, 1]} : vector<256x150xf32> to vector<250x150xf32>
      %add3A_1778 = arith.addf %slice3A_1776, %slice3A_1777 : vector<250x150xf32>
      %swap3A_1779 = arith.constant 1521 : index
      %swap3A_1780 = arith.constant 0 : index
      %swap3A_1781 = vector.load %arg14[%swap3A_1779, %swap3A_1780] : memref<2515x150xf32, #tpu.memory_space<vmem>>, vector<250x150xf32>
      tpu.vector_store %arg14[%swap3A_1779, %swap3A_1780], %add3A_1778 {strides = array<i32>} : memref<2515x150xf32, #tpu.memory_space<vmem>>, vector<250x150xf32>,
      %slice3A_1782 = vector.extract_strided_slice %add3A_1752 {offsets = [0, 0], sizes = [249, 1], strides = [1, 1]} : vector<250x1xf32> to vector<249x1xf32>
      %slice3A_1783 = vector.extract_strided_slice %exp3A_1559 {offsets = [7, 0], sizes = [249, 1], strides = [1, 1]} : vector<256x1xf32> to vector<249x1xf32>
      %add3A_1784 = arith.addf %slice3A_1782, %slice3A_1783 : vector<249x1xf32>
      %slice3A_1785 = vector.extract_strided_slice %sub3A {offsets = [0, 0], sizes = [249, 256], strides = [1, 1]} : vector<256x256xi32> to vector<249x256xi32>
      %ge3A_1786 = arith.constant 0 : i32
      %ge3A_1787 = vector.broadcast %ge3A_1786 : i32 to vector<249x256xi32>
      %ge3A_1788 = arith.cmpi sge, %slice3A_1785, %ge3A_1787 : vector<249x256xi32>
      %lt3A_1789 = arith.constant 8 : i32
      %lt3A_1790 = vector.broadcast %lt3A_1789 : i32 to vector<249x256xi32>
      %lt3A_1791 = arith.cmpi slt, %slice3A_1785, %lt3A_1790 : vector<249x256xi32>
      %and3A_1792 = arith.andi %ge3A_1788, %lt3A_1791 : vector<249x256xi1>
      %div3A_1793 = arith.constant 1.000000e+00 : f32
      %div3A_1794 = vector.broadcast %div3A_1793 : f32 to vector<249x1xf32>
      %div3A_1795 = arith.divf %div3A_1794, %add3A_1784 : vector<249x1xf32>
      %mul3A_1796 = vector.broadcast %exp3A_1563 : vector<1x256xf32> to vector<249x256xf32>
      %mul3A_1797 = vector.broadcast %div3A_1795 : vector<249x1xf32> to vector<249x256xf32>
      %mul3A_1798 = arith.mulf %mul3A_1796, %mul3A_1797 : vector<249x256xf32>
      %jit3A_1799 = arith.constant 0.000000e+00 : f32
      %broadcast_in_dim3A_1800 = vector.broadcast %jit3A_1799 : f32 to vector<249x256xf32>
      %select_n3A_1801 = arith.select %and3A_1792, %mul3A_1798, %broadcast_in_dim3A_1800 : vector<249x256xi1>, vector<249x256xf32>
      %swap3A_1802 = arith.constant 3 : index
      %swap3A_1803 = arith.constant 1771 : index
      %swap3A_1804 = arith.constant 0 : index
      %swap3A_1805 = vector.load %arg13[%swap3A_1802, %swap3A_1803, %swap3A_1804] : memref<4x2515x256xf32, #tpu.memory_space<vmem>>, vector<1x249x256xf32>
      %swap3A_1806 = vector.shape_cast %swap3A_1805 : vector<1x249x256xf32> to vector<249x256xf32>
      %swap3A_1807 = vector.shape_cast %select_n3A_1801 : vector<249x256xf32> to vector<1x249x256xf32>
      tpu.vector_store %arg13[%swap3A_1802, %swap3A_1803, %swap3A_1804], %swap3A_1807 {strides = array<i32>} : memref<4x2515x256xf32, #tpu.memory_space<vmem>>, vector<1x249x256xf32>,
      %slice3A_1808 = vector.extract_strided_slice %get3A_1552 {offsets = [0, 0], sizes = [249, 150], strides = [1, 1]} : vector<256x150xf32> to vector<249x150xf32>
      %slice3A_1809 = vector.extract_strided_slice %get3A_1555 {offsets = [7, 0], sizes = [249, 150], strides = [1, 1]} : vector<256x150xf32> to vector<249x150xf32>
      %add3A_1810 = arith.addf %slice3A_1808, %slice3A_1809 : vector<249x150xf32>
      %swap3A_1811 = arith.constant 1771 : index
      %swap3A_1812 = arith.constant 0 : index
      %swap3A_1813 = vector.load %arg14[%swap3A_1811, %swap3A_1812] : memref<2515x150xf32, #tpu.memory_space<vmem>>, vector<249x150xf32>
      tpu.vector_store %arg14[%swap3A_1811, %swap3A_1812], %add3A_1810 {strides = array<i32>} : memref<2515x150xf32, #tpu.memory_space<vmem>>, vector<249x150xf32>,
      %slice3A_1814 = vector.extract_strided_slice %add3A_1784 {offsets = [0, 0], sizes = [248, 1], strides = [1, 1]} : vector<249x1xf32> to vector<248x1xf32>
      %slice3A_1815 = vector.extract_strided_slice %exp3A_1559 {offsets = [8, 0], sizes = [248, 1], strides = [1, 1]} : vector<256x1xf32> to vector<248x1xf32>
      %add3A_1816 = arith.addf %slice3A_1814, %slice3A_1815 : vector<248x1xf32>
      %slice3A_1817 = vector.extract_strided_slice %sub3A {offsets = [0, 0], sizes = [248, 256], strides = [1, 1]} : vector<256x256xi32> to vector<248x256xi32>
      %ge3A_1818 = arith.constant 0 : i32
      %ge3A_1819 = vector.broadcast %ge3A_1818 : i32 to vector<248x256xi32>
      %ge3A_1820 = arith.cmpi sge, %slice3A_1817, %ge3A_1819 : vector<248x256xi32>
      %lt3A_1821 = arith.constant 9 : i32
      %lt3A_1822 = vector.broadcast %lt3A_1821 : i32 to vector<248x256xi32>
      %lt3A_1823 = arith.cmpi slt, %slice3A_1817, %lt3A_1822 : vector<248x256xi32>
      %and3A_1824 = arith.andi %ge3A_1820, %lt3A_1823 : vector<248x256xi1>
      %div3A_1825 = arith.constant 1.000000e+00 : f32
      %div3A_1826 = vector.broadcast %div3A_1825 : f32 to vector<248x1xf32>
      %div3A_1827 = arith.divf %div3A_1826, %add3A_1816 : vector<248x1xf32>
      %mul3A_1828 = vector.broadcast %exp3A_1563 : vector<1x256xf32> to vector<248x256xf32>
      %mul3A_1829 = vector.broadcast %div3A_1827 : vector<248x1xf32> to vector<248x256xf32>
      %mul3A_1830 = arith.mulf %mul3A_1828, %mul3A_1829 : vector<248x256xf32>
      %jit3A_1831 = arith.constant 0.000000e+00 : f32
      %broadcast_in_dim3A_1832 = vector.broadcast %jit3A_1831 : f32 to vector<248x256xf32>
      %select_n3A_1833 = arith.select %and3A_1824, %mul3A_1830, %broadcast_in_dim3A_1832 : vector<248x256xi1>, vector<248x256xf32>
      %swap3A_1834 = arith.constant 3 : index
      %swap3A_1835 = arith.constant 2020 : index
      %swap3A_1836 = arith.constant 0 : index
      %swap3A_1837 = vector.load %arg13[%swap3A_1834, %swap3A_1835, %swap3A_1836] : memref<4x2515x256xf32, #tpu.memory_space<vmem>>, vector<1x248x256xf32>
      %swap3A_1838 = vector.shape_cast %swap3A_1837 : vector<1x248x256xf32> to vector<248x256xf32>
      %swap3A_1839 = vector.shape_cast %select_n3A_1833 : vector<248x256xf32> to vector<1x248x256xf32>
      tpu.vector_store %arg13[%swap3A_1834, %swap3A_1835, %swap3A_1836], %swap3A_1839 {strides = array<i32>} : memref<4x2515x256xf32, #tpu.memory_space<vmem>>, vector<1x248x256xf32>,
      %slice3A_1840 = vector.extract_strided_slice %get3A_1552 {offsets = [0, 0], sizes = [248, 150], strides = [1, 1]} : vector<256x150xf32> to vector<248x150xf32>
      %slice3A_1841 = vector.extract_strided_slice %get3A_1555 {offsets = [8, 0], sizes = [248, 150], strides = [1, 1]} : vector<256x150xf32> to vector<248x150xf32>
      %add3A_1842 = arith.addf %slice3A_1840, %slice3A_1841 : vector<248x150xf32>
      %swap3A_1843 = arith.constant 2020 : index
      %swap3A_1844 = arith.constant 0 : index
      %swap3A_1845 = vector.load %arg14[%swap3A_1843, %swap3A_1844] : memref<2515x150xf32, #tpu.memory_space<vmem>>, vector<248x150xf32>
      tpu.vector_store %arg14[%swap3A_1843, %swap3A_1844], %add3A_1842 {strides = array<i32>} : memref<2515x150xf32, #tpu.memory_space<vmem>>, vector<248x150xf32>,
      %slice3A_1846 = vector.extract_strided_slice %add3A_1816 {offsets = [0, 0], sizes = [247, 1], strides = [1, 1]} : vector<248x1xf32> to vector<247x1xf32>
      %slice3A_1847 = vector.extract_strided_slice %exp3A_1559 {offsets = [9, 0], sizes = [247, 1], strides = [1, 1]} : vector<256x1xf32> to vector<247x1xf32>
      %add3A_1848 = arith.addf %slice3A_1846, %slice3A_1847 : vector<247x1xf32>
      %slice3A_1849 = vector.extract_strided_slice %sub3A {offsets = [0, 0], sizes = [247, 256], strides = [1, 1]} : vector<256x256xi32> to vector<247x256xi32>
      %ge3A_1850 = arith.constant 0 : i32
      %ge3A_1851 = vector.broadcast %ge3A_1850 : i32 to vector<247x256xi32>
      %ge3A_1852 = arith.cmpi sge, %slice3A_1849, %ge3A_1851 : vector<247x256xi32>
      %lt3A_1853 = arith.constant 10 : i32
      %lt3A_1854 = vector.broadcast %lt3A_1853 : i32 to vector<247x256xi32>
      %lt3A_1855 = arith.cmpi slt, %slice3A_1849, %lt3A_1854 : vector<247x256xi32>
      %and3A_1856 = arith.andi %ge3A_1852, %lt3A_1855 : vector<247x256xi1>
      %div3A_1857 = arith.constant 1.000000e+00 : f32
      %div3A_1858 = vector.broadcast %div3A_1857 : f32 to vector<247x1xf32>
      %div3A_1859 = arith.divf %div3A_1858, %add3A_1848 : vector<247x1xf32>
      %mul3A_1860 = vector.broadcast %exp3A_1563 : vector<1x256xf32> to vector<247x256xf32>
      %mul3A_1861 = vector.broadcast %div3A_1859 : vector<247x1xf32> to vector<247x256xf32>
      %mul3A_1862 = arith.mulf %mul3A_1860, %mul3A_1861 : vector<247x256xf32>
      %jit3A_1863 = arith.constant 0.000000e+00 : f32
      %broadcast_in_dim3A_1864 = vector.broadcast %jit3A_1863 : f32 to vector<247x256xf32>
      %select_n3A_1865 = arith.select %and3A_1856, %mul3A_1862, %broadcast_in_dim3A_1864 : vector<247x256xi1>, vector<247x256xf32>
      %swap3A_1866 = arith.constant 3 : index
      %swap3A_1867 = arith.constant 2268 : index
      %swap3A_1868 = arith.constant 0 : index
      %swap3A_1869 = vector.load %arg13[%swap3A_1866, %swap3A_1867, %swap3A_1868] : memref<4x2515x256xf32, #tpu.memory_space<vmem>>, vector<1x247x256xf32>
      %swap3A_1870 = vector.shape_cast %swap3A_1869 : vector<1x247x256xf32> to vector<247x256xf32>
      %swap3A_1871 = vector.shape_cast %select_n3A_1865 : vector<247x256xf32> to vector<1x247x256xf32>
      tpu.vector_store %arg13[%swap3A_1866, %swap3A_1867, %swap3A_1868], %swap3A_1871 {strides = array<i32>} : memref<4x2515x256xf32, #tpu.memory_space<vmem>>, vector<1x247x256xf32>,
      %slice3A_1872 = vector.extract_strided_slice %get3A_1552 {offsets = [0, 0], sizes = [247, 150], strides = [1, 1]} : vector<256x150xf32> to vector<247x150xf32>
      %slice3A_1873 = vector.extract_strided_slice %get3A_1555 {offsets = [9, 0], sizes = [247, 150], strides = [1, 1]} : vector<256x150xf32> to vector<247x150xf32>
      %add3A_1874 = arith.addf %slice3A_1872, %slice3A_1873 : vector<247x150xf32>
      %swap3A_1875 = arith.constant 2268 : index
      %swap3A_1876 = arith.constant 0 : index
      %swap3A_1877 = vector.load %arg14[%swap3A_1875, %swap3A_1876] : memref<2515x150xf32, #tpu.memory_space<vmem>>, vector<247x150xf32>
      tpu.vector_store %arg14[%swap3A_1875, %swap3A_1876], %add3A_1874 {strides = array<i32>} : memref<2515x150xf32, #tpu.memory_space<vmem>>, vector<247x150xf32>,
      %get3A_1878 = arith.constant 0 : index
      %get3A_1879 = arith.constant 0 : index
      %get3A_1880 = vector.load %arg14[%get3A_1878, %get3A_1879] : memref<2515x150xf32, #tpu.memory_space<vmem>>, vector<512x150xf32>
      %get3A_1881 = arith.constant 3 : index
      %get3A_1882 = arith.constant 0 : index
      %get3A_1883 = arith.constant 0 : index
      %get3A_1884 = vector.load %arg13[%get3A_1881, %get3A_1882, %get3A_1883] : memref<4x2515x256xf32, #tpu.memory_space<vmem>>, vector<1x512x256xf32>
      %get3A_1885 = vector.shape_cast %get3A_1884 : vector<1x512x256xf32> to vector<512x256xf32>
      %dot_general3A_1886 = arith.constant dense<0.000000e+00> : vector<512x150xf32>
      %dot_general3A_1887 = tpu.matmul %get3A_1885, %get3A_1558, %dot_general3A_1886 {dimension_numbers = #tpu.dot_dimension_numbers<[1], [0], [0], [1], [0, 0, 1, 1], [], []>, precision = #tpu.contract_precision<fp32>, transpose_lhs_hint = false} : vector<512x256xf32>, vector<256x150xf32>, vector<512x150xf32> -> vector<512x150xf32>
      %add3A_1888 = arith.addf %get3A_1880, %dot_general3A_1887 : vector<512x150xf32>
      %add3A_1889 = vector.broadcast %get3A_213 : vector<1x150xf32> to vector<512x150xf32>
      %add3A_1890 = arith.addf %add3A_1888, %add3A_1889 : vector<512x150xf32>
      %max3A_1891 = arith.constant 0.000000e+00 : f32
      %max3A_1892 = vector.broadcast %max3A_1891 : f32 to vector<512x150xf32>
      %max3A_1893 = arith.maximumf %add3A_1890, %max3A_1892 : vector<512x150xf32>
      %dot_general3A_1894 = arith.constant dense<0.000000e+00> : vector<512x1xf32>
      %dot_general3A_1895 = tpu.matmul %max3A_1893, %get3A_216, %dot_general3A_1894 {dimension_numbers = #tpu.dot_dimension_numbers<[1], [0], [0], [1], [0, 0, 1, 1], [], []>, precision = #tpu.contract_precision<fp32>, transpose_lhs_hint = false} : vector<512x150xf32>, vector<150x1xf32>, vector<512x1xf32> -> vector<512x1xf32>
      %add3A_1896 = vector.broadcast %get3A_219 : vector<1x1xf32> to vector<512x1xf32>
      %add3A_1897 = arith.addf %dot_general3A_1895, %add3A_1896 : vector<512x1xf32>
      %swap3A_1898 = arith.constant 7545 : index
      %swap3A_1899 = arith.constant 0 : index
      %swap3A_1900 = vector.load %arg12[%swap3A_1898, %swap3A_1899] : memref<10060x1xf32, #tpu.memory_space<vmem>>, vector<512x1xf32>
      tpu.vector_store %arg12[%swap3A_1898, %swap3A_1899], %add3A_1897 {strides = array<i32>} : memref<10060x1xf32, #tpu.memory_space<vmem>>, vector<512x1xf32>,
      %get3A_1901 = arith.constant 512 : index
      %get3A_1902 = arith.constant 0 : index
      %get3A_1903 = vector.load %arg14[%get3A_1901, %get3A_1902] : memref<2515x150xf32, #tpu.memory_space<vmem>>, vector<512x150xf32>
      %get3A_1904 = arith.constant 3 : index
      %get3A_1905 = arith.constant 512 : index
      %get3A_1906 = arith.constant 0 : index
      %get3A_1907 = vector.load %arg13[%get3A_1904, %get3A_1905, %get3A_1906] : memref<4x2515x256xf32, #tpu.memory_space<vmem>>, vector<1x512x256xf32>
      %get3A_1908 = vector.shape_cast %get3A_1907 : vector<1x512x256xf32> to vector<512x256xf32>
      %dot_general3A_1909 = arith.constant dense<0.000000e+00> : vector<512x150xf32>
      %dot_general3A_1910 = tpu.matmul %get3A_1908, %get3A_1558, %dot_general3A_1909 {dimension_numbers = #tpu.dot_dimension_numbers<[1], [0], [0], [1], [0, 0, 1, 1], [], []>, precision = #tpu.contract_precision<fp32>, transpose_lhs_hint = false} : vector<512x256xf32>, vector<256x150xf32>, vector<512x150xf32> -> vector<512x150xf32>
      %add3A_1911 = arith.addf %get3A_1903, %dot_general3A_1910 : vector<512x150xf32>
      %add3A_1912 = vector.broadcast %get3A_213 : vector<1x150xf32> to vector<512x150xf32>
      %add3A_1913 = arith.addf %add3A_1911, %add3A_1912 : vector<512x150xf32>
      %max3A_1914 = arith.constant 0.000000e+00 : f32
      %max3A_1915 = vector.broadcast %max3A_1914 : f32 to vector<512x150xf32>
      %max3A_1916 = arith.maximumf %add3A_1913, %max3A_1915 : vector<512x150xf32>
      %dot_general3A_1917 = arith.constant dense<0.000000e+00> : vector<512x1xf32>
      %dot_general3A_1918 = tpu.matmul %max3A_1916, %get3A_216, %dot_general3A_1917 {dimension_numbers = #tpu.dot_dimension_numbers<[1], [0], [0], [1], [0, 0, 1, 1], [], []>, precision = #tpu.contract_precision<fp32>, transpose_lhs_hint = false} : vector<512x150xf32>, vector<150x1xf32>, vector<512x1xf32> -> vector<512x1xf32>
      %add3A_1919 = vector.broadcast %get3A_219 : vector<1x1xf32> to vector<512x1xf32>
      %add3A_1920 = arith.addf %dot_general3A_1918, %add3A_1919 : vector<512x1xf32>
      %swap3A_1921 = arith.constant 8057 : index
      %swap3A_1922 = arith.constant 0 : index
      %swap3A_1923 = vector.load %arg12[%swap3A_1921, %swap3A_1922] : memref<10060x1xf32, #tpu.memory_space<vmem>>, vector<512x1xf32>
      tpu.vector_store %arg12[%swap3A_1921, %swap3A_1922], %add3A_1920 {strides = array<i32>} : memref<10060x1xf32, #tpu.memory_space<vmem>>, vector<512x1xf32>,
      %get3A_1924 = arith.constant 1024 : index
      %get3A_1925 = arith.constant 0 : index
      %get3A_1926 = vector.load %arg14[%get3A_1924, %get3A_1925] : memref<2515x150xf32, #tpu.memory_space<vmem>>, vector<512x150xf32>
      %get3A_1927 = arith.constant 3 : index
      %get3A_1928 = arith.constant 1024 : index
      %get3A_1929 = arith.constant 0 : index
      %get3A_1930 = vector.load %arg13[%get3A_1927, %get3A_1928, %get3A_1929] : memref<4x2515x256xf32, #tpu.memory_space<vmem>>, vector<1x512x256xf32>
      %get3A_1931 = vector.shape_cast %get3A_1930 : vector<1x512x256xf32> to vector<512x256xf32>
      %dot_general3A_1932 = arith.constant dense<0.000000e+00> : vector<512x150xf32>
      %dot_general3A_1933 = tpu.matmul %get3A_1931, %get3A_1558, %dot_general3A_1932 {dimension_numbers = #tpu.dot_dimension_numbers<[1], [0], [0], [1], [0, 0, 1, 1], [], []>, precision = #tpu.contract_precision<fp32>, transpose_lhs_hint = false} : vector<512x256xf32>, vector<256x150xf32>, vector<512x150xf32> -> vector<512x150xf32>
      %add3A_1934 = arith.addf %get3A_1926, %dot_general3A_1933 : vector<512x150xf32>
      %add3A_1935 = vector.broadcast %get3A_213 : vector<1x150xf32> to vector<512x150xf32>
      %add3A_1936 = arith.addf %add3A_1934, %add3A_1935 : vector<512x150xf32>
      %max3A_1937 = arith.constant 0.000000e+00 : f32
      %max3A_1938 = vector.broadcast %max3A_1937 : f32 to vector<512x150xf32>
      %max3A_1939 = arith.maximumf %add3A_1936, %max3A_1938 : vector<512x150xf32>
      %dot_general3A_1940 = arith.constant dense<0.000000e+00> : vector<512x1xf32>
      %dot_general3A_1941 = tpu.matmul %max3A_1939, %get3A_216, %dot_general3A_1940 {dimension_numbers = #tpu.dot_dimension_numbers<[1], [0], [0], [1], [0, 0, 1, 1], [], []>, precision = #tpu.contract_precision<fp32>, transpose_lhs_hint = false} : vector<512x150xf32>, vector<150x1xf32>, vector<512x1xf32> -> vector<512x1xf32>
      %add3A_1942 = vector.broadcast %get3A_219 : vector<1x1xf32> to vector<512x1xf32>
      %add3A_1943 = arith.addf %dot_general3A_1941, %add3A_1942 : vector<512x1xf32>
      %swap3A_1944 = arith.constant 8569 : index
      %swap3A_1945 = arith.constant 0 : index
      %swap3A_1946 = vector.load %arg12[%swap3A_1944, %swap3A_1945] : memref<10060x1xf32, #tpu.memory_space<vmem>>, vector<512x1xf32>
      tpu.vector_store %arg12[%swap3A_1944, %swap3A_1945], %add3A_1943 {strides = array<i32>} : memref<10060x1xf32, #tpu.memory_space<vmem>>, vector<512x1xf32>,
      %get3A_1947 = arith.constant 1536 : index
      %get3A_1948 = arith.constant 0 : index
      %get3A_1949 = vector.load %arg14[%get3A_1947, %get3A_1948] : memref<2515x150xf32, #tpu.memory_space<vmem>>, vector<512x150xf32>
      %get3A_1950 = arith.constant 3 : index
      %get3A_1951 = arith.constant 1536 : index
      %get3A_1952 = arith.constant 0 : index
      %get3A_1953 = vector.load %arg13[%get3A_1950, %get3A_1951, %get3A_1952] : memref<4x2515x256xf32, #tpu.memory_space<vmem>>, vector<1x512x256xf32>
      %get3A_1954 = vector.shape_cast %get3A_1953 : vector<1x512x256xf32> to vector<512x256xf32>
      %dot_general3A_1955 = arith.constant dense<0.000000e+00> : vector<512x150xf32>
      %dot_general3A_1956 = tpu.matmul %get3A_1954, %get3A_1558, %dot_general3A_1955 {dimension_numbers = #tpu.dot_dimension_numbers<[1], [0], [0], [1], [0, 0, 1, 1], [], []>, precision = #tpu.contract_precision<fp32>, transpose_lhs_hint = false} : vector<512x256xf32>, vector<256x150xf32>, vector<512x150xf32> -> vector<512x150xf32>
      %add3A_1957 = arith.addf %get3A_1949, %dot_general3A_1956 : vector<512x150xf32>
      %add3A_1958 = vector.broadcast %get3A_213 : vector<1x150xf32> to vector<512x150xf32>
      %add3A_1959 = arith.addf %add3A_1957, %add3A_1958 : vector<512x150xf32>
      %max3A_1960 = arith.constant 0.000000e+00 : f32
      %max3A_1961 = vector.broadcast %max3A_1960 : f32 to vector<512x150xf32>
      %max3A_1962 = arith.maximumf %add3A_1959, %max3A_1961 : vector<512x150xf32>
      %dot_general3A_1963 = arith.constant dense<0.000000e+00> : vector<512x1xf32>
      %dot_general3A_1964 = tpu.matmul %max3A_1962, %get3A_216, %dot_general3A_1963 {dimension_numbers = #tpu.dot_dimension_numbers<[1], [0], [0], [1], [0, 0, 1, 1], [], []>, precision = #tpu.contract_precision<fp32>, transpose_lhs_hint = false} : vector<512x150xf32>, vector<150x1xf32>, vector<512x1xf32> -> vector<512x1xf32>
      %add3A_1965 = vector.broadcast %get3A_219 : vector<1x1xf32> to vector<512x1xf32>
      %add3A_1966 = arith.addf %dot_general3A_1964, %add3A_1965 : vector<512x1xf32>
      %swap3A_1967 = arith.constant 9081 : index
      %swap3A_1968 = arith.constant 0 : index
      %swap3A_1969 = vector.load %arg12[%swap3A_1967, %swap3A_1968] : memref<10060x1xf32, #tpu.memory_space<vmem>>, vector<512x1xf32>
      tpu.vector_store %arg12[%swap3A_1967, %swap3A_1968], %add3A_1966 {strides = array<i32>} : memref<10060x1xf32, #tpu.memory_space<vmem>>, vector<512x1xf32>,
      %get3A_1970 = arith.constant 2048 : index
      %get3A_1971 = arith.constant 0 : index
      %get3A_1972 = vector.load %arg14[%get3A_1970, %get3A_1971] : memref<2515x150xf32, #tpu.memory_space<vmem>>, vector<467x150xf32>
      %get3A_1973 = arith.constant 3 : index
      %get3A_1974 = arith.constant 2048 : index
      %get3A_1975 = arith.constant 0 : index
      %get3A_1976 = vector.load %arg13[%get3A_1973, %get3A_1974, %get3A_1975] : memref<4x2515x256xf32, #tpu.memory_space<vmem>>, vector<1x467x256xf32>
      %get3A_1977 = vector.shape_cast %get3A_1976 : vector<1x467x256xf32> to vector<467x256xf32>
      %dot_general3A_1978 = arith.constant dense<0.000000e+00> : vector<467x150xf32>
      %dot_general3A_1979 = tpu.matmul %get3A_1977, %get3A_1558, %dot_general3A_1978 {dimension_numbers = #tpu.dot_dimension_numbers<[1], [0], [0], [1], [0, 0, 1, 1], [], []>, precision = #tpu.contract_precision<fp32>, transpose_lhs_hint = false} : vector<467x256xf32>, vector<256x150xf32>, vector<467x150xf32> -> vector<467x150xf32>
      %add3A_1980 = arith.addf %get3A_1972, %dot_general3A_1979 : vector<467x150xf32>
      %add3A_1981 = vector.broadcast %get3A_213 : vector<1x150xf32> to vector<467x150xf32>
      %add3A_1982 = arith.addf %add3A_1980, %add3A_1981 : vector<467x150xf32>
      %max3A_1983 = arith.constant 0.000000e+00 : f32
      %max3A_1984 = vector.broadcast %max3A_1983 : f32 to vector<467x150xf32>
      %max3A_1985 = arith.maximumf %add3A_1982, %max3A_1984 : vector<467x150xf32>
      %dot_general3A_1986 = arith.constant dense<0.000000e+00> : vector<467x1xf32>
      %dot_general3A_1987 = tpu.matmul %max3A_1985, %get3A_216, %dot_general3A_1986 {dimension_numbers = #tpu.dot_dimension_numbers<[1], [0], [0], [1], [0, 0, 1, 1], [], []>, precision = #tpu.contract_precision<fp32>, transpose_lhs_hint = false} : vector<467x150xf32>, vector<150x1xf32>, vector<467x1xf32> -> vector<467x1xf32>
      %add3A_1988 = vector.broadcast %get3A_219 : vector<1x1xf32> to vector<467x1xf32>
      %add3A_1989 = arith.addf %dot_general3A_1987, %add3A_1988 : vector<467x1xf32>
      %swap3A_1990 = arith.constant 9593 : index
      %swap3A_1991 = arith.constant 0 : index
      %swap3A_1992 = vector.load %arg12[%swap3A_1990, %swap3A_1991] : memref<10060x1xf32, #tpu.memory_space<vmem>>, vector<467x1xf32>
      tpu.vector_store %arg12[%swap3A_1990, %swap3A_1991], %add3A_1989 {strides = array<i32>} : memref<10060x1xf32, #tpu.memory_space<vmem>>, vector<467x1xf32>,
    } else {
    }
    %get3A = arith.constant 0 : index
    %get3A_2 = arith.constant 0 : index
    %get3A_3 = vector.load %arg2[%get3A, %get3A_2] : memref<1024x384xf32, #tpu.memory_space<vmem>>, vector<256x384xf32>
    %get3A_4 = arith.constant 0 : index
    %get3A_5 = arith.constant 0 : index
    %get3A_6 = arith.constant 0 : index
    %get3A_7 = vector.load %arg13[%get3A_4, %get3A_5, %get3A_6] : memref<4x2515x256xf32, #tpu.memory_space<vmem>>, vector<1x512x256xf32>
    %get3A_8 = vector.shape_cast %get3A_7 : vector<1x512x256xf32> to vector<512x256xf32>
    %dot_general3A = arith.constant dense<0.000000e+00> : vector<512x384xf32>
    %dot_general3A_9 = tpu.matmul %get3A_8, %get3A_3, %dot_general3A {dimension_numbers = #tpu.dot_dimension_numbers<[1], [0], [0], [1], [0, 0, 1, 1], [], []>, precision = #tpu.contract_precision<fp32>, transpose_lhs_hint = false} : vector<512x256xf32>, vector<256x384xf32>, vector<512x384xf32> -> vector<512x384xf32>
    %swap3A = arith.constant 0 : index
    %swap3A_10 = arith.constant 0 : index
    %swap3A_11 = vector.load %arg11[%swap3A, %swap3A_10] : memref<10060x384xf32, #tpu.memory_space<vmem>>, vector<512x384xf32>
    tpu.vector_store %arg11[%swap3A, %swap3A_10], %dot_general3A_9 {strides = array<i32>} : memref<10060x384xf32, #tpu.memory_space<vmem>>, vector<512x384xf32>,
    %get3A_12 = arith.constant 0 : index
    %get3A_13 = arith.constant 512 : index
    %get3A_14 = arith.constant 0 : index
    %get3A_15 = vector.load %arg13[%get3A_12, %get3A_13, %get3A_14] : memref<4x2515x256xf32, #tpu.memory_space<vmem>>, vector<1x512x256xf32>
    %get3A_16 = vector.shape_cast %get3A_15 : vector<1x512x256xf32> to vector<512x256xf32>
    %dot_general3A_17 = arith.constant dense<0.000000e+00> : vector<512x384xf32>
    %dot_general3A_18 = tpu.matmul %get3A_16, %get3A_3, %dot_general3A_17 {dimension_numbers = #tpu.dot_dimension_numbers<[1], [0], [0], [1], [0, 0, 1, 1], [], []>, precision = #tpu.contract_precision<fp32>, transpose_lhs_hint = false} : vector<512x256xf32>, vector<256x384xf32>, vector<512x384xf32> -> vector<512x384xf32>
    %swap3A_19 = arith.constant 512 : index
    %swap3A_20 = arith.constant 0 : index
    %swap3A_21 = vector.load %arg11[%swap3A_19, %swap3A_20] : memref<10060x384xf32, #tpu.memory_space<vmem>>, vector<512x384xf32>
    tpu.vector_store %arg11[%swap3A_19, %swap3A_20], %dot_general3A_18 {strides = array<i32>} : memref<10060x384xf32, #tpu.memory_space<vmem>>, vector<512x384xf32>,
    %get3A_22 = arith.constant 0 : index
    %get3A_23 = arith.constant 1024 : index
    %get3A_24 = arith.constant 0 : index
    %get3A_25 = vector.load %arg13[%get3A_22, %get3A_23, %get3A_24] : memref<4x2515x256xf32, #tpu.memory_space<vmem>>, vector<1x512x256xf32>
    %get3A_26 = vector.shape_cast %get3A_25 : vector<1x512x256xf32> to vector<512x256xf32>
    %dot_general3A_27 = arith.constant dense<0.000000e+00> : vector<512x384xf32>
    %dot_general3A_28 = tpu.matmul %get3A_26, %get3A_3, %dot_general3A_27 {dimension_numbers = #tpu.dot_dimension_numbers<[1], [0], [0], [1], [0, 0, 1, 1], [], []>, precision = #tpu.contract_precision<fp32>, transpose_lhs_hint = false} : vector<512x256xf32>, vector<256x384xf32>, vector<512x384xf32> -> vector<512x384xf32>
    %swap3A_29 = arith.constant 1024 : index
    %swap3A_30 = arith.constant 0 : index
    %swap3A_31 = vector.load %arg11[%swap3A_29, %swap3A_30] : memref<10060x384xf32, #tpu.memory_space<vmem>>, vector<512x384xf32>
    tpu.vector_store %arg11[%swap3A_29, %swap3A_30], %dot_general3A_28 {strides = array<i32>} : memref<10060x384xf32, #tpu.memory_space<vmem>>, vector<512x384xf32>,
    %get3A_32 = arith.constant 0 : index
    %get3A_33 = arith.constant 1536 : index
    %get3A_34 = arith.constant 0 : index
    %get3A_35 = vector.load %arg13[%get3A_32, %get3A_33, %get3A_34] : memref<4x2515x256xf32, #tpu.memory_space<vmem>>, vector<1x512x256xf32>
    %get3A_36 = vector.shape_cast %get3A_35 : vector<1x512x256xf32> to vector<512x256xf32>
    %dot_general3A_37 = arith.constant dense<0.000000e+00> : vector<512x384xf32>
    %dot_general3A_38 = tpu.matmul %get3A_36, %get3A_3, %dot_general3A_37 {dimension_numbers = #tpu.dot_dimension_numbers<[1], [0], [0], [1], [0, 0, 1, 1], [], []>, precision = #tpu.contract_precision<fp32>, transpose_lhs_hint = false} : vector<512x256xf32>, vector<256x384xf32>, vector<512x384xf32> -> vector<512x384xf32>
    %swap3A_39 = arith.constant 1536 : index
    %swap3A_40 = arith.constant 0 : index
    %swap3A_41 = vector.load %arg11[%swap3A_39, %swap3A_40] : memref<10060x384xf32, #tpu.memory_space<vmem>>, vector<512x384xf32>
    tpu.vector_store %arg11[%swap3A_39, %swap3A_40], %dot_general3A_38 {strides = array<i32>} : memref<10060x384xf32, #tpu.memory_space<vmem>>, vector<512x384xf32>,
    %get3A_42 = arith.constant 0 : index
    %get3A_43 = arith.constant 2048 : index
    %get3A_44 = arith.constant 0 : index
    %get3A_45 = vector.load %arg13[%get3A_42, %get3A_43, %get3A_44] : memref<4x2515x256xf32, #tpu.memory_space<vmem>>, vector<1x467x256xf32>
    %get3A_46 = vector.shape_cast %get3A_45 : vector<1x467x256xf32> to vector<467x256xf32>
    %dot_general3A_47 = arith.constant dense<0.000000e+00> : vector<467x384xf32>
    %dot_general3A_48 = tpu.matmul %get3A_46, %get3A_3, %dot_general3A_47 {dimension_numbers = #tpu.dot_dimension_numbers<[1], [0], [0], [1], [0, 0, 1, 1], [], []>, precision = #tpu.contract_precision<fp32>, transpose_lhs_hint = false} : vector<467x256xf32>, vector<256x384xf32>, vector<467x384xf32> -> vector<467x384xf32>
    %swap3A_49 = arith.constant 2048 : index
    %swap3A_50 = arith.constant 0 : index
    %swap3A_51 = vector.load %arg11[%swap3A_49, %swap3A_50] : memref<10060x384xf32, #tpu.memory_space<vmem>>, vector<467x384xf32>
    tpu.vector_store %arg11[%swap3A_49, %swap3A_50], %dot_general3A_48 {strides = array<i32>} : memref<10060x384xf32, #tpu.memory_space<vmem>>, vector<467x384xf32>,
    %get3A_52 = arith.constant 256 : index
    %get3A_53 = arith.constant 0 : index
    %get3A_54 = vector.load %arg2[%get3A_52, %get3A_53] : memref<1024x384xf32, #tpu.memory_space<vmem>>, vector<256x384xf32>
    %get3A_55 = arith.constant 1 : index
    %get3A_56 = arith.constant 0 : index
    %get3A_57 = arith.constant 0 : index
    %get3A_58 = vector.load %arg13[%get3A_55, %get3A_56, %get3A_57] : memref<4x2515x256xf32, #tpu.memory_space<vmem>>, vector<1x512x256xf32>
    %get3A_59 = vector.shape_cast %get3A_58 : vector<1x512x256xf32> to vector<512x256xf32>
    %dot_general3A_60 = arith.constant dense<0.000000e+00> : vector<512x384xf32>
    %dot_general3A_61 = tpu.matmul %get3A_59, %get3A_54, %dot_general3A_60 {dimension_numbers = #tpu.dot_dimension_numbers<[1], [0], [0], [1], [0, 0, 1, 1], [], []>, precision = #tpu.contract_precision<fp32>, transpose_lhs_hint = false} : vector<512x256xf32>, vector<256x384xf32>, vector<512x384xf32> -> vector<512x384xf32>
    %swap3A_62 = arith.constant 2515 : index
    %swap3A_63 = arith.constant 0 : index
    %swap3A_64 = vector.load %arg11[%swap3A_62, %swap3A_63] : memref<10060x384xf32, #tpu.memory_space<vmem>>, vector<512x384xf32>
    tpu.vector_store %arg11[%swap3A_62, %swap3A_63], %dot_general3A_61 {strides = array<i32>} : memref<10060x384xf32, #tpu.memory_space<vmem>>, vector<512x384xf32>,
    %get3A_65 = arith.constant 1 : index
    %get3A_66 = arith.constant 512 : index
    %get3A_67 = arith.constant 0 : index
    %get3A_68 = vector.load %arg13[%get3A_65, %get3A_66, %get3A_67] : memref<4x2515x256xf32, #tpu.memory_space<vmem>>, vector<1x512x256xf32>
    %get3A_69 = vector.shape_cast %get3A_68 : vector<1x512x256xf32> to vector<512x256xf32>
    %dot_general3A_70 = arith.constant dense<0.000000e+00> : vector<512x384xf32>
    %dot_general3A_71 = tpu.matmul %get3A_69, %get3A_54, %dot_general3A_70 {dimension_numbers = #tpu.dot_dimension_numbers<[1], [0], [0], [1], [0, 0, 1, 1], [], []>, precision = #tpu.contract_precision<fp32>, transpose_lhs_hint = false} : vector<512x256xf32>, vector<256x384xf32>, vector<512x384xf32> -> vector<512x384xf32>
    %swap3A_72 = arith.constant 3027 : index
    %swap3A_73 = arith.constant 0 : index
    %swap3A_74 = vector.load %arg11[%swap3A_72, %swap3A_73] : memref<10060x384xf32, #tpu.memory_space<vmem>>, vector<512x384xf32>
    tpu.vector_store %arg11[%swap3A_72, %swap3A_73], %dot_general3A_71 {strides = array<i32>} : memref<10060x384xf32, #tpu.memory_space<vmem>>, vector<512x384xf32>,
    %get3A_75 = arith.constant 1 : index
    %get3A_76 = arith.constant 1024 : index
    %get3A_77 = arith.constant 0 : index
    %get3A_78 = vector.load %arg13[%get3A_75, %get3A_76, %get3A_77] : memref<4x2515x256xf32, #tpu.memory_space<vmem>>, vector<1x512x256xf32>
    %get3A_79 = vector.shape_cast %get3A_78 : vector<1x512x256xf32> to vector<512x256xf32>
    %dot_general3A_80 = arith.constant dense<0.000000e+00> : vector<512x384xf32>
    %dot_general3A_81 = tpu.matmul %get3A_79, %get3A_54, %dot_general3A_80 {dimension_numbers = #tpu.dot_dimension_numbers<[1], [0], [0], [1], [0, 0, 1, 1], [], []>, precision = #tpu.contract_precision<fp32>, transpose_lhs_hint = false} : vector<512x256xf32>, vector<256x384xf32>, vector<512x384xf32> -> vector<512x384xf32>
    %swap3A_82 = arith.constant 3539 : index
    %swap3A_83 = arith.constant 0 : index
    %swap3A_84 = vector.load %arg11[%swap3A_82, %swap3A_83] : memref<10060x384xf32, #tpu.memory_space<vmem>>, vector<512x384xf32>
    tpu.vector_store %arg11[%swap3A_82, %swap3A_83], %dot_general3A_81 {strides = array<i32>} : memref<10060x384xf32, #tpu.memory_space<vmem>>, vector<512x384xf32>,
    %get3A_85 = arith.constant 1 : index
    %get3A_86 = arith.constant 1536 : index
    %get3A_87 = arith.constant 0 : index
    %get3A_88 = vector.load %arg13[%get3A_85, %get3A_86, %get3A_87] : memref<4x2515x256xf32, #tpu.memory_space<vmem>>, vector<1x512x256xf32>
    %get3A_89 = vector.shape_cast %get3A_88 : vector<1x512x256xf32> to vector<512x256xf32>
    %dot_general3A_90 = arith.constant dense<0.000000e+00> : vector<512x384xf32>
    %dot_general3A_91 = tpu.matmul %get3A_89, %get3A_54, %dot_general3A_90 {dimension_numbers = #tpu.dot_dimension_numbers<[1], [0], [0], [1], [0, 0, 1, 1], [], []>, precision = #tpu.contract_precision<fp32>, transpose_lhs_hint = false} : vector<512x256xf32>, vector<256x384xf32>, vector<512x384xf32> -> vector<512x384xf32>
    %swap3A_92 = arith.constant 4051 : index
    %swap3A_93 = arith.constant 0 : index
    %swap3A_94 = vector.load %arg11[%swap3A_92, %swap3A_93] : memref<10060x384xf32, #tpu.memory_space<vmem>>, vector<512x384xf32>
    tpu.vector_store %arg11[%swap3A_92, %swap3A_93], %dot_general3A_91 {strides = array<i32>} : memref<10060x384xf32, #tpu.memory_space<vmem>>, vector<512x384xf32>,
    %get3A_95 = arith.constant 1 : index
    %get3A_96 = arith.constant 2048 : index
    %get3A_97 = arith.constant 0 : index
    %get3A_98 = vector.load %arg13[%get3A_95, %get3A_96, %get3A_97] : memref<4x2515x256xf32, #tpu.memory_space<vmem>>, vector<1x467x256xf32>
    %get3A_99 = vector.shape_cast %get3A_98 : vector<1x467x256xf32> to vector<467x256xf32>
    %dot_general3A_100 = arith.constant dense<0.000000e+00> : vector<467x384xf32>
    %dot_general3A_101 = tpu.matmul %get3A_99, %get3A_54, %dot_general3A_100 {dimension_numbers = #tpu.dot_dimension_numbers<[1], [0], [0], [1], [0, 0, 1, 1], [], []>, precision = #tpu.contract_precision<fp32>, transpose_lhs_hint = false} : vector<467x256xf32>, vector<256x384xf32>, vector<467x384xf32> -> vector<467x384xf32>
    %swap3A_102 = arith.constant 4563 : index
    %swap3A_103 = arith.constant 0 : index
    %swap3A_104 = vector.load %arg11[%swap3A_102, %swap3A_103] : memref<10060x384xf32, #tpu.memory_space<vmem>>, vector<467x384xf32>
    tpu.vector_store %arg11[%swap3A_102, %swap3A_103], %dot_general3A_101 {strides = array<i32>} : memref<10060x384xf32, #tpu.memory_space<vmem>>, vector<467x384xf32>,
    %get3A_105 = arith.constant 512 : index
    %get3A_106 = arith.constant 0 : index
    %get3A_107 = vector.load %arg2[%get3A_105, %get3A_106] : memref<1024x384xf32, #tpu.memory_space<vmem>>, vector<256x384xf32>
    %get3A_108 = arith.constant 2 : index
    %get3A_109 = arith.constant 0 : index
    %get3A_110 = arith.constant 0 : index
    %get3A_111 = vector.load %arg13[%get3A_108, %get3A_109, %get3A_110] : memref<4x2515x256xf32, #tpu.memory_space<vmem>>, vector<1x512x256xf32>
    %get3A_112 = vector.shape_cast %get3A_111 : vector<1x512x256xf32> to vector<512x256xf32>
    %dot_general3A_113 = arith.constant dense<0.000000e+00> : vector<512x384xf32>
    %dot_general3A_114 = tpu.matmul %get3A_112, %get3A_107, %dot_general3A_113 {dimension_numbers = #tpu.dot_dimension_numbers<[1], [0], [0], [1], [0, 0, 1, 1], [], []>, precision = #tpu.contract_precision<fp32>, transpose_lhs_hint = false} : vector<512x256xf32>, vector<256x384xf32>, vector<512x384xf32> -> vector<512x384xf32>
    %swap3A_115 = arith.constant 5030 : index
    %swap3A_116 = arith.constant 0 : index
    %swap3A_117 = vector.load %arg11[%swap3A_115, %swap3A_116] : memref<10060x384xf32, #tpu.memory_space<vmem>>, vector<512x384xf32>
    tpu.vector_store %arg11[%swap3A_115, %swap3A_116], %dot_general3A_114 {strides = array<i32>} : memref<10060x384xf32, #tpu.memory_space<vmem>>, vector<512x384xf32>,
    %get3A_118 = arith.constant 2 : index
    %get3A_119 = arith.constant 512 : index
    %get3A_120 = arith.constant 0 : index
    %get3A_121 = vector.load %arg13[%get3A_118, %get3A_119, %get3A_120] : memref<4x2515x256xf32, #tpu.memory_space<vmem>>, vector<1x512x256xf32>
    %get3A_122 = vector.shape_cast %get3A_121 : vector<1x512x256xf32> to vector<512x256xf32>
    %dot_general3A_123 = arith.constant dense<0.000000e+00> : vector<512x384xf32>
    %dot_general3A_124 = tpu.matmul %get3A_122, %get3A_107, %dot_general3A_123 {dimension_numbers = #tpu.dot_dimension_numbers<[1], [0], [0], [1], [0, 0, 1, 1], [], []>, precision = #tpu.contract_precision<fp32>, transpose_lhs_hint = false} : vector<512x256xf32>, vector<256x384xf32>, vector<512x384xf32> -> vector<512x384xf32>
    %swap3A_125 = arith.constant 5542 : index
    %swap3A_126 = arith.constant 0 : index
    %swap3A_127 = vector.load %arg11[%swap3A_125, %swap3A_126] : memref<10060x384xf32, #tpu.memory_space<vmem>>, vector<512x384xf32>
    tpu.vector_store %arg11[%swap3A_125, %swap3A_126], %dot_general3A_124 {strides = array<i32>} : memref<10060x384xf32, #tpu.memory_space<vmem>>, vector<512x384xf32>,
    %get3A_128 = arith.constant 2 : index
    %get3A_129 = arith.constant 1024 : index
    %get3A_130 = arith.constant 0 : index
    %get3A_131 = vector.load %arg13[%get3A_128, %get3A_129, %get3A_130] : memref<4x2515x256xf32, #tpu.memory_space<vmem>>, vector<1x512x256xf32>
    %get3A_132 = vector.shape_cast %get3A_131 : vector<1x512x256xf32> to vector<512x256xf32>
    %dot_general3A_133 = arith.constant dense<0.000000e+00> : vector<512x384xf32>
    %dot_general3A_134 = tpu.matmul %get3A_132, %get3A_107, %dot_general3A_133 {dimension_numbers = #tpu.dot_dimension_numbers<[1], [0], [0], [1], [0, 0, 1, 1], [], []>, precision = #tpu.contract_precision<fp32>, transpose_lhs_hint = false} : vector<512x256xf32>, vector<256x384xf32>, vector<512x384xf32> -> vector<512x384xf32>
    %swap3A_135 = arith.constant 6054 : index
    %swap3A_136 = arith.constant 0 : index
    %swap3A_137 = vector.load %arg11[%swap3A_135, %swap3A_136] : memref<10060x384xf32, #tpu.memory_space<vmem>>, vector<512x384xf32>
    tpu.vector_store %arg11[%swap3A_135, %swap3A_136], %dot_general3A_134 {strides = array<i32>} : memref<10060x384xf32, #tpu.memory_space<vmem>>, vector<512x384xf32>,
    %get3A_138 = arith.constant 2 : index
    %get3A_139 = arith.constant 1536 : index
    %get3A_140 = arith.constant 0 : index
    %get3A_141 = vector.load %arg13[%get3A_138, %get3A_139, %get3A_140] : memref<4x2515x256xf32, #tpu.memory_space<vmem>>, vector<1x512x256xf32>
    %get3A_142 = vector.shape_cast %get3A_141 : vector<1x512x256xf32> to vector<512x256xf32>
    %dot_general3A_143 = arith.constant dense<0.000000e+00> : vector<512x384xf32>
    %dot_general3A_144 = tpu.matmul %get3A_142, %get3A_107, %dot_general3A_143 {dimension_numbers = #tpu.dot_dimension_numbers<[1], [0], [0], [1], [0, 0, 1, 1], [], []>, precision = #tpu.contract_precision<fp32>, transpose_lhs_hint = false} : vector<512x256xf32>, vector<256x384xf32>, vector<512x384xf32> -> vector<512x384xf32>
    %swap3A_145 = arith.constant 6566 : index
    %swap3A_146 = arith.constant 0 : index
    %swap3A_147 = vector.load %arg11[%swap3A_145, %swap3A_146] : memref<10060x384xf32, #tpu.memory_space<vmem>>, vector<512x384xf32>
    tpu.vector_store %arg11[%swap3A_145, %swap3A_146], %dot_general3A_144 {strides = array<i32>} : memref<10060x384xf32, #tpu.memory_space<vmem>>, vector<512x384xf32>,
    %get3A_148 = arith.constant 2 : index
    %get3A_149 = arith.constant 2048 : index
    %get3A_150 = arith.constant 0 : index
    %get3A_151 = vector.load %arg13[%get3A_148, %get3A_149, %get3A_150] : memref<4x2515x256xf32, #tpu.memory_space<vmem>>, vector<1x467x256xf32>
    %get3A_152 = vector.shape_cast %get3A_151 : vector<1x467x256xf32> to vector<467x256xf32>
    %dot_general3A_153 = arith.constant dense<0.000000e+00> : vector<467x384xf32>
    %dot_general3A_154 = tpu.matmul %get3A_152, %get3A_107, %dot_general3A_153 {dimension_numbers = #tpu.dot_dimension_numbers<[1], [0], [0], [1], [0, 0, 1, 1], [], []>, precision = #tpu.contract_precision<fp32>, transpose_lhs_hint = false} : vector<467x256xf32>, vector<256x384xf32>, vector<467x384xf32> -> vector<467x384xf32>
    %swap3A_155 = arith.constant 7078 : index
    %swap3A_156 = arith.constant 0 : index
    %swap3A_157 = vector.load %arg11[%swap3A_155, %swap3A_156] : memref<10060x384xf32, #tpu.memory_space<vmem>>, vector<467x384xf32>
    tpu.vector_store %arg11[%swap3A_155, %swap3A_156], %dot_general3A_154 {strides = array<i32>} : memref<10060x384xf32, #tpu.memory_space<vmem>>, vector<467x384xf32>,
    %get3A_158 = arith.constant 768 : index
    %get3A_159 = arith.constant 0 : index
    %get3A_160 = vector.load %arg2[%get3A_158, %get3A_159] : memref<1024x384xf32, #tpu.memory_space<vmem>>, vector<256x384xf32>
    %get3A_161 = arith.constant 3 : index
    %get3A_162 = arith.constant 0 : index
    %get3A_163 = arith.constant 0 : index
    %get3A_164 = vector.load %arg13[%get3A_161, %get3A_162, %get3A_163] : memref<4x2515x256xf32, #tpu.memory_space<vmem>>, vector<1x512x256xf32>
    %get3A_165 = vector.shape_cast %get3A_164 : vector<1x512x256xf32> to vector<512x256xf32>
    %dot_general3A_166 = arith.constant dense<0.000000e+00> : vector<512x384xf32>
    %dot_general3A_167 = tpu.matmul %get3A_165, %get3A_160, %dot_general3A_166 {dimension_numbers = #tpu.dot_dimension_numbers<[1], [0], [0], [1], [0, 0, 1, 1], [], []>, precision = #tpu.contract_precision<fp32>, transpose_lhs_hint = false} : vector<512x256xf32>, vector<256x384xf32>, vector<512x384xf32> -> vector<512x384xf32>
    %swap3A_168 = arith.constant 7545 : index
    %swap3A_169 = arith.constant 0 : index
    %swap3A_170 = vector.load %arg11[%swap3A_168, %swap3A_169] : memref<10060x384xf32, #tpu.memory_space<vmem>>, vector<512x384xf32>
    tpu.vector_store %arg11[%swap3A_168, %swap3A_169], %dot_general3A_167 {strides = array<i32>} : memref<10060x384xf32, #tpu.memory_space<vmem>>, vector<512x384xf32>,
    %get3A_171 = arith.constant 3 : index
    %get3A_172 = arith.constant 512 : index
    %get3A_173 = arith.constant 0 : index
    %get3A_174 = vector.load %arg13[%get3A_171, %get3A_172, %get3A_173] : memref<4x2515x256xf32, #tpu.memory_space<vmem>>, vector<1x512x256xf32>
    %get3A_175 = vector.shape_cast %get3A_174 : vector<1x512x256xf32> to vector<512x256xf32>
    %dot_general3A_176 = arith.constant dense<0.000000e+00> : vector<512x384xf32>
    %dot_general3A_177 = tpu.matmul %get3A_175, %get3A_160, %dot_general3A_176 {dimension_numbers = #tpu.dot_dimension_numbers<[1], [0], [0], [1], [0, 0, 1, 1], [], []>, precision = #tpu.contract_precision<fp32>, transpose_lhs_hint = false} : vector<512x256xf32>, vector<256x384xf32>, vector<512x384xf32> -> vector<512x384xf32>
    %swap3A_178 = arith.constant 8057 : index
    %swap3A_179 = arith.constant 0 : index
    %swap3A_180 = vector.load %arg11[%swap3A_178, %swap3A_179] : memref<10060x384xf32, #tpu.memory_space<vmem>>, vector<512x384xf32>
    tpu.vector_store %arg11[%swap3A_178, %swap3A_179], %dot_general3A_177 {strides = array<i32>} : memref<10060x384xf32, #tpu.memory_space<vmem>>, vector<512x384xf32>,
    %get3A_181 = arith.constant 3 : index
    %get3A_182 = arith.constant 1024 : index
    %get3A_183 = arith.constant 0 : index
    %get3A_184 = vector.load %arg13[%get3A_181, %get3A_182, %get3A_183] : memref<4x2515x256xf32, #tpu.memory_space<vmem>>, vector<1x512x256xf32>
    %get3A_185 = vector.shape_cast %get3A_184 : vector<1x512x256xf32> to vector<512x256xf32>
    %dot_general3A_186 = arith.constant dense<0.000000e+00> : vector<512x384xf32>
    %dot_general3A_187 = tpu.matmul %get3A_185, %get3A_160, %dot_general3A_186 {dimension_numbers = #tpu.dot_dimension_numbers<[1], [0], [0], [1], [0, 0, 1, 1], [], []>, precision = #tpu.contract_precision<fp32>, transpose_lhs_hint = false} : vector<512x256xf32>, vector<256x384xf32>, vector<512x384xf32> -> vector<512x384xf32>
    %swap3A_188 = arith.constant 8569 : index
    %swap3A_189 = arith.constant 0 : index
    %swap3A_190 = vector.load %arg11[%swap3A_188, %swap3A_189] : memref<10060x384xf32, #tpu.memory_space<vmem>>, vector<512x384xf32>
    tpu.vector_store %arg11[%swap3A_188, %swap3A_189], %dot_general3A_187 {strides = array<i32>} : memref<10060x384xf32, #tpu.memory_space<vmem>>, vector<512x384xf32>,
    %get3A_191 = arith.constant 3 : index
    %get3A_192 = arith.constant 1536 : index
    %get3A_193 = arith.constant 0 : index
    %get3A_194 = vector.load %arg13[%get3A_191, %get3A_192, %get3A_193] : memref<4x2515x256xf32, #tpu.memory_space<vmem>>, vector<1x512x256xf32>
    %get3A_195 = vector.shape_cast %get3A_194 : vector<1x512x256xf32> to vector<512x256xf32>
    %dot_general3A_196 = arith.constant dense<0.000000e+00> : vector<512x384xf32>
    %dot_general3A_197 = tpu.matmul %get3A_195, %get3A_160, %dot_general3A_196 {dimension_numbers = #tpu.dot_dimension_numbers<[1], [0], [0], [1], [0, 0, 1, 1], [], []>, precision = #tpu.contract_precision<fp32>, transpose_lhs_hint = false} : vector<512x256xf32>, vector<256x384xf32>, vector<512x384xf32> -> vector<512x384xf32>
    %swap3A_198 = arith.constant 9081 : index
    %swap3A_199 = arith.constant 0 : index
    %swap3A_200 = vector.load %arg11[%swap3A_198, %swap3A_199] : memref<10060x384xf32, #tpu.memory_space<vmem>>, vector<512x384xf32>
    tpu.vector_store %arg11[%swap3A_198, %swap3A_199], %dot_general3A_197 {strides = array<i32>} : memref<10060x384xf32, #tpu.memory_space<vmem>>, vector<512x384xf32>,
    %get3A_201 = arith.constant 3 : index
    %get3A_202 = arith.constant 2048 : index
    %get3A_203 = arith.constant 0 : index
    %get3A_204 = vector.load %arg13[%get3A_201, %get3A_202, %get3A_203] : memref<4x2515x256xf32, #tpu.memory_space<vmem>>, vector<1x467x256xf32>
    %get3A_205 = vector.shape_cast %get3A_204 : vector<1x467x256xf32> to vector<467x256xf32>
    %dot_general3A_206 = arith.constant dense<0.000000e+00> : vector<467x384xf32>
    %dot_general3A_207 = tpu.matmul %get3A_205, %get3A_160, %dot_general3A_206 {dimension_numbers = #tpu.dot_dimension_numbers<[1], [0], [0], [1], [0, 0, 1, 1], [], []>, precision = #tpu.contract_precision<fp32>, transpose_lhs_hint = false} : vector<467x256xf32>, vector<256x384xf32>, vector<467x384xf32> -> vector<467x384xf32>
    %swap3A_208 = arith.constant 9593 : index
    %swap3A_209 = arith.constant 0 : index
    %swap3A_210 = vector.load %arg11[%swap3A_208, %swap3A_209] : memref<10060x384xf32, #tpu.memory_space<vmem>>, vector<467x384xf32>
    tpu.vector_store %arg11[%swap3A_208, %swap3A_209], %dot_general3A_207 {strides = array<i32>} : memref<10060x384xf32, #tpu.memory_space<vmem>>, vector<467x384xf32>,
    return
  }
  func.func @transform_1(%arg0: i32) -> (i32, i32) {
    %c0_i32 = arith.constant 0 : i32
    %c0_i32_0 = arith.constant 0 : i32
    return %c0_i32, %arg0 : i32, i32
  }
  func.func @transform_2(%arg0: i32) -> (i32, i32) {
    %c0_i32 = arith.constant 0 : i32
    %c0_i32_0 = arith.constant 0 : i32
    %c0_i32_1 = arith.constant 0 : i32
    return %c0_i32, %c0_i32_0 : i32, i32
  }
  func.func @transform_3(%arg0: i32) -> (i32, i32) {
    %c0_i32 = arith.constant 0 : i32
    %c0_i32_0 = arith.constant 0 : i32
    %c0_i32_1 = arith.constant 0 : i32
    return %c0_i32, %c0_i32_0 : i32, i32
  }
  func.func @transform_4(%arg0: i32) -> (i32, i32) {
    %c0_i32 = arith.constant 0 : i32
    %c0_i32_0 = arith.constant 0 : i32
    %c0_i32_1 = arith.constant 0 : i32
    return %c0_i32, %c0_i32_0 : i32, i32
  }
  func.func @transform_5(%arg0: i32) -> (i32, i32) {
    %c0_i32 = arith.constant 0 : i32
    %c0_i32_0 = arith.constant 0 : i32
    %c0_i32_1 = arith.constant 0 : i32
    return %c0_i32, %c0_i32_0 : i32, i32
  }
  func.func @transform_6(%arg0: i32) -> (i32, i32) {
    %c0_i32 = arith.constant 0 : i32
    %c0_i32_0 = arith.constant 0 : i32
    %c0_i32_1 = arith.constant 0 : i32
    return %c0_i32, %c0_i32_0 : i32, i32
  }
  func.func @transform_7(%arg0: i32) -> (i32, i32) {
    %c0_i32 = arith.constant 0 : i32
    %c0_i32_0 = arith.constant 0 : i32
    %c0_i32_1 = arith.constant 0 : i32
    return %c0_i32, %c0_i32_0 : i32, i32
  }
  func.func @transform_8(%arg0: i32) -> (i32, i32) {
    %c0_i32 = arith.constant 0 : i32
    %c0_i32_0 = arith.constant 0 : i32
    %c0_i32_1 = arith.constant 0 : i32
    return %c0_i32, %c0_i32_0 : i32, i32
  }
  func.func @transform_9(%arg0: i32) -> (i32, i32) {
    %c0_i32 = arith.constant 0 : i32
    %c0_i32_0 = arith.constant 0 : i32
    %c0_i32_1 = arith.constant 0 : i32
    return %c0_i32, %c0_i32_0 : i32, i32
  }
  func.func @transform_10(%arg0: i32) -> (i32, i32) {
    %add3A = arith.constant 4 : i32
    %add3A_0 = arith.addi %add3A, %arg0 : i32
    %c0_i32 = arith.constant 0 : i32
    %c0_i32_1 = arith.constant 0 : i32
    return %c0_i32, %add3A_0 : i32, i32
  }
  func.func @transform_11(%arg0: i32) -> (i32, i32) {
    %c0_i32 = arith.constant 0 : i32
    %c0_i32_0 = arith.constant 0 : i32
    %c0_i32_1 = arith.constant 0 : i32
    return %c0_i32, %c0_i32_0 : i32, i32
  }
}

</mosaic_0001>

<sc_bundles>
// kernel: kernel.6.cloned.1.call-start
scs
__scs_entry_jumppad:
0x0: {  	(pc) =	sbr.rel $0x88, $3  }
0x1: {  	(tag) =	ssettag $0x0;
	lr =	simm.s32 $0x1  }
0x2: {  	[smem:$0x3F96] =	sst lr;
	_ =	strace $0xD0000000  }
0x3: {  	_ = 	snop  }
0x4: {  	_ = 	snop  }
0x5: {  	_ = 	snop  }
0x6: {  	_ = 	snop  }
0x7: {  	_ = 	snop  }
__scs_overlays_trampoline_lowered:
0x8: {  	[smem:$0x3FA5] =	sst s0  }
0x9: {  	[smem:$0x3FA6] =	sst s1  }
0xa: {  	[smem:$0x3FA7] =	sst s2  }
0xb: {  	[smem:$0x3FA8] =	sst s3  }
0xc: {  	[smem:$0x3FA9] =	sst s4  }
0xd: {  	[smem:$0x3FAA] =	sst s5  }
0xe: {  	[smem:$0x3FAB] =	sst s6  }
0xf: {  	[smem:$0x3FAC] =	sst s7  }
0x10: {  	[smem:$0x3FAD] =	sst s8  }
0x11: {  	[smem:$0x3FAE] =	sst s9;
	s0 =	simm.s32 @!p0 $0x0  }
0x12: {  	s1 =	sld [smem:$0x3F94];
	s0 =	simm.s32 @p0 $0x1  }
0x13: {  	[smem:$0x3FAF] =	sst s0;
	s0 =	simm.s32 @!p1 $0x0  }
0x14: {  	s2 =	sld [smem:$0x3F93];
	s0 =	simm.s32 @p1 $0x1  }
0x15: {  	[smem:$0x3FB0] =	sst s0;
	s0 =	simm.s32 @!p2 $0x0  }
0x16: {  	s3 =	sld [smem:$0x3FDB];
	s0 =	simm.s32 @p2 $0x1  }
0x17: {  	s4 =	simm.s32 $0x1BF5;
	[smem:$0x3FB2] =	sst s0  }
0x18: {  	s0 =	sld [smem:$0x3F95];
	_ =	swait.ge [sflag:s4], $0x0  }
0x19: {  	s7 =	sld [smem:$0x3F96]  }
0x1a: {  	s8 =	sadd.s32 $0xFFFFE003, lr  }
0x1b: {  	s9 =	sadd.s32 $0xFFFFFEF7, lr;
	s5 =	simm.s32 $0xFFFFFFFF;
	p2 =	slt.u32 s8, $0xFFFFF086  }
0x1c: {  	p1 =	slt.u32 s9, $0xF7A;
	s5 =	simm.s32 @!p2 $0x0  }
0x1d: {  	s5 =	simm.s32 @p1 $0x1;
	p0 =	seq.s32 s7, s2  }
0x1e: {  	s7 =	smul.u32 @!p0 $0xF7A, s2;
	p2 =	seq.s32 @!p0 s5, $0x0  }
0x1f: {  	s9 =	smul.u32 $0xF7A, s1;
	s8 =	simm.s32 @!p0 $0x1BF5;
	p2 =	por !p2, p0  }
0x20: {  	[sflag:s8] =	ssyncset.s32 @!p0 $0xFFFFF086;
	s6 =	sadd.s32 @!p0 s3, s7;
	s7 =	simm.s32 @!p0 $0x108  }
0x21: {  	s3 =	sadd.s32 s3, s9;
	s6 =	sadd.s32 @!p0 $0x88, s6;
	s7 =	simm.s32 @p2 $0x1082  }
0x22: {  	[simem:s7], [sflag:s8] =	dma.local @!p0 [hbm:s6], $0xF7A  }
0x23: {  	s9 =	sor.u32 $0xD0000000, s2;
	s6 =	simm.s32 $0x108;
	_ =	swait.ge @!p0 [sflag:s8], $0x0  }
0x24: {  	s3 =	sadd.s32 $0x88, s3;
	s6 =	simm.s32 @!p1 $0x1082;
	[sflag:s4] =	ssyncset.s32 $0xFFFFF086  }
0x25: {  	[simem:s6], [sflag:s4] =	dma.local [hbm:s3], $0xF7A  }
0x26: {  	[smem:$0x3F96] =	sst s1;
	(tag) =	ssettag s2;
	_ =	strace s9  }
0x27: {  	s1 =	sld [smem:$0x3FA6]  }
0x28: {  	s2 =	sld [smem:$0x3FA7]  }
0x29: {  	s4 =	sld [smem:$0x3FA9]  }
0x2a: {  	p0 =	seq.s32 s5, $0x0;
	s5 =	sld [smem:$0x3FAA]  }
0x2b: {  	s6 =	sld [smem:$0x3FAB]  }
0x2c: {  	s7 =	sld [smem:$0x3FAC]  }
0x2d: {  	s3 =	simm.s32 $0x108;
	s8 =	sld [smem:$0x3FAD]  }
0x2e: {  	s3 =	simm.s32 @!p0 $0x1082;
	s9 =	sld [smem:$0x3FAE]  }
0x2f: {  	lr =	sadd.s32 s0, s3;
	s0 =	sld [smem:$0x3FA5]  }
0x30: {  	s3 =	sld [smem:$0x3FA8]  }
0x31: {  	[smem:$0x3FB1] =	sst s10  }
0x32: {  	s10 =	sld [smem:$0x3FAF];
	_ =	sdelay $0x3  }
0x33: {  	p0 =	seq.s32 s10, $0x1;
	s10 =	sld [smem:$0x3FB1];
	_ =	sdelay $0x3  }
0x34: {  	[smem:$0x3FB1] =	sst s10  }
0x35: {  	s10 =	sld [smem:$0x3FB0];
	_ =	sdelay $0x3  }
0x36: {  	p1 =	seq.s32 s10, $0x1;
	s10 =	sld [smem:$0x3FB1];
	_ =	sdelay $0x3  }
0x37: {  	[smem:$0x3FB1] =	sst s10  }
0x38: {  	s10 =	sld [smem:$0x3FB2]  }
0x39: {  	_ = 	snop;
	(pc) =	sbr.ind lr, $3  }
0x3a: {  	_ = 	snop  }
0x3b: {  	_ = 	snop  }
0x3c: {  	p2 =	seq.s32 s10, $0x1;
	s10 =	sld [smem:$0x3FB1]  }
0x3d: {  	_ =	shalt  }
0x3e: {  	_ =	shalt  }
0x3f: {  	_ =	shalt  }
0x40: {  	_ =	shalt  }
0x41: {  	_ =	shalt  }
0x42: {  	_ =	shalt  }
0x43: {  	_ =	shalt  }
0x44: {  	_ =	shalt  }
0x45: {  	_ =	shalt  }
0x46: {  	_ =	shalt  }
0x47: {  	_ =	shalt  }
0x48: {  	_ =	shalt  }
0x49: {  	_ =	shalt  }
0x4a: {  	_ =	shalt  }
0x4b: {  	_ =	shalt  }
0x4c: {  	_ =	shalt  }
0x4d: {  	_ =	shalt  }
0x4e: {  	_ =	shalt  }
0x4f: {  	_ =	shalt  }
0x50: {  	_ =	shalt  }
0x51: {  	_ =	shalt  }
0x52: {  	_ =	shalt  }
0x53: {  	_ =	shalt  }
0x54: {  	_ =	shalt  }
0x55: {  	_ =	shalt  }
0x56: {  	_ =	shalt  }
0x57: {  	_ =	shalt  }
0x58: {  	_ =	shalt  }
0x59: {  	_ =	shalt  }
0x5a: {  	_ =	shalt  }
0x5b: {  	_ =	shalt  }
0x5c: {  	_ =	shalt  }
0x5d: {  	_ =	shalt  }
0x5e: {  	_ =	shalt  }
0x5f: {  	_ =	shalt  }
0x60: {  	_ =	shalt  }
0x61: {  	_ =	shalt  }
0x62: {  	_ =	shalt  }
0x63: {  	_ =	shalt  }
0x64: {  	_ =	shalt  }
0x65: {  	_ =	shalt  }
0x66: {  	_ =	shalt  }
0x67: {  	_ =	shalt  }
0x68: {  	_ =	shalt  }
0x69: {  	_ =	shalt  }
0x6a: {  	_ =	shalt  }
0x6b: {  	_ =	shalt  }
0x6c: {  	_ =	shalt  }
0x6d: {  	_ =	shalt  }
0x6e: {  	_ =	shalt  }
0x6f: {  	_ =	shalt  }
0x70: {  	_ =	shalt  }
0x71: {  	_ =	shalt  }
0x72: {  	_ =	shalt  }
0x73: {  	_ =	shalt  }
0x74: {  	_ =	shalt  }
0x75: {  	_ =	shalt  }
0x76: {  	_ =	shalt  }
0x77: {  	_ =	shalt  }
0x78: {  	_ =	shalt  }
0x79: {  	_ =	shalt  }
0x7a: {  	_ =	shalt  }
0x7b: {  	_ =	shalt  }
0x7c: {  	_ =	shalt  }
0x7d: {  	_ =	shalt  }
0x7e: {  	_ =	shalt  }
0x7f: {  	_ =	shalt  }
0x80: {  	_ =	shalt  }
0x81: {  	_ =	shalt  }
0x82: {  	_ =	shalt  }
0x83: {  	_ =	shalt  }
0x84: {  	_ =	shalt  }
0x85: {  	_ =	shalt  }
0x86: {  	_ =	shalt  }
0x87: {  	_ =	shalt  }
.Lfunc_end0:
.L_simem_size_0:
called_computation_lowered:
.L_overlay_start_0:
0x88: {  	s2 =	sld [smem:$0x3FD9]  }
0x89: {  	s3 =	sld [smem:$0x3FFE];
	_ =	sdelay $0x1  }
0x8a: {  	s1 =	srdreg.scid  }
0x8b: {  	s0 =	sand.u32 $0x1, s1  }
0x8c: {  	s15 =	sshll.u32 s0, $0xA;
	s2 =	sadd.s32 s3, s2  }
0x8d: {  	s2 =	sadd.s32 s2, s15  }
0x8e: {  	[smem:$0x3FBD] =	sst s2  }
0x8f: {  	_ = 	snop  }
0x90: {  	s2 =	sld [smem:$0x3FD0]  }
0x91: {  	s16 =	sld [smem:$0x3FC9]  }
0x92: {  	s4 =	sld [smem:$0x3FC8]  }
0x93: {  	s6 =	simm.s32 $0xA;
	s7 =	simm.s32 $0x10;
	s5 =	sld [smem:$0x3FC7]  }
0x94: {  	[smem:s7], [sflag:s6] =	dma.local [hbm:s2], $0x1  }
0x95: {  	_ =	swait.eq [sflag:s6], $0x1  }
0x96: {  	[sflag:s6] =	ssyncset.done $0x0  }
0x97: {  	[sflag:s6] =	ssyncadd.s32 $0xFFFFFFFF  }
0x98: {  	s17 =	sld [smem:$0x10];
	(tm) =	ssettm $0x1  }
0x99: {  	s18 =	sld [smem:$0x3FFB];
	_ =	sdelay $0x3  }
0x9a: {  	_ =	strace s18  }
0x9b: {  	s6 =	sld [smem:$0x3FFC];
	_ =	sdelay $0x3  }
0x9c: {  	_ =	strace s6  }
0x9d: {  	s6 =	sld [smem:$0x3FFD];
	_ =	sdelay $0x3  }
0x9e: {  	_ =	strace s6  }
0x9f: {  	_ =	strace $0x8FFFFFFF  }
0xa0: {  	s19 =	sld [smem:$0x3FDB];
	_ =	sdelay $0x1  }
0xa1: {  	s20 =	simm.s32 $_scs_section_size  }
0xa2: {  	s8 =	simm.s32 $_size__tile_overlayer_lowered;
	s9 =	simm.s32 $_tile_overlayer_lowered  }
0xa3: {  	s23 =	simm.s32 $0x1BFF;
	s22 =	sshll.u32 s9, $0x1;
	s6 =	sadd.s32 s20, s19  }
0xa4: {  	s10 =	simm.s32 $0x0;
	s21 =	sshll.u32 s8, $0x1;
	s8 =	sadd.s32 s22, s6  }
0xa5: {  	[timem:s10], [sflag:s23] =	dma.local [hbm:s8], s21  }
0xa6: {  	_ =	swait.ge [sflag:s23], s21  }
0xa7: {  	s7 =	ssub.s32 $0x0, s21;
	[sflag:s23] =	ssyncset.done $0x0  }
0xa8: {  	[sflag:s23] =	ssyncadd.s32 s7;
	_ =	sdelay $0x1  }
0xa9: {  	s24 =	simm.s32 $0x1B8B  }
0xaa: {  	_ =	swait.ge [sflag:s24], $0x1  }
0xab: {  	[sflag:s24] =	ssyncset.done $0x0  }
0xac: {  	s25 =	simm.s32 $0x1B8E;
	[sflag:s24] =	ssyncadd.s32 $0xFFFFFFFF  }
0xad: {  	s26 =	simm.s32 $execute0_lowered;
	[smem:$0x3FD2] =	sst s25  }
0xae: {  	s7 =	sshll.u32 s26, $0x1;
	_ =	strace $0x80000046;
	[dreg:$0x1] =	wrdreg $0xFFFFFFFF  }
0xaf: {  	s28 =	simm.s32 $_size_execute0_lowered;
	s6 =	sadd.s32 s6, s7;
	[dreg:$0x0] =	wrdreg $0x0  }
0xb0: {  	s7 =	sshll.u32 s28, $0x1;
	[dreg:$0x2] =	wrdreg s6  }
0xb1: {  	[dreg:$0x3] =	wrdreg s7  }
0xb2: {  	[dreg:$0x4] =	wrdreg $0xC0  }
0xb3: {  	_ =	task [dreg:s10], $0x5FFFF  }
0xb4: {  	[dreg:$0x1] =	wrdreg $0xFFFFFFFF  }
0xb5: {  	[dreg:$0x0] =	wrdreg $0x60  }
0xb6: {  	[dreg:$0x2] =	wrdreg s4  }
0xb7: {  	[dreg:$0x3] =	wrdreg s5  }
0xb8: {  	[dreg:$0x4] =	wrdreg s16  }
0xb9: {  	[dreg:$0x5] =	wrdreg s17  }
0xba: {  	[dreg:$0x6] =	wrdreg $0x9  }
0xbb: {  	_ =	task.clear_ibuf [dreg:s10], $0x7FFFF;
	_ =	strace $0x90000046  }
0xbc: {  	s29 =	simm.s32 $0x9;
	_ =	strace $0x80000048  }
0xbd: {  	_ =	swait.ge [sflag:s29], $0x1  }
0xbe: {  	[sflag:s29] =	ssyncadd.s32 $0xFFFFFFFF  }
0xbf: {  	_ =	strace $0x90000048  }
0xc0: {  	_ =	sfence  }
0xc1: {  	s30 =	sld [smem:$0x0];
	_ =	sdelay $0x2  }
0xc2: {  	s31 =	sshll.u32 s1, $0xD;
	s1 =	sshrl.u32 s1, $0x2  }
0xc3: {  	s3 =	sand.u32 $0x4000, s31;
	s1 =	sadd.s32 s1, s30  }
0xc4: {  	s0 =	sor.u32 s3, s0;
	s1 =	sshll.u32 s1, $0x11  }
0xc5: {  	s0 =	sor.u32 s1, s0  }
0xc6: {  	s0 =	sadd.s32 $0x8F2B, s0  }
0xc7: {  	[sflag:s0] =	ssyncadd.remote.s32 $0x1  }
0xc8: {  	_ =	sfence.sel $0xFFFF  }
0xc9: {  	[dreg:$0x0] =	wrdreg $0xFFFFFFFF;
	(pc) =	sbr.abs _section_cstart, $3  }
0xca: {  	[dreg:$0x1] =	wrdreg $0xFFFFFFFF  }
0xcb: {  	_ =	task.clear_ibuf [dreg:s10], $0x2FFFF;
	_ =	strace $0x9FFFFFFF  }
0xcc: {  	(tm) =	ssettm $0x7FFFFFFF  }
0xcd: {  	_ =	shalt  }
tec
execute0_lowered:
.L_overlay_start_1:
0x0: {  	(tag) =	ssettag $0x1  }
0x1: {  	s0 =	rddreg [dreg:$0x0]  }
0x2: {  	s3 =	rddreg [dreg:$0x1]  }
0x3: {  	s1 =	rddreg [dreg:$0x2];
	s2 =	srdreg.scid  }
0x4: {  	s6 =	rddreg [dreg:$0x3];
	s11 =	stileid.u32;
	s13 =	simm.s32 $0x100  }
0x5: {  	s14 =	simm.s32 $0xC100;
	s28 =	simm.s32 $0x12900;
	s29 =	simm.s32 $0x13100  }
0x6: {  	s30 =	simm.s32 $0x13900;
	s31 =	simm.s32 $0x14100;
	s15 =	simm.s32 $0x17900  }
0x7: {  	s16 =	simm.s32 $0x1;
	s17 =	simm.s32 $0x2;
	s18 =	simm.s32 $0x1800  }
0x8: {  	s19 =	simm.s32 $0x4800;
	s20 =	simm.s32 $0x3;
	s22 =	simm.s32 $0x0  }
0x9: {  	s9 =	sand.u32 $0x1, s2;
	s2 =	simm.s32 $0x0;
	s10 =	sshll.u32 s11, $0x1  }
0xa: {  	s8 =	smul.u32 $0x9000, s11;
	s11 =	sshll.u32 s11, $0x4;
	s4 =	ssub.s32 $0x2, s9  }
0xb: {  	[smem:$0x7FF] =	sst s2;
	s12 =	smul.u32 $0x4800, s9;
	s0 =	sadd.s32 s11, s0  }
0xc: {  	s24 =	sshll.u32 s9, $0x3;
	s3 =	sadd.s32 s11, s3;
	s26 =	sor.u32 s9, s10  }
0xd: {  	s11 =	simm.s32 $0x4;
	s9 =	simm.s32 $0x16100;
	s10 =	simm.s32 $0x16900  }
0xe: {  	s5 =	sshrl.u32 s4, $0x1;
	_ =	strace $0x80000047;
	s6 =	sadd.s32 s8, s6  }
0xf: {  	s8 =	sadd.s32 s24, s3;
	[dreg:$0x7] =	wrdreg s26;
	s26 =	simm.s32 $0x12100  }
.Ltmp0:
0x10: {  	s3 =	simm.s32 $0x15100;
	s7 =	ssub.s32 s4, s5;
	(pc) =	sbr.rel .LBB2_1-.Ltmp0, $4  }
0x11: {  	s4 =	sadd.s32 $0x100, s1;
	s5 =	sadd.s32 $0x200, s1;
	s6 =	sadd.s32 s12, s6  }
0x12: {  	v2 =	vlaneseq.u32;
	s12 =	simm.s32 $0x17100;
	s7 =	smax.u32 s7, $0x1;
	s25 =	sadd.s32 $0x300, s6  }
0x13: {  	vm0 =	vmmov $0xffff;
	v1 =	vshrl.u32 v2, $0x3;
	s6 =	simm.s32 $0x15900;
	[dreg:$0x5] =	wrdreg s7;
	s7 =	sadd.s32 s24, s0  }
0x14: {  	v0 =	vand.u32 $0x7, v2;
	v2 =	vor.u32 $0x8, v2;
	v1 =	vmul.u32 $0x8, v1;
	[dreg:$0x6] =	wrdreg s25;
	s0 =	simm.s32 $0x14900;
	s25 =	simm.s32 $0x80  }
.LBB2_5:
0x15: {  	s22 =	rddreg [dreg:$0x8]  }
0x16: {  	s21 =	rddreg [dreg:$0x5];
	s22 =	sadd.s32 $0x1, s22  }
0x17: {  	p0 =	sne.s32 s22, s21  }
.Ltmp1:
0x18: {  	_ = 	snop;
	(pc) =	sbr.rel @!p0 .LBB2_6-.Ltmp1, $1  }
0x19: {  	_ =	sdelay $0x3  }
.LBB2_1:
.Ltmp2:
0x1a: {  	(pc) =	sbr.rel .LBB2_2-.Ltmp2, $4  }
0x1b: {  	_ = 	snop  }
0x1c: {  	[dreg:$0x8] =	wrdreg s22  }
0x1d: {  	s22 =	rddreg [dreg:$0x7]  }
0x1e: {  	s21 =	rddreg [dreg:$0x6];
	s23 =	simm.s32 $0x0  }
.LBB2_4:
0x1f: {  	s23 =	sadd.s32 $0x100, s23  }
0x20: {  	p0 =	sne.s32 s23, $0x500  }
.Ltmp3:
0x21: {  	_ = 	snop;
	(pc) =	sbr.rel @!p0 .LBB2_5-.Ltmp3, $2  }
0x22: {  	_ =	sdelay $0x2  }
0x23: {  	s21 =	sadd.s32 $0x90000, s21;
	s22 =	sadd.s32 $0x20, s22  }
.LBB2_2:
0x24: {  	p0 =	sgt.u32 s22, $0x9C  }
.Ltmp4:
0x25: {  	_ = 	snop;
	(pc) =	sbr.rel @p0 .LBB2_4-.Ltmp4, $1  }
0x26: {  	_ =	sdelay $0x3  }
0x27: {  	s24 =	sadd.s32 s23, s7  }
0x28: {  	[tilespmem:s2], [sflag:$0x4] =	stream.linear.gather [hbm4b:s24+s2], $0x40, $0x38;
	[tilespmem:$0x18100] =	vst v63  }
0x29: {  	_ =	swait.ge [sflag:s11], $0x40  }
0x2a: {  	[sflag:s11] =	ssyncset.done $0x0  }
0x2b: {  	s24 =	sadd.s32 s23, s8;
	[sflag:s11] =	ssyncadd.s32 $0xFFFFFFC0  }
0x2c: {  	[tilespmem:s25], [sflag:$0x4] =	stream.linear.gather [hbm4b:s24+s2], $0x40, $0x38;
	[tilespmem:$0x18100] =	vst v63  }
0x2d: {  	_ =	swait.ge [sflag:s11], $0x40  }
0x2e: {  	[sflag:s11] =	ssyncset.done $0x0  }
0x2f: {  	[sflag:s11] =	ssyncadd.s32 $0xFFFFFFC0  }
0x30: {  	v3 =	vld [tilespmem:$0x0];
	_ =	sdelay $0x4  }
0x31: {  	v4 =	vshrl.u32 v3, $0x3  }
0x32: {  	v4 =	vmul.u32 $0x30, v4  }
0x33: {  	v3 =	vand.u32 $0x7, v3  }
0x34: {  	v3 =	vor.u32 v3, v4  }
0x35: {  	v4 =	vperm.xlane v3, v0;
	_ =	sdelay $0x1  }
0x36: {  	v4 =	vadd.s32 v1, v4;
	_ =	sdelay $0x3  }
0x37: {  	v3 =	vperm.xlane v3, v2  }
0x38: {  	[tilespmem:s13], [sflag:$0x1] =	stream.indirect_vreg.gather [hbm4b:s1+s2], $0x80, v4, vm0, $0xb8;
	[tilespmem:$0x18100] =	vst v63  }
0x39: {  	s24 =	simm.s32 $0x900;
	v3 =	vadd.s32 v1, v3  }
0x3a: {  	[tilespmem:s24], [sflag:$0x1] =	stream.indirect_vreg.gather [hbm4b:s4+s2], $0x80, v4, vm0, $0xb8;
	[tilespmem:$0x18100] =	vst v63  }
0x3b: {  	s24 =	simm.s32 $0x1100  }
0x3c: {  	[tilespmem:s24], [sflag:$0x1] =	stream.indirect_vreg.gather [hbm4b:s5+s2], $0x80, v4, vm0, $0xb8;
	[tilespmem:$0x18100] =	vst v63  }
0x3d: {  	s24 =	simm.s32 $0x1900  }
0x3e: {  	[tilespmem:s24], [sflag:$0x1] =	stream.indirect_vreg.gather [hbm4b:s1+s2], $0x80, v3, vm0, $0xb8;
	[tilespmem:$0x18100] =	vst v63  }
0x3f: {  	s24 =	simm.s32 $0x2100  }
0x40: {  	[tilespmem:s24], [sflag:$0x1] =	stream.indirect_vreg.gather [hbm4b:s4+s2], $0x80, v3, vm0, $0xb8;
	[tilespmem:$0x18100] =	vst v63  }
0x41: {  	s24 =	simm.s32 $0x2900  }
0x42: {  	[tilespmem:s24], [sflag:$0x1] =	stream.indirect_vreg.gather [hbm4b:s5+s2], $0x80, v3, vm0, $0xb8;
	[tilespmem:$0x18100] =	vst v63  }
0x43: {  	v3 =	vld [tilespmem:$0x10];
	_ =	sdelay $0x4  }
0x44: {  	v57 =	vshrl.u32 v3, $0x3  }
0x45: {  	v4 =	vmul.u32 $0x30, v57  }
0x46: {  	v3 =	vand.u32 $0x7, v3  }
0x47: {  	v3 =	vor.u32 v3, v4  }
0x48: {  	v4 =	vperm.xlane v3, v0;
	_ =	sdelay $0x1  }
0x49: {  	v4 =	vadd.s32 v1, v4;
	_ =	sdelay $0x3  }
0x4a: {  	s24 =	simm.s32 $0x3100;
	v3 =	vperm.xlane v3, v2  }
0x4b: {  	[tilespmem:s24], [sflag:$0x1] =	stream.indirect_vreg.gather [hbm4b:s1+s2], $0x80, v4, vm0, $0xb8;
	[tilespmem:$0x18100] =	vst v63  }
0x4c: {  	v3 =	vadd.s32 v1, v3;
	s24 =	simm.s32 $0x3900  }
0x4d: {  	[tilespmem:s24], [sflag:$0x1] =	stream.indirect_vreg.gather [hbm4b:s4+s2], $0x80, v4, vm0, $0xb8;
	[tilespmem:$0x18100] =	vst v63  }
0x4e: {  	s24 =	simm.s32 $0x4100  }
0x4f: {  	[tilespmem:s24], [sflag:$0x1] =	stream.indirect_vreg.gather [hbm4b:s5+s2], $0x80, v4, vm0, $0xb8;
	[tilespmem:$0x18100] =	vst v63  }
0x50: {  	s24 =	simm.s32 $0x4900  }
0x51: {  	[tilespmem:s24], [sflag:$0x1] =	stream.indirect_vreg.gather [hbm4b:s1+s2], $0x80, v3, vm0, $0xb8;
	[tilespmem:$0x18100] =	vst v63  }
0x52: {  	s24 =	simm.s32 $0x5100  }
0x53: {  	[tilespmem:s24], [sflag:$0x1] =	stream.indirect_vreg.gather [hbm4b:s4+s2], $0x80, v3, vm0, $0xb8;
	[tilespmem:$0x18100] =	vst v63  }
0x54: {  	s24 =	simm.s32 $0x5900  }
0x55: {  	[tilespmem:s24], [sflag:$0x1] =	stream.indirect_vreg.gather [hbm4b:s5+s2], $0x80, v3, vm0, $0xb8;
	[tilespmem:$0x18100] =	vst v63  }
0x56: {  	v3 =	vld [tilespmem:$0x20];
	_ =	sdelay $0x4  }
0x57: {  	v58 =	vshrl.u32 v3, $0x3  }
0x58: {  	v4 =	vmul.u32 $0x30, v58  }
0x59: {  	v3 =	vand.u32 $0x7, v3  }
0x5a: {  	v3 =	vor.u32 v3, v4  }
0x5b: {  	v4 =	vperm.xlane v3, v0;
	_ =	sdelay $0x1  }
0x5c: {  	v4 =	vadd.s32 v1, v4;
	_ =	sdelay $0x3  }
0x5d: {  	s24 =	simm.s32 $0x6100;
	v3 =	vperm.xlane v3, v2  }
0x5e: {  	[tilespmem:s24], [sflag:$0x1] =	stream.indirect_vreg.gather [hbm4b:s1+s2], $0x80, v4, vm0, $0xb8;
	[tilespmem:$0x18100] =	vst v63  }
0x5f: {  	v3 =	vadd.s32 v1, v3;
	s24 =	simm.s32 $0x6900  }
0x60: {  	[tilespmem:s24], [sflag:$0x1] =	stream.indirect_vreg.gather [hbm4b:s4+s2], $0x80, v4, vm0, $0xb8;
	[tilespmem:$0x18100] =	vst v63  }
0x61: {  	s24 =	simm.s32 $0x7100  }
0x62: {  	[tilespmem:s24], [sflag:$0x1] =	stream.indirect_vreg.gather [hbm4b:s5+s2], $0x80, v4, vm0, $0xb8;
	[tilespmem:$0x18100] =	vst v63  }
0x63: {  	s24 =	simm.s32 $0x7900  }
0x64: {  	[tilespmem:s24], [sflag:$0x1] =	stream.indirect_vreg.gather [hbm4b:s1+s2], $0x80, v3, vm0, $0xb8;
	[tilespmem:$0x18100] =	vst v63  }
0x65: {  	s24 =	simm.s32 $0x8100  }
0x66: {  	[tilespmem:s24], [sflag:$0x1] =	stream.indirect_vreg.gather [hbm4b:s4+s2], $0x80, v3, vm0, $0xb8;
	[tilespmem:$0x18100] =	vst v63  }
0x67: {  	s24 =	simm.s32 $0x8900  }
0x68: {  	[tilespmem:s24], [sflag:$0x1] =	stream.indirect_vreg.gather [hbm4b:s5+s2], $0x80, v3, vm0, $0xb8;
	[tilespmem:$0x18100] =	vst v63  }
0x69: {  	v3 =	vld [tilespmem:$0x30];
	_ =	sdelay $0x4  }
0x6a: {  	v59 =	vshrl.u32 v3, $0x3  }
0x6b: {  	v4 =	vmul.u32 $0x30, v59  }
0x6c: {  	v3 =	vand.u32 $0x7, v3  }
0x6d: {  	v3 =	vor.u32 v3, v4  }
0x6e: {  	v4 =	vperm.xlane v3, v0;
	_ =	sdelay $0x1  }
0x6f: {  	v4 =	vadd.s32 v1, v4;
	_ =	sdelay $0x3  }
0x70: {  	s24 =	simm.s32 $0x9100;
	v3 =	vperm.xlane v3, v2  }
0x71: {  	[tilespmem:s24], [sflag:$0x1] =	stream.indirect_vreg.gather [hbm4b:s1+s2], $0x80, v4, vm0, $0xb8;
	[tilespmem:$0x18100] =	vst v63  }
0x72: {  	v3 =	vadd.s32 v1, v3;
	s24 =	simm.s32 $0x9900  }
0x73: {  	[tilespmem:s24], [sflag:$0x1] =	stream.indirect_vreg.gather [hbm4b:s4+s2], $0x80, v4, vm0, $0xb8;
	[tilespmem:$0x18100] =	vst v63  }
0x74: {  	s24 =	simm.s32 $0xA100  }
0x75: {  	[tilespmem:s24], [sflag:$0x1] =	stream.indirect_vreg.gather [hbm4b:s5+s2], $0x80, v4, vm0, $0xb8;
	[tilespmem:$0x18100] =	vst v63  }
0x76: {  	s24 =	simm.s32 $0xA900  }
0x77: {  	[tilespmem:s24], [sflag:$0x1] =	stream.indirect_vreg.gather [hbm4b:s1+s2], $0x80, v3, vm0, $0xb8;
	[tilespmem:$0x18100] =	vst v63  }
0x78: {  	s24 =	simm.s32 $0xB100  }
0x79: {  	[tilespmem:s24], [sflag:$0x1] =	stream.indirect_vreg.gather [hbm4b:s4+s2], $0x80, v3, vm0, $0xb8;
	[tilespmem:$0x18100] =	vst v63  }
0x7a: {  	s24 =	simm.s32 $0xB900  }
0x7b: {  	[tilespmem:s24], [sflag:$0x1] =	stream.indirect_vreg.gather [hbm4b:s5+s2], $0x80, v3, vm0, $0xb8;
	[tilespmem:$0x18100] =	vst v63  }
0x7c: {  	v3 =	vld [tilespmem:$0x80];
	_ =	sdelay $0x4  }
0x7d: {  	v60 =	vshrl.u32 v3, $0x3  }
0x7e: {  	v4 =	vmul.u32 $0x30, v60  }
0x7f: {  	v3 =	vand.u32 $0x7, v3  }
0x80: {  	v3 =	vor.u32 v3, v4  }
0x81: {  	v4 =	vperm.xlane v3, v0;
	_ =	sdelay $0x1  }
0x82: {  	v4 =	vadd.s32 v1, v4;
	_ =	sdelay $0x3  }
0x83: {  	v3 =	vperm.xlane v3, v2  }
0x84: {  	[tilespmem:s14], [sflag:$0x2] =	stream.indirect_vreg.gather [hbm4b:s1+s2], $0x80, v4, vm0, $0xb8;
	[tilespmem:$0x18100] =	vst v63  }
0x85: {  	s24 =	simm.s32 $0xC900;
	v3 =	vadd.s32 v1, v3  }
0x86: {  	[tilespmem:s24], [sflag:$0x2] =	stream.indirect_vreg.gather [hbm4b:s4+s2], $0x80, v4, vm0, $0xb8;
	[tilespmem:$0x18100] =	vst v63  }
0x87: {  	s24 =	simm.s32 $0xD100  }
0x88: {  	[tilespmem:s24], [sflag:$0x2] =	stream.indirect_vreg.gather [hbm4b:s5+s2], $0x80, v4, vm0, $0xb8;
	[tilespmem:$0x18100] =	vst v63  }
0x89: {  	s24 =	simm.s32 $0xD900  }
0x8a: {  	[tilespmem:s24], [sflag:$0x2] =	stream.indirect_vreg.gather [hbm4b:s1+s2], $0x80, v3, vm0, $0xb8;
	[tilespmem:$0x18100] =	vst v63  }
0x8b: {  	s24 =	simm.s32 $0xE100  }
0x8c: {  	[tilespmem:s24], [sflag:$0x2] =	stream.indirect_vreg.gather [hbm4b:s4+s2], $0x80, v3, vm0, $0xb8;
	[tilespmem:$0x18100] =	vst v63  }
0x8d: {  	s24 =	simm.s32 $0xE900  }
0x8e: {  	[tilespmem:s24], [sflag:$0x2] =	stream.indirect_vreg.gather [hbm4b:s5+s2], $0x80, v3, vm0, $0xb8;
	[tilespmem:$0x18100] =	vst v63  }
0x8f: {  	v3 =	vld [tilespmem:$0x90];
	_ =	sdelay $0x4  }
0x90: {  	v61 =	vshrl.u32 v3, $0x3  }
0x91: {  	v4 =	vmul.u32 $0x30, v61  }
0x92: {  	v3 =	vand.u32 $0x7, v3  }
0x93: {  	v3 =	vor.u32 v3, v4  }
0x94: {  	v4 =	vperm.xlane v3, v0;
	_ =	sdelay $0x1  }
0x95: {  	v4 =	vadd.s32 v1, v4;
	_ =	sdelay $0x3  }
0x96: {  	s24 =	simm.s32 $0xF100;
	v3 =	vperm.xlane v3, v2  }
0x97: {  	[tilespmem:s24], [sflag:$0x2] =	stream.indirect_vreg.gather [hbm4b:s1+s2], $0x80, v4, vm0, $0xb8;
	[tilespmem:$0x18100] =	vst v63  }
0x98: {  	v3 =	vadd.s32 v1, v3;
	s24 =	simm.s32 $0xF900  }
0x99: {  	[tilespmem:s24], [sflag:$0x2] =	stream.indirect_vreg.gather [hbm4b:s4+s2], $0x80, v4, vm0, $0xb8;
	[tilespmem:$0x18100] =	vst v63  }
0x9a: {  	s24 =	simm.s32 $0x10100  }
0x9b: {  	[tilespmem:s24], [sflag:$0x2] =	stream.indirect_vreg.gather [hbm4b:s5+s2], $0x80, v4, vm0, $0xb8;
	[tilespmem:$0x18100] =	vst v63  }
0x9c: {  	s24 =	simm.s32 $0x10900  }
0x9d: {  	[tilespmem:s24], [sflag:$0x2] =	stream.indirect_vreg.gather [hbm4b:s1+s2], $0x80, v3, vm0, $0xb8;
	[tilespmem:$0x18100] =	vst v63  }
0x9e: {  	s24 =	simm.s32 $0x11100  }
0x9f: {  	[tilespmem:s24], [sflag:$0x2] =	stream.indirect_vreg.gather [hbm4b:s4+s2], $0x80, v3, vm0, $0xb8;
	[tilespmem:$0x18100] =	vst v63  }
0xa0: {  	s24 =	simm.s32 $0x11900  }
0xa1: {  	[tilespmem:s24], [sflag:$0x2] =	stream.indirect_vreg.gather [hbm4b:s5+s2], $0x80, v3, vm0, $0xb8;
	[tilespmem:$0x18100] =	vst v63  }
0xa2: {  	v3 =	vld [tilespmem:$0xA0];
	_ =	sdelay $0x4  }
0xa3: {  	v62 =	vshrl.u32 v3, $0x3  }
0xa4: {  	v4 =	vmul.u32 $0x30, v62  }
0xa5: {  	v3 =	vand.u32 $0x7, v3  }
0xa6: {  	v3 =	vor.u32 v3, v4  }
0xa7: {  	v4 =	vperm.xlane v3, v0;
	_ =	sdelay $0x1  }
0xa8: {  	v4 =	vadd.s32 v1, v4;
	_ =	sdelay $0x3  }
0xa9: {  	v3 =	vperm.xlane v3, v2  }
0xaa: {  	[tilespmem:s26], [sflag:$0x2] =	stream.indirect_vreg.gather [hbm4b:s1+s2], $0x80, v4, vm0, $0xb8;
	[tilespmem:$0x18100] =	vst v63  }
0xab: {  	v3 =	vadd.s32 v1, v3  }
0xac: {  	[tilespmem:s28], [sflag:$0x2] =	stream.indirect_vreg.gather [hbm4b:s4+s2], $0x80, v4, vm0, $0xb8;
	[tilespmem:$0x18100] =	vst v63  }
0xad: {  	_ = 	snop  }
0xae: {  	[tilespmem:s29], [sflag:$0x2] =	stream.indirect_vreg.gather [hbm4b:s5+s2], $0x80, v4, vm0, $0xb8;
	[tilespmem:$0x18100] =	vst v63  }
0xaf: {  	_ = 	snop  }
0xb0: {  	[tilespmem:s30], [sflag:$0x2] =	stream.indirect_vreg.gather [hbm4b:s1+s2], $0x80, v3, vm0, $0xb8;
	[tilespmem:$0x18100] =	vst v63  }
0xb1: {  	_ = 	snop  }
0xb2: {  	[tilespmem:s31], [sflag:$0x2] =	stream.indirect_vreg.gather [hbm4b:s4+s2], $0x80, v3, vm0, $0xb8;
	[tilespmem:$0x18100] =	vst v63  }
0xb3: {  	_ = 	snop  }
0xb4: {  	[tilespmem:s0], [sflag:$0x2] =	stream.indirect_vreg.gather [hbm4b:s5+s2], $0x80, v3, vm0, $0xb8;
	[tilespmem:$0x18100] =	vst v63  }
0xb5: {  	v3 =	vld [tilespmem:$0xB0];
	_ =	sdelay $0x4  }
0xb6: {  	v63 =	vshrl.u32 v3, $0x3  }
0xb7: {  	v4 =	vmul.u32 $0x30, v63  }
0xb8: {  	v3 =	vand.u32 $0x7, v3  }
0xb9: {  	v3 =	vor.u32 v3, v4  }
0xba: {  	v4 =	vperm.xlane v3, v0;
	_ =	sdelay $0x1  }
0xbb: {  	v4 =	vadd.s32 v1, v4;
	_ =	sdelay $0x3  }
0xbc: {  	v3 =	vperm.xlane v3, v2  }
0xbd: {  	[tilespmem:s3], [sflag:$0x2] =	stream.indirect_vreg.gather [hbm4b:s1+s2], $0x80, v4, vm0, $0xb8;
	[tilespmem:$0x18100] =	vst v63  }
0xbe: {  	v3 =	vadd.s32 v1, v3  }
0xbf: {  	[tilespmem:s6], [sflag:$0x2] =	stream.indirect_vreg.gather [hbm4b:s4+s2], $0x80, v4, vm0, $0xb8;
	[tilespmem:$0x18100] =	vst v63  }
0xc0: {  	_ = 	snop  }
0xc1: {  	[tilespmem:s9], [sflag:$0x2] =	stream.indirect_vreg.gather [hbm4b:s5+s2], $0x80, v4, vm0, $0xb8;
	[tilespmem:$0x18100] =	vst v63  }
0xc2: {  	_ = 	snop  }
0xc3: {  	[tilespmem:s10], [sflag:$0x2] =	stream.indirect_vreg.gather [hbm4b:s1+s2], $0x80, v3, vm0, $0xb8;
	[tilespmem:$0x18100] =	vst v63  }
0xc4: {  	_ = 	snop  }
0xc5: {  	[tilespmem:s12], [sflag:$0x2] =	stream.indirect_vreg.gather [hbm4b:s4+s2], $0x80, v3, vm0, $0xb8;
	[tilespmem:$0x18100] =	vst v63  }
0xc6: {  	_ = 	snop  }
0xc7: {  	[tilespmem:s15], [sflag:$0x2] =	stream.indirect_vreg.gather [hbm4b:s5+s2], $0x80, v3, vm0, $0xb8;
	[tilespmem:$0x18100] =	vst v63  }
0xc8: {  	_ =	swait.ge [sflag:s16], $0xC000  }
0xc9: {  	[sflag:s16] =	ssyncset.done $0x0  }
0xca: {  	[sflag:s16] =	ssyncadd.s32 $0xFFFF4000  }
0xcb: {  	_ =	swait.ge [sflag:s17], $0xC000  }
0xcc: {  	[sflag:s17] =	ssyncset.done $0x0  }
0xcd: {  	s24 =	sadd.s32 $0xFFFFFD00, s21;
	[sflag:s17] =	ssyncadd.s32 $0xFFFF4000  }
0xce: {  	[hbm4b:s24+s18] =	stream.strided.scatter [tilespmem:s13], [sflag:$0x4], $0xC000, s19, s18, $0x38;
	[tilespmem:$0x18100] =	vst v63  }
0xcf: {  	_ =	swait.ge [sflag:s11], $0xC000  }
0xd0: {  	[sflag:s11] =	ssyncset.done $0x0  }
.Ltmp5:
0xd1: {  	[sflag:s11] =	ssyncadd.s32 $0xFFFF4000;
	(pc) =	sbr.rel .LBB2_4-.Ltmp5, $4  }
0xd2: {  	[hbm4b:s21+s18] =	stream.strided.scatter [tilespmem:s14], [sflag:$0x3], $0xC000, s19, s18, $0x38;
	[tilespmem:$0x18100] =	vst v63  }
0xd3: {  	_ =	swait.ge [sflag:s20], $0xC000  }
0xd4: {  	[sflag:s20] =	ssyncset.done $0x0  }
0xd5: {  	[sflag:s20] =	ssyncadd.s32 $0xFFFF4000  }
.LBB2_6:
0xd6: {  	_ =	sfence.sel $0x180000  }
0xd7: {  	[bflag:$0x0] =	sbarrier.arrive $0xFFFF  }
0xd8: {  	_ =	strace $0x90000047  }
0xd9: {  	s0 =	stileid.u32;
	[bflag:$0x2] =	sbarrier.arrive $0xFFFF  }
0xda: {  	p0 =	sne.s32 s0, $0x0;
	s0 =	rddreg [dreg:$0x4]  }
0xdb: {  	s0 =	sadd.s32 @!p0 $0x100000, s0  }
0xdc: {  	[sflag:s0] =	ssyncadd.tile.s32 @!p0 $0x1;
	_ =	shalt  }
.Lfunc_end2:
_tile_overlayer_lowered:
.L_overlay_start_2:
0xdd: {  	(tag) =	ssettag $0x2  }
0xde: {  	s0 =	rddreg [dreg:$0x0];
	s2 =	stileid.u32  }
0xdf: {  	s1 =	rddreg [dreg:$0x1];
	p0 =	sne.s32 s2, $0x0  }
0xe0: {  	s3 =	rddreg [dreg:$0x2];
	[bflag:$0x3] =	sbarrier.arrive $0xFFFF;
	s2 =	simm.s32 @!p0 $0x1C03  }
0xe1: {  	[timem:s3], [sflag:s2] =	dma.local @!p0 [hbm:s0], s1  }
0xe2: {  	s0 =	simm.s32 @!p0 $0x3  }
0xe3: {  	_ =	swait.ge @!p0 [sflag:s0], s1  }
0xe4: {  	s1 =	ssub.s32 @!p0 $0x0, s1;
	[sflag:s0] =	ssyncset.done @!p0 $0x0  }
0xe5: {  	[sflag:s0] =	ssyncadd.s32 @!p0 s1  }
0xe6: {  	[bflag:$0x3] =	sbarrier.arrive $0xFFFF  }
0xe7: {  	_ =	shalt  }

</sc_bundles>
